<compile_context>
chip_gen: v7x
topology: tpu7x:2x2x1
jax: 0.10.2.dev20260603
libtpu: 0.0.44.dev20260713+nightly
codegen_flags: <defaults>
</compile_context>

<pallas_src>
import functools

import jax
import jax.numpy as jnp
from jax import lax
from jax.experimental import pallas as pl
from jax.experimental.pallas import tpu as pltpu
from jax.experimental.pallas import tpu_sc as plsc

_L = 200
_E = 128
_NW = 32
_H = _L // 2
_NS = 3


def _maybe(cond, fn):
  if isinstance(cond, (bool, int)):
    if cond:
      fn()
  else:
    pl.when(cond)(fn)


def _build(batch):
  total = batch * _L
  cpw = total // (_NW * _L)
  assert cpw * _NW * _L == total and cpw > 2 * _NS

  mesh = plsc.VectorSubcoreMesh(core_axis_name="c", subcore_axis_name="s")

  @functools.partial(
      pl.kernel,
      mesh=mesh,
      out_type=jax.ShapeDtypeStruct((total, _E), jnp.float32),
      scratch_types=[
          pltpu.VMEM((_NS, 2, _H), jnp.int32),
          pltpu.VMEM((_NS, _L, _E), jnp.float32),
          pltpu.VMEM((_L, _E), jnp.float32),
          [pltpu.SemaphoreType.DMA] * _NS,
          [pltpu.SemaphoreType.DMA] * _NS,
          [pltpu.SemaphoreType.DMA] * _NS,
      ],
  )
  def k(idx_hbm, text_hbm, pos_hbm, out_hbm, idx_v, buf_v, pos_v,
        isem, gsem, ssem):
    wid = lax.axis_index("s") * 2 + lax.axis_index("c")
    base = wid * cpw

    pltpu.sync_copy(pos_hbm, pos_v)

    def idx_start(cl, s):
      pltpu.async_copy(idx_hbm.at[pl.ds(2 * (base + cl), 2)], idx_v.at[s],
                       isem[s])

    def idx_wait(cl, s):
      pltpu.make_async_copy(idx_hbm.at[pl.ds(2 * (base + cl), 2)],
                            idx_v.at[s], isem[s]).wait()

    def gather_start(cl, s):
      pltpu.async_copy(text_hbm.at[idx_v.at[s, 0]],
                       buf_v.at[s, pl.ds(0, _H)], gsem[s])
      pltpu.async_copy(text_hbm.at[idx_v.at[s, 1]],
                       buf_v.at[s, pl.ds(_H, _H)], gsem[s])

    def gather_wait(cl, s):
      pltpu.make_async_copy(text_hbm.at[idx_v.at[s, 0]],
                            buf_v.at[s, pl.ds(0, _H)], gsem[s]).wait()
      pltpu.make_async_copy(text_hbm.at[idx_v.at[s, 1]],
                            buf_v.at[s, pl.ds(_H, _H)], gsem[s]).wait()

    def store_start(cl, s):
      pltpu.async_copy(buf_v.at[s], out_hbm.at[pl.ds((base + cl) * _L, _L)],
                       ssem[s])

    def store_wait(cl, s):
      pltpu.make_async_copy(buf_v.at[s],
                            out_hbm.at[pl.ds((base + cl) * _L, _L)],
                            ssem[s]).wait()

    def add_pos(s):
      @pl.loop(0, _L, unroll=2)
      def _(r):
        for j in range(_E // 16):
          sl = pl.ds(j * 16, 16)
          plsc.addupdate(buf_v.at[s, r, sl], pos_v[r, sl])

    def step(cl, s):
      ns = (s + 1) % _NS
      nns = (s + 2) % _NS

      _maybe(cl + 2 < cpw, lambda: idx_start(cl + 2, nns))

      def _next():
        _maybe(cl >= _NS - 1, lambda: store_wait(cl - (_NS - 1), ns))
        idx_wait(cl + 1, ns)
        gather_start(cl + 1, ns)

      _maybe(cl + 1 < cpw, _next)

      gather_wait(cl, s)
      add_pos(s)
      store_start(cl, s)

    idx_start(0, 0)
    idx_wait(0, 0)
    gather_start(0, 0)
    idx_start(1, 1)

    body = cpw - cpw % _NS

    @pl.loop(0, body, step=_NS)
    def _(c0):
      for b in range(_NS):
        step(c0 + b, b)

    for cl in range(body, cpw):
      step(cl, cl % _NS)

    for cl in range(cpw - _NS, cpw):
      store_wait(cl, cl % _NS)

  return k


def kernel(inputs, text_table, pos_table):
  batch, seq = inputs.shape
  assert seq == _L and text_table.shape[1] == _E
  idx2d = inputs.reshape(batch * _L // _H, _H).astype(jnp.int32)
  out = _build(batch)(idx2d, text_table, pos_table)
  return out.reshape(batch, _L, _E)

# --- scband reference (transcript-rebuilt; emitter-appended) ---
"""Pipeline reference for scband-combined-encoding-6682969113139 (READ-ONLY COPY).

The authoritative reference and input builder live on the scoring server;
editing this copy changes nothing except your own understanding.
"""

import jax, jax.numpy as jnp
import numpy as np

VOCAB = 100000
MAX_LEN = 200
EMB = 128
BATCH = 4096

def setup_inputs(seed: int = 0) -> dict:
    key = jax.random.key(seed)
    k1, k2, k3 = jax.random.split(key, 3)
    inputs = jax.random.randint(k1, (BATCH, MAX_LEN), 0, VOCAB, dtype=jnp.int64 if jax.config.jax_enable_x64 else jnp.int32)
    text_table = jax.random.normal(k2, (VOCAB, EMB), dtype=jnp.float32) * 0.05
    pos_table = jax.random.normal(k3, (MAX_LEN, EMB), dtype=jnp.float32) * 0.05
    return {"inputs": inputs, "text_table": text_table, "pos_table": pos_table}

def reference(inputs, text_table, pos_table):
    seq_len = inputs.shape[-1]
    positions = jnp.arange(0, seq_len)
    pos_emb = jnp.take(pos_table, positions, axis=0)          # [L, E]
    tok_emb = jnp.take(text_table, inputs, axis=0)            # [B, L, E]
    output = tok_emb + pos_emb[None, :, :]
    return output

if __name__ == "__main__":
    import jax
    _d = setup_inputs()
    print(jax.jit(kernel)(*tuple(_d.values())))

</pallas_src>

<mosaic_0001>
#map = affine_map<(d0, d1) -> (0, 0)>
module attributes {stable_mosaic.version = 14 : i64} {
  func.func @k(%arg0: i32, %arg1: i32, %arg2: memref<8192x100xi32, #tpu.memory_space<hbm>>, %arg3: memref<100000x128xf32, #tpu.memory_space<hbm>>, %arg4: memref<200x128xf32, #tpu.memory_space<hbm>>, %arg5: memref<819200x128xf32, #tpu.memory_space<hbm>>, %arg6: memref<3x2x100xi32, #tpu.memory_space<vmem>>, %arg7: memref<3x200x128xf32, #tpu.memory_space<vmem>>, %arg8: memref<200x128xf32, #tpu.memory_space<vmem>>, %arg9: memref<!tpu.dma_semaphore, #tpu.memory_space<semaphore_mem>>, %arg10: memref<!tpu.dma_semaphore, #tpu.memory_space<semaphore_mem>>, %arg11: memref<!tpu.dma_semaphore, #tpu.memory_space<semaphore_mem>>, %arg12: memref<!tpu.dma_semaphore, #tpu.memory_space<semaphore_mem>>, %arg13: memref<!tpu.dma_semaphore, #tpu.memory_space<semaphore_mem>>, %arg14: memref<!tpu.dma_semaphore, #tpu.memory_space<semaphore_mem>>, %arg15: memref<!tpu.dma_semaphore, #tpu.memory_space<semaphore_mem>>, %arg16: memref<!tpu.dma_semaphore, #tpu.memory_space<semaphore_mem>>, %arg17: memref<!tpu.dma_semaphore, #tpu.memory_space<semaphore_mem>>) attributes {dimension_semantics = [#tpu.dimension_semantics<core_parallel>, #tpu.dimension_semantics<subcore_parallel>], iteration_bounds = array<i64: 2, 16>, scalar_prefetch = 0 : i64, scratch_operands = 12 : i64, tpu.core_type = #tpu.core_type<sc_vector_subcore>, window_params = [{transform_indices = #map}, {transform_indices = #map}, {transform_indices = #map}, {transform_indices = #map}]} {
    %mul3A = arith.constant 2 : i32
    %mul3A_0 = arith.muli %arg1, %mul3A : i32
    %add3A = arith.addi %mul3A_0, %arg0 : i32
    %mul3A_1 = arith.constant 128 : i32
    %mul3A_2 = arith.muli %add3A, %mul3A_1 : i32
    "tpu.region"() ({
      %run_scoped3A = tpu.sem_alloc : memref<!tpu.dma_semaphore, #tpu.memory_space<semaphore_mem>>
      tpu.enqueue_dma source(%arg4 : memref<200x128xf32, #tpu.memory_space<hbm>>) target(%arg8 : memref<200x128xf32, #tpu.memory_space<vmem>>) target_semaphore(%run_scoped3A : memref<!tpu.dma_semaphore, #tpu.memory_space<semaphore_mem>>)
      tpu.wait_dma2 semaphore(%run_scoped3A : memref<!tpu.dma_semaphore, #tpu.memory_space<semaphore_mem>>) src(%arg4 : memref<200x128xf32, #tpu.memory_space<hbm>>) dst(%arg8 : memref<200x128xf32, #tpu.memory_space<vmem>>)
      tpu.yield
    }) : () -> ()
    %add3A_3 = arith.constant 0 : i32
    %add3A_4 = arith.addi %mul3A_2, %add3A_3 : i32
    %mul3A_5 = arith.constant 2 : i32
    %mul3A_6 = arith.muli %mul3A_5, %add3A_4 : i32
    %dma_start3A = arith.constant 0 : i32
    %dma_start3A_7 = arith.constant 0 : i32
    %dma_start3A_8 = arith.constant 0 : i32
    %dma_start3A_9 = tpu.memref_slice %arg6[%dma_start3A, %dma_start3A_7, %dma_start3A_8] : memref<3x2x100xi32, #tpu.memory_space<vmem>> -> memref<1x2x100xi32, #tpu.memory_space<vmem>>
    %dma_start3A_10 = tpu.memref_squeeze %dma_start3A_9 : memref<1x2x100xi32, #tpu.memory_space<vmem>> -> memref<2x100xi32, #tpu.memory_space<vmem>>
    %dma_start3A_11 = arith.constant 0 : i32
    %dma_start3A_12 = tpu.memref_slice %arg2[%mul3A_6, %dma_start3A_11] : memref<8192x100xi32, #tpu.memory_space<hbm>> -> memref<2x100xi32, #tpu.memory_space<hbm>>
    %dma_start3A_13 = arith.constant 0 : i32
    %dma_start3A_14 = arith.constant 0 : i32
    %dma_start3A_15 = tpu.memref_slice %arg6[%dma_start3A, %dma_start3A_13, %dma_start3A_14] : memref<3x2x100xi32, #tpu.memory_space<vmem>> -> memref<1x2x100xi32, #tpu.memory_space<vmem>>
    %dma_start3A_16 = tpu.memref_squeeze %dma_start3A_15 : memref<1x2x100xi32, #tpu.memory_space<vmem>> -> memref<2x100xi32, #tpu.memory_space<vmem>>
    %dma_start3A_17 = arith.constant 0 : i32
    %dma_start3A_18 = tpu.memref_slice %arg2[%mul3A_6, %dma_start3A_17] : memref<8192x100xi32, #tpu.memory_space<hbm>> -> memref<2x100xi32, #tpu.memory_space<hbm>>
    tpu.enqueue_dma source(%dma_start3A_18 : memref<2x100xi32, #tpu.memory_space<hbm>>) target(%dma_start3A_16 : memref<2x100xi32, #tpu.memory_space<vmem>>) target_semaphore(%arg9 : memref<!tpu.dma_semaphore, #tpu.memory_space<semaphore_mem>>)
    %add3A_19 = arith.constant 0 : i32
    %add3A_20 = arith.addi %mul3A_2, %add3A_19 : i32
    %mul3A_21 = arith.constant 2 : i32
    %mul3A_22 = arith.muli %mul3A_21, %add3A_20 : i32
    %dma_wait3A = arith.constant 0 : i32
    %dma_wait3A_23 = arith.constant 0 : i32
    %dma_wait3A_24 = arith.constant 0 : i32
    %dma_wait3A_25 = tpu.memref_slice %arg6[%dma_wait3A, %dma_wait3A_23, %dma_wait3A_24] : memref<3x2x100xi32, #tpu.memory_space<vmem>> -> memref<1x2x100xi32, #tpu.memory_space<vmem>>
    %dma_wait3A_26 = tpu.memref_squeeze %dma_wait3A_25 : memref<1x2x100xi32, #tpu.memory_space<vmem>> -> memref<2x100xi32, #tpu.memory_space<vmem>>
    %dma_wait3A_27 = arith.constant 0 : i32
    %dma_wait3A_28 = tpu.memref_slice %arg2[%mul3A_22, %dma_wait3A_27] : memref<8192x100xi32, #tpu.memory_space<hbm>> -> memref<2x100xi32, #tpu.memory_space<hbm>>
    %dma_wait3A_29 = arith.constant 0 : i32
    %dma_wait3A_30 = arith.constant 0 : i32
    %dma_wait3A_31 = tpu.memref_slice %arg6[%dma_wait3A, %dma_wait3A_29, %dma_wait3A_30] : memref<3x2x100xi32, #tpu.memory_space<vmem>> -> memref<1x2x100xi32, #tpu.memory_space<vmem>>
    %dma_wait3A_32 = tpu.memref_squeeze %dma_wait3A_31 : memref<1x2x100xi32, #tpu.memory_space<vmem>> -> memref<2x100xi32, #tpu.memory_space<vmem>>
    %dma_wait3A_33 = arith.constant 0 : i32
    %dma_wait3A_34 = tpu.memref_slice %arg2[%mul3A_22, %dma_wait3A_33] : memref<8192x100xi32, #tpu.memory_space<hbm>> -> memref<2x100xi32, #tpu.memory_space<hbm>>
    tpu.wait_dma2 semaphore(%arg9 : memref<!tpu.dma_semaphore, #tpu.memory_space<semaphore_mem>>) src(%dma_wait3A_34 : memref<2x100xi32, #tpu.memory_space<hbm>>) dst(%dma_wait3A_32 : memref<2x100xi32, #tpu.memory_space<vmem>>)
    %dma_start3A_35 = arith.constant 0 : i32
    %dma_start3A_36 = arith.constant 0 : i32
    %dma_start3A_37 = arith.constant 0 : i32
    %dma_start3A_38 = arith.constant 0 : i32
    %dma_start3A_39 = arith.constant 0 : i32
    %dma_start3A_40 = tpu.memref_slice %arg7[%dma_start3A_37, %dma_start3A_38, %dma_start3A_39] : memref<3x200x128xf32, #tpu.memory_space<vmem>> -> memref<1x100x128xf32, #tpu.memory_space<vmem>>
    %dma_start3A_41 = tpu.memref_squeeze %dma_start3A_40 : memref<1x100x128xf32, #tpu.memory_space<vmem>> -> memref<100x128xf32, #tpu.memory_space<vmem>>
    %dma_start3A_42 = arith.constant 0 : i32
    %dma_start3A_43 = tpu.memref_slice %arg6[%dma_start3A_35, %dma_start3A_36, %dma_start3A_42] : memref<3x2x100xi32, #tpu.memory_space<vmem>> -> memref<1x1x100xi32, #tpu.memory_space<vmem>>
    %dma_start3A_44 = tpu.memref_squeeze %dma_start3A_43 : memref<1x1x100xi32, #tpu.memory_space<vmem>> -> memref<100xi32, #tpu.memory_space<vmem>>
    %dma_start3A_45 = arith.constant 0 : i32
    %dma_start3A_46 = arith.constant 0 : i32
    %dma_start3A_47 = tpu.memref_slice %arg3[%dma_start3A_45, %dma_start3A_46] : memref<100000x128xf32, #tpu.memory_space<hbm>> -> memref<100000x128xf32, #tpu.memory_space<hbm>>
    tpu.enqueue_indirect_dma source(%dma_start3A_47 : memref<100000x128xf32, #tpu.memory_space<hbm>>) target(%dma_start3A_41 : memref<100x128xf32, #tpu.memory_space<vmem>>) offsets(%dma_start3A_44 : memref<100xi32, #tpu.memory_space<vmem>>) semaphore(%arg12 : memref<!tpu.dma_semaphore, #tpu.memory_space<semaphore_mem>>)
    %dma_start3A_48 = arith.constant 0 : i32
    %dma_start3A_49 = arith.constant 1 : i32
    %dma_start3A_50 = arith.constant 0 : i32
    %dma_start3A_51 = arith.constant 100 : i32
    %dma_start3A_52 = arith.constant 0 : i32
    %dma_start3A_53 = tpu.memref_slice %arg7[%dma_start3A_50, %dma_start3A_51, %dma_start3A_52] : memref<3x200x128xf32, #tpu.memory_space<vmem>> -> memref<1x100x128xf32, #tpu.memory_space<vmem>>
    %dma_start3A_54 = tpu.memref_squeeze %dma_start3A_53 : memref<1x100x128xf32, #tpu.memory_space<vmem>> -> memref<100x128xf32, #tpu.memory_space<vmem>>
    %dma_start3A_55 = arith.constant 0 : i32
    %dma_start3A_56 = tpu.memref_slice %arg6[%dma_start3A_48, %dma_start3A_49, %dma_start3A_55] : memref<3x2x100xi32, #tpu.memory_space<vmem>> -> memref<1x1x100xi32, #tpu.memory_space<vmem>>
    %dma_start3A_57 = tpu.memref_squeeze %dma_start3A_56 : memref<1x1x100xi32, #tpu.memory_space<vmem>> -> memref<100xi32, #tpu.memory_space<vmem>>
    %dma_start3A_58 = arith.constant 0 : i32
    %dma_start3A_59 = arith.constant 0 : i32
    %dma_start3A_60 = tpu.memref_slice %arg3[%dma_start3A_58, %dma_start3A_59] : memref<100000x128xf32, #tpu.memory_space<hbm>> -> memref<100000x128xf32, #tpu.memory_space<hbm>>
    tpu.enqueue_indirect_dma source(%dma_start3A_60 : memref<100000x128xf32, #tpu.memory_space<hbm>>) target(%dma_start3A_54 : memref<100x128xf32, #tpu.memory_space<vmem>>) offsets(%dma_start3A_57 : memref<100xi32, #tpu.memory_space<vmem>>) semaphore(%arg12 : memref<!tpu.dma_semaphore, #tpu.memory_space<semaphore_mem>>)
    %add3A_61 = arith.constant 1 : i32
    %add3A_62 = arith.addi %mul3A_2, %add3A_61 : i32
    %mul3A_63 = arith.constant 2 : i32
    %mul3A_64 = arith.muli %mul3A_63, %add3A_62 : i32
    %dma_start3A_65 = arith.constant 1 : i32
    %dma_start3A_66 = arith.constant 0 : i32
    %dma_start3A_67 = arith.constant 0 : i32
    %dma_start3A_68 = tpu.memref_slice %arg6[%dma_start3A_65, %dma_start3A_66, %dma_start3A_67] : memref<3x2x100xi32, #tpu.memory_space<vmem>> -> memref<1x2x100xi32, #tpu.memory_space<vmem>>
    %dma_start3A_69 = tpu.memref_squeeze %dma_start3A_68 : memref<1x2x100xi32, #tpu.memory_space<vmem>> -> memref<2x100xi32, #tpu.memory_space<vmem>>
    %dma_start3A_70 = arith.constant 0 : i32
    %dma_start3A_71 = tpu.memref_slice %arg2[%mul3A_64, %dma_start3A_70] : memref<8192x100xi32, #tpu.memory_space<hbm>> -> memref<2x100xi32, #tpu.memory_space<hbm>>
    %dma_start3A_72 = arith.constant 0 : i32
    %dma_start3A_73 = arith.constant 0 : i32
    %dma_start3A_74 = tpu.memref_slice %arg6[%dma_start3A_65, %dma_start3A_72, %dma_start3A_73] : memref<3x2x100xi32, #tpu.memory_space<vmem>> -> memref<1x2x100xi32, #tpu.memory_space<vmem>>
    %dma_start3A_75 = tpu.memref_squeeze %dma_start3A_74 : memref<1x2x100xi32, #tpu.memory_space<vmem>> -> memref<2x100xi32, #tpu.memory_space<vmem>>
    %dma_start3A_76 = arith.constant 0 : i32
    %dma_start3A_77 = tpu.memref_slice %arg2[%mul3A_64, %dma_start3A_76] : memref<8192x100xi32, #tpu.memory_space<hbm>> -> memref<2x100xi32, #tpu.memory_space<hbm>>
    tpu.enqueue_dma source(%dma_start3A_77 : memref<2x100xi32, #tpu.memory_space<hbm>>) target(%dma_start3A_75 : memref<2x100xi32, #tpu.memory_space<vmem>>) target_semaphore(%arg10 : memref<!tpu.dma_semaphore, #tpu.memory_space<semaphore_mem>>)
    %scan3A = arith.constant 0 : i32
    %scan3A_78 = arith.constant 42 : i32
    %scan3A_79 = arith.addi %scan3A, %scan3A_78 : i32
    %scan3A_80 = arith.constant 1 : i32
    scf.for %scan3A_289 = %scan3A to %scan3A_79 step %scan3A_80  : i32 {
      %mul3A_290 = arith.constant 3 : i32
      %mul3A_291 = arith.muli %scan3A_289, %mul3A_290 : i32
      %add3A_292 = arith.constant 0 : i32
      %add3A_293 = arith.addi %add3A_292, %mul3A_291 : i32
      %add3A_294 = arith.constant 0 : i32
      %add3A_295 = arith.addi %add3A_293, %add3A_294 : i32
      %add3A_296 = arith.constant 2 : i32
      %add3A_297 = arith.addi %add3A_295, %add3A_296 : i32
      %lt3A = arith.constant 128 : i32
      %lt3A_298 = arith.cmpi slt, %add3A_297, %lt3A : i32
      %convert_element_type3A = arith.extui %lt3A_298 : i1 to i32
      %cond3A = arith.constant 0 : i32
      %cond3A_299 = arith.cmpi ne, %convert_element_type3A, %cond3A : i32
      scf.if %cond3A_299 {
        %add3A_480 = arith.constant 2 : i32
        %add3A_481 = arith.addi %add3A_295, %add3A_480 : i32
        %add3A_482 = arith.addi %mul3A_2, %add3A_481 : i32
        %mul3A_483 = arith.constant 2 : i32
        %mul3A_484 = arith.muli %mul3A_483, %add3A_482 : i32
        %dma_start3A_485 = arith.constant 2 : i32
        %dma_start3A_486 = arith.constant 0 : i32
        %dma_start3A_487 = arith.constant 0 : i32
        %dma_start3A_488 = tpu.memref_slice %arg6[%dma_start3A_485, %dma_start3A_486, %dma_start3A_487] : memref<3x2x100xi32, #tpu.memory_space<vmem>> -> memref<1x2x100xi32, #tpu.memory_space<vmem>>
        %dma_start3A_489 = tpu.memref_squeeze %dma_start3A_488 : memref<1x2x100xi32, #tpu.memory_space<vmem>> -> memref<2x100xi32, #tpu.memory_space<vmem>>
        %dma_start3A_490 = arith.constant 0 : i32
        %dma_start3A_491 = tpu.memref_slice %arg2[%mul3A_484, %dma_start3A_490] : memref<8192x100xi32, #tpu.memory_space<hbm>> -> memref<2x100xi32, #tpu.memory_space<hbm>>
        %dma_start3A_492 = arith.constant 0 : i32
        %dma_start3A_493 = arith.constant 0 : i32
        %dma_start3A_494 = tpu.memref_slice %arg6[%dma_start3A_485, %dma_start3A_492, %dma_start3A_493] : memref<3x2x100xi32, #tpu.memory_space<vmem>> -> memref<1x2x100xi32, #tpu.memory_space<vmem>>
        %dma_start3A_495 = tpu.memref_squeeze %dma_start3A_494 : memref<1x2x100xi32, #tpu.memory_space<vmem>> -> memref<2x100xi32, #tpu.memory_space<vmem>>
        %dma_start3A_496 = arith.constant 0 : i32
        %dma_start3A_497 = tpu.memref_slice %arg2[%mul3A_484, %dma_start3A_496] : memref<8192x100xi32, #tpu.memory_space<hbm>> -> memref<2x100xi32, #tpu.memory_space<hbm>>
        tpu.enqueue_dma source(%dma_start3A_497 : memref<2x100xi32, #tpu.memory_space<hbm>>) target(%dma_start3A_495 : memref<2x100xi32, #tpu.memory_space<vmem>>) target_semaphore(%arg11 : memref<!tpu.dma_semaphore, #tpu.memory_space<semaphore_mem>>)
      } else {
      }
      %add3A_300 = arith.constant 1 : i32
      %add3A_301 = arith.addi %add3A_295, %add3A_300 : i32
      %lt3A_302 = arith.constant 128 : i32
      %lt3A_303 = arith.cmpi slt, %add3A_301, %lt3A_302 : i32
      %convert_element_type3A_304 = arith.extui %lt3A_303 : i1 to i32
      %cond3A_305 = arith.constant 0 : i32
      %cond3A_306 = arith.cmpi ne, %convert_element_type3A_304, %cond3A_305 : i32
      scf.if %cond3A_306 {
        %ge3A = arith.constant 2 : i32
        %ge3A_480 = arith.cmpi sge, %add3A_295, %ge3A : i32
        %convert_element_type3A_481 = arith.extui %ge3A_480 : i1 to i32
        %cond3A_482 = arith.constant 0 : i32
        %cond3A_483 = arith.cmpi ne, %convert_element_type3A_481, %cond3A_482 : i32
        scf.if %cond3A_483 {
          %sub3A = arith.constant 2 : i32
          %sub3A_530 = arith.subi %add3A_295, %sub3A : i32
          %add3A_531 = arith.addi %mul3A_2, %sub3A_530 : i32
          %mul3A_532 = arith.constant 200 : i32
          %mul3A_533 = arith.muli %add3A_531, %mul3A_532 : i32
          %dma_wait3A_534 = arith.constant 1 : i32
          %dma_wait3A_535 = arith.constant 0 : i32
          %dma_wait3A_536 = arith.constant 0 : i32
          %dma_wait3A_537 = tpu.memref_slice %arg7[%dma_wait3A_534, %dma_wait3A_535, %dma_wait3A_536] : memref<3x200x128xf32, #tpu.memory_space<vmem>> -> memref<1x200x128xf32, #tpu.memory_space<vmem>>
          %dma_wait3A_538 = tpu.memref_squeeze %dma_wait3A_537 : memref<1x200x128xf32, #tpu.memory_space<vmem>> -> memref<200x128xf32, #tpu.memory_space<vmem>>
          %dma_wait3A_539 = arith.constant 0 : i32
          %dma_wait3A_540 = tpu.memref_slice %arg5[%mul3A_533, %dma_wait3A_539] : memref<819200x128xf32, #tpu.memory_space<hbm>> -> memref<200x128xf32, #tpu.memory_space<hbm>>
          %dma_wait3A_541 = arith.constant 0 : i32
          %dma_wait3A_542 = tpu.memref_slice %arg5[%mul3A_533, %dma_wait3A_541] : memref<819200x128xf32, #tpu.memory_space<hbm>> -> memref<200x128xf32, #tpu.memory_space<hbm>>
          %dma_wait3A_543 = arith.constant 0 : i32
          %dma_wait3A_544 = arith.constant 0 : i32
          %dma_wait3A_545 = tpu.memref_slice %arg7[%dma_wait3A_534, %dma_wait3A_543, %dma_wait3A_544] : memref<3x200x128xf32, #tpu.memory_space<vmem>> -> memref<1x200x128xf32, #tpu.memory_space<vmem>>
          %dma_wait3A_546 = tpu.memref_squeeze %dma_wait3A_545 : memref<1x200x128xf32, #tpu.memory_space<vmem>> -> memref<200x128xf32, #tpu.memory_space<vmem>>
          tpu.wait_dma2 semaphore(%arg16 : memref<!tpu.dma_semaphore, #tpu.memory_space<semaphore_mem>>) src(%dma_wait3A_546 : memref<200x128xf32, #tpu.memory_space<vmem>>) dst(%dma_wait3A_542 : memref<200x128xf32, #tpu.memory_space<hbm>>)
        } else {
        }
        %add3A_484 = arith.constant 1 : i32
        %add3A_485 = arith.addi %add3A_295, %add3A_484 : i32
        %add3A_486 = arith.addi %mul3A_2, %add3A_485 : i32
        %mul3A_487 = arith.constant 2 : i32
        %mul3A_488 = arith.muli %mul3A_487, %add3A_486 : i32
        %dma_wait3A_489 = arith.constant 1 : i32
        %dma_wait3A_490 = arith.constant 0 : i32
        %dma_wait3A_491 = arith.constant 0 : i32
        %dma_wait3A_492 = tpu.memref_slice %arg6[%dma_wait3A_489, %dma_wait3A_490, %dma_wait3A_491] : memref<3x2x100xi32, #tpu.memory_space<vmem>> -> memref<1x2x100xi32, #tpu.memory_space<vmem>>
        %dma_wait3A_493 = tpu.memref_squeeze %dma_wait3A_492 : memref<1x2x100xi32, #tpu.memory_space<vmem>> -> memref<2x100xi32, #tpu.memory_space<vmem>>
        %dma_wait3A_494 = arith.constant 0 : i32
        %dma_wait3A_495 = tpu.memref_slice %arg2[%mul3A_488, %dma_wait3A_494] : memref<8192x100xi32, #tpu.memory_space<hbm>> -> memref<2x100xi32, #tpu.memory_space<hbm>>
        %dma_wait3A_496 = arith.constant 0 : i32
        %dma_wait3A_497 = arith.constant 0 : i32
        %dma_wait3A_498 = tpu.memref_slice %arg6[%dma_wait3A_489, %dma_wait3A_496, %dma_wait3A_497] : memref<3x2x100xi32, #tpu.memory_space<vmem>> -> memref<1x2x100xi32, #tpu.memory_space<vmem>>
        %dma_wait3A_499 = tpu.memref_squeeze %dma_wait3A_498 : memref<1x2x100xi32, #tpu.memory_space<vmem>> -> memref<2x100xi32, #tpu.memory_space<vmem>>
        %dma_wait3A_500 = arith.constant 0 : i32
        %dma_wait3A_501 = tpu.memref_slice %arg2[%mul3A_488, %dma_wait3A_500] : memref<8192x100xi32, #tpu.memory_space<hbm>> -> memref<2x100xi32, #tpu.memory_space<hbm>>
        tpu.wait_dma2 semaphore(%arg10 : memref<!tpu.dma_semaphore, #tpu.memory_space<semaphore_mem>>) src(%dma_wait3A_501 : memref<2x100xi32, #tpu.memory_space<hbm>>) dst(%dma_wait3A_499 : memref<2x100xi32, #tpu.memory_space<vmem>>)
        %add3A_502 = arith.constant 1 : i32
        %add3A_503 = arith.addi %add3A_295, %add3A_502 : i32
        %dma_start3A_504 = arith.constant 1 : i32
        %dma_start3A_505 = arith.constant 0 : i32
        %dma_start3A_506 = arith.constant 1 : i32
        %dma_start3A_507 = arith.constant 0 : i32
        %dma_start3A_508 = arith.constant 0 : i32
        %dma_start3A_509 = tpu.memref_slice %arg7[%dma_start3A_506, %dma_start3A_507, %dma_start3A_508] : memref<3x200x128xf32, #tpu.memory_space<vmem>> -> memref<1x100x128xf32, #tpu.memory_space<vmem>>
        %dma_start3A_510 = tpu.memref_squeeze %dma_start3A_509 : memref<1x100x128xf32, #tpu.memory_space<vmem>> -> memref<100x128xf32, #tpu.memory_space<vmem>>
        %dma_start3A_511 = arith.constant 0 : i32
        %dma_start3A_512 = tpu.memref_slice %arg6[%dma_start3A_504, %dma_start3A_505, %dma_start3A_511] : memref<3x2x100xi32, #tpu.memory_space<vmem>> -> memref<1x1x100xi32, #tpu.memory_space<vmem>>
        %dma_start3A_513 = tpu.memref_squeeze %dma_start3A_512 : memref<1x1x100xi32, #tpu.memory_space<vmem>> -> memref<100xi32, #tpu.memory_space<vmem>>
        %dma_start3A_514 = arith.constant 0 : i32
        %dma_start3A_515 = arith.constant 0 : i32
        %dma_start3A_516 = tpu.memref_slice %arg3[%dma_start3A_514, %dma_start3A_515] : memref<100000x128xf32, #tpu.memory_space<hbm>> -> memref<100000x128xf32, #tpu.memory_space<hbm>>
        tpu.enqueue_indirect_dma source(%dma_start3A_516 : memref<100000x128xf32, #tpu.memory_space<hbm>>) target(%dma_start3A_510 : memref<100x128xf32, #tpu.memory_space<vmem>>) offsets(%dma_start3A_513 : memref<100xi32, #tpu.memory_space<vmem>>) semaphore(%arg13 : memref<!tpu.dma_semaphore, #tpu.memory_space<semaphore_mem>>)
        %dma_start3A_517 = arith.constant 1 : i32
        %dma_start3A_518 = arith.constant 1 : i32
        %dma_start3A_519 = arith.constant 1 : i32
        %dma_start3A_520 = arith.constant 100 : i32
        %dma_start3A_521 = arith.constant 0 : i32
        %dma_start3A_522 = tpu.memref_slice %arg7[%dma_start3A_519, %dma_start3A_520, %dma_start3A_521] : memref<3x200x128xf32, #tpu.memory_space<vmem>> -> memref<1x100x128xf32, #tpu.memory_space<vmem>>
        %dma_start3A_523 = tpu.memref_squeeze %dma_start3A_522 : memref<1x100x128xf32, #tpu.memory_space<vmem>> -> memref<100x128xf32, #tpu.memory_space<vmem>>
        %dma_start3A_524 = arith.constant 0 : i32
        %dma_start3A_525 = tpu.memref_slice %arg6[%dma_start3A_517, %dma_start3A_518, %dma_start3A_524] : memref<3x2x100xi32, #tpu.memory_space<vmem>> -> memref<1x1x100xi32, #tpu.memory_space<vmem>>
        %dma_start3A_526 = tpu.memref_squeeze %dma_start3A_525 : memref<1x1x100xi32, #tpu.memory_space<vmem>> -> memref<100xi32, #tpu.memory_space<vmem>>
        %dma_start3A_527 = arith.constant 0 : i32
        %dma_start3A_528 = arith.constant 0 : i32
        %dma_start3A_529 = tpu.memref_slice %arg3[%dma_start3A_527, %dma_start3A_528] : memref<100000x128xf32, #tpu.memory_space<hbm>> -> memref<100000x128xf32, #tpu.memory_space<hbm>>
        tpu.enqueue_indirect_dma source(%dma_start3A_529 : memref<100000x128xf32, #tpu.memory_space<hbm>>) target(%dma_start3A_523 : memref<100x128xf32, #tpu.memory_space<vmem>>) offsets(%dma_start3A_526 : memref<100xi32, #tpu.memory_space<vmem>>) semaphore(%arg13 : memref<!tpu.dma_semaphore, #tpu.memory_space<semaphore_mem>>)
      } else {
      }
      %dma_wait3A_307 = arith.constant 0 : i32
      %dma_wait3A_308 = arith.constant 0 : i32
      %dma_wait3A_309 = arith.constant 0 : i32
      %dma_wait3A_310 = arith.constant 0 : i32
      %dma_wait3A_311 = arith.constant 0 : i32
      %dma_wait3A_312 = tpu.memref_slice %arg7[%dma_wait3A_309, %dma_wait3A_310, %dma_wait3A_311] : memref<3x200x128xf32, #tpu.memory_space<vmem>> -> memref<1x100x128xf32, #tpu.memory_space<vmem>>
      %dma_wait3A_313 = tpu.memref_squeeze %dma_wait3A_312 : memref<1x100x128xf32, #tpu.memory_space<vmem>> -> memref<100x128xf32, #tpu.memory_space<vmem>>
      %dma_wait3A_314 = arith.constant 0 : i32
      %dma_wait3A_315 = tpu.memref_slice %arg6[%dma_wait3A_307, %dma_wait3A_308, %dma_wait3A_314] : memref<3x2x100xi32, #tpu.memory_space<vmem>> -> memref<1x1x100xi32, #tpu.memory_space<vmem>>
      %dma_wait3A_316 = tpu.memref_squeeze %dma_wait3A_315 : memref<1x1x100xi32, #tpu.memory_space<vmem>> -> memref<100xi32, #tpu.memory_space<vmem>>
      %dma_wait3A_317 = arith.constant 0 : i32
      %dma_wait3A_318 = arith.constant 0 : i32
      %dma_wait3A_319 = tpu.memref_slice %arg3[%dma_wait3A_317, %dma_wait3A_318] : memref<100000x128xf32, #tpu.memory_space<hbm>> -> memref<100000x128xf32, #tpu.memory_space<hbm>>
      tpu.wait_indirect_dma semaphore(%arg12 : memref<!tpu.dma_semaphore, #tpu.memory_space<semaphore_mem>>) src(%dma_wait3A_319 : memref<100000x128xf32, #tpu.memory_space<hbm>>) dst(%dma_wait3A_313 : memref<100x128xf32, #tpu.memory_space<vmem>>)
      %dma_wait3A_320 = arith.constant 0 : i32
      %dma_wait3A_321 = arith.constant 1 : i32
      %dma_wait3A_322 = arith.constant 0 : i32
      %dma_wait3A_323 = arith.constant 100 : i32
      %dma_wait3A_324 = arith.constant 0 : i32
      %dma_wait3A_325 = tpu.memref_slice %arg7[%dma_wait3A_322, %dma_wait3A_323, %dma_wait3A_324] : memref<3x200x128xf32, #tpu.memory_space<vmem>> -> memref<1x100x128xf32, #tpu.memory_space<vmem>>
      %dma_wait3A_326 = tpu.memref_squeeze %dma_wait3A_325 : memref<1x100x128xf32, #tpu.memory_space<vmem>> -> memref<100x128xf32, #tpu.memory_space<vmem>>
      %dma_wait3A_327 = arith.constant 0 : i32
      %dma_wait3A_328 = tpu.memref_slice %arg6[%dma_wait3A_320, %dma_wait3A_321, %dma_wait3A_327] : memref<3x2x100xi32, #tpu.memory_space<vmem>> -> memref<1x1x100xi32, #tpu.memory_space<vmem>>
      %dma_wait3A_329 = tpu.memref_squeeze %dma_wait3A_328 : memref<1x1x100xi32, #tpu.memory_space<vmem>> -> memref<100xi32, #tpu.memory_space<vmem>>
      %dma_wait3A_330 = arith.constant 0 : i32
      %dma_wait3A_331 = arith.constant 0 : i32
      %dma_wait3A_332 = tpu.memref_slice %arg3[%dma_wait3A_330, %dma_wait3A_331] : memref<100000x128xf32, #tpu.memory_space<hbm>> -> memref<100000x128xf32, #tpu.memory_space<hbm>>
      tpu.wait_indirect_dma semaphore(%arg12 : memref<!tpu.dma_semaphore, #tpu.memory_space<semaphore_mem>>) src(%dma_wait3A_332 : memref<100000x128xf32, #tpu.memory_space<hbm>>) dst(%dma_wait3A_326 : memref<100x128xf32, #tpu.memory_space<vmem>>)
      %scan3A_333 = arith.constant 0 : i32
      %scan3A_334 = arith.constant 200 : i32
      %scan3A_335 = arith.addi %scan3A_333, %scan3A_334 : i32
      %scan3A_336 = arith.constant 2 : i32
      scf.for %scan3A_480 = %scan3A_333 to %scan3A_335 step %scan3A_336  : i32 {
        %mul3A_481 = arith.constant 1 : i32
        %mul3A_482 = arith.muli %scan3A_480, %mul3A_481 : i32
        %add3A_483 = arith.constant 0 : i32
        %add3A_484 = arith.addi %add3A_483, %mul3A_482 : i32
        %get3A = arith.index_cast %add3A_484 : i32 to index
        %get3A_485 = arith.constant 0 : index
        %get3A_486 = tpu.vector_load %arg8[%get3A, %get3A_485] {strides = array<i32>} : memref<200x128xf32, #tpu.memory_space<vmem>>, vector<1x16xf32>,
        %get3A_487 = vector.shape_cast %get3A_486 : vector<1x16xf32> to vector<16xf32>
        %swap3A = arith.constant 0 : i32
        %swap3A_488 = arith.index_cast %swap3A : i32 to index
        %swap3A_489 = arith.index_cast %add3A_484 : i32 to index
        %swap3A_490 = arith.constant 0 : index
        %swap3A_491 = tpu.vector_load %arg7[%swap3A_488, %swap3A_489, %swap3A_490] {strides = array<i32>} : memref<3x200x128xf32, #tpu.memory_space<vmem>>, vector<1x1x16xf32>,
        %swap3A_492 = vector.shape_cast %swap3A_491 : vector<1x1x16xf32> to vector<16xf32>
        %swap3A_493 = vector.shape_cast %get3A_487 : vector<16xf32> to vector<1x1x16xf32>
        tpu.vector_store %arg7[%swap3A_488, %swap3A_489, %swap3A_490], %swap3A_493 {add = true, strides = array<i32>} : memref<3x200x128xf32, #tpu.memory_space<vmem>>, vector<1x1x16xf32>,
        %get3A_494 = arith.index_cast %add3A_484 : i32 to index
        %get3A_495 = arith.constant 16 : index
        %get3A_496 = tpu.vector_load %arg8[%get3A_494, %get3A_495] {strides = array<i32>} : memref<200x128xf32, #tpu.memory_space<vmem>>, vector<1x16xf32>,
        %get3A_497 = vector.shape_cast %get3A_496 : vector<1x16xf32> to vector<16xf32>
        %swap3A_498 = arith.constant 0 : i32
        %swap3A_499 = arith.index_cast %swap3A_498 : i32 to index
        %swap3A_500 = arith.index_cast %add3A_484 : i32 to index
        %swap3A_501 = arith.constant 16 : index
        %swap3A_502 = tpu.vector_load %arg7[%swap3A_499, %swap3A_500, %swap3A_501] {strides = array<i32>} : memref<3x200x128xf32, #tpu.memory_space<vmem>>, vector<1x1x16xf32>,
        %swap3A_503 = vector.shape_cast %swap3A_502 : vector<1x1x16xf32> to vector<16xf32>
        %swap3A_504 = vector.shape_cast %get3A_497 : vector<16xf32> to vector<1x1x16xf32>
        tpu.vector_store %arg7[%swap3A_499, %swap3A_500, %swap3A_501], %swap3A_504 {add = true, strides = array<i32>} : memref<3x200x128xf32, #tpu.memory_space<vmem>>, vector<1x1x16xf32>,
        %get3A_505 = arith.index_cast %add3A_484 : i32 to index
        %get3A_506 = arith.constant 32 : index
        %get3A_507 = tpu.vector_load %arg8[%get3A_505, %get3A_506] {strides = array<i32>} : memref<200x128xf32, #tpu.memory_space<vmem>>, vector<1x16xf32>,
        %get3A_508 = vector.shape_cast %get3A_507 : vector<1x16xf32> to vector<16xf32>
        %swap3A_509 = arith.constant 0 : i32
        %swap3A_510 = arith.index_cast %swap3A_509 : i32 to index
        %swap3A_511 = arith.index_cast %add3A_484 : i32 to index
        %swap3A_512 = arith.constant 32 : index
        %swap3A_513 = tpu.vector_load %arg7[%swap3A_510, %swap3A_511, %swap3A_512] {strides = array<i32>} : memref<3x200x128xf32, #tpu.memory_space<vmem>>, vector<1x1x16xf32>,
        %swap3A_514 = vector.shape_cast %swap3A_513 : vector<1x1x16xf32> to vector<16xf32>
        %swap3A_515 = vector.shape_cast %get3A_508 : vector<16xf32> to vector<1x1x16xf32>
        tpu.vector_store %arg7[%swap3A_510, %swap3A_511, %swap3A_512], %swap3A_515 {add = true, strides = array<i32>} : memref<3x200x128xf32, #tpu.memory_space<vmem>>, vector<1x1x16xf32>,
        %get3A_516 = arith.index_cast %add3A_484 : i32 to index
        %get3A_517 = arith.constant 48 : index
        %get3A_518 = tpu.vector_load %arg8[%get3A_516, %get3A_517] {strides = array<i32>} : memref<200x128xf32, #tpu.memory_space<vmem>>, vector<1x16xf32>,
        %get3A_519 = vector.shape_cast %get3A_518 : vector<1x16xf32> to vector<16xf32>
        %swap3A_520 = arith.constant 0 : i32
        %swap3A_521 = arith.index_cast %swap3A_520 : i32 to index
        %swap3A_522 = arith.index_cast %add3A_484 : i32 to index
        %swap3A_523 = arith.constant 48 : index
        %swap3A_524 = tpu.vector_load %arg7[%swap3A_521, %swap3A_522, %swap3A_523] {strides = array<i32>} : memref<3x200x128xf32, #tpu.memory_space<vmem>>, vector<1x1x16xf32>,
        %swap3A_525 = vector.shape_cast %swap3A_524 : vector<1x1x16xf32> to vector<16xf32>
        %swap3A_526 = vector.shape_cast %get3A_519 : vector<16xf32> to vector<1x1x16xf32>
        tpu.vector_store %arg7[%swap3A_521, %swap3A_522, %swap3A_523], %swap3A_526 {add = true, strides = array<i32>} : memref<3x200x128xf32, #tpu.memory_space<vmem>>, vector<1x1x16xf32>,
        %get3A_527 = arith.index_cast %add3A_484 : i32 to index
        %get3A_528 = arith.constant 64 : index
        %get3A_529 = tpu.vector_load %arg8[%get3A_527, %get3A_528] {strides = array<i32>} : memref<200x128xf32, #tpu.memory_space<vmem>>, vector<1x16xf32>,
        %get3A_530 = vector.shape_cast %get3A_529 : vector<1x16xf32> to vector<16xf32>
        %swap3A_531 = arith.constant 0 : i32
        %swap3A_532 = arith.index_cast %swap3A_531 : i32 to index
        %swap3A_533 = arith.index_cast %add3A_484 : i32 to index
        %swap3A_534 = arith.constant 64 : index
        %swap3A_535 = tpu.vector_load %arg7[%swap3A_532, %swap3A_533, %swap3A_534] {strides = array<i32>} : memref<3x200x128xf32, #tpu.memory_space<vmem>>, vector<1x1x16xf32>,
        %swap3A_536 = vector.shape_cast %swap3A_535 : vector<1x1x16xf32> to vector<16xf32>
        %swap3A_537 = vector.shape_cast %get3A_530 : vector<16xf32> to vector<1x1x16xf32>
        tpu.vector_store %arg7[%swap3A_532, %swap3A_533, %swap3A_534], %swap3A_537 {add = true, strides = array<i32>} : memref<3x200x128xf32, #tpu.memory_space<vmem>>, vector<1x1x16xf32>,
        %get3A_538 = arith.index_cast %add3A_484 : i32 to index
        %get3A_539 = arith.constant 80 : index
        %get3A_540 = tpu.vector_load %arg8[%get3A_538, %get3A_539] {strides = array<i32>} : memref<200x128xf32, #tpu.memory_space<vmem>>, vector<1x16xf32>,
        %get3A_541 = vector.shape_cast %get3A_540 : vector<1x16xf32> to vector<16xf32>
        %swap3A_542 = arith.constant 0 : i32
        %swap3A_543 = arith.index_cast %swap3A_542 : i32 to index
        %swap3A_544 = arith.index_cast %add3A_484 : i32 to index
        %swap3A_545 = arith.constant 80 : index
        %swap3A_546 = tpu.vector_load %arg7[%swap3A_543, %swap3A_544, %swap3A_545] {strides = array<i32>} : memref<3x200x128xf32, #tpu.memory_space<vmem>>, vector<1x1x16xf32>,
        %swap3A_547 = vector.shape_cast %swap3A_546 : vector<1x1x16xf32> to vector<16xf32>
        %swap3A_548 = vector.shape_cast %get3A_541 : vector<16xf32> to vector<1x1x16xf32>
        tpu.vector_store %arg7[%swap3A_543, %swap3A_544, %swap3A_545], %swap3A_548 {add = true, strides = array<i32>} : memref<3x200x128xf32, #tpu.memory_space<vmem>>, vector<1x1x16xf32>,
        %get3A_549 = arith.index_cast %add3A_484 : i32 to index
        %get3A_550 = arith.constant 96 : index
        %get3A_551 = tpu.vector_load %arg8[%get3A_549, %get3A_550] {strides = array<i32>} : memref<200x128xf32, #tpu.memory_space<vmem>>, vector<1x16xf32>,
        %get3A_552 = vector.shape_cast %get3A_551 : vector<1x16xf32> to vector<16xf32>
        %swap3A_553 = arith.constant 0 : i32
        %swap3A_554 = arith.index_cast %swap3A_553 : i32 to index
        %swap3A_555 = arith.index_cast %add3A_484 : i32 to index
        %swap3A_556 = arith.constant 96 : index
        %swap3A_557 = tpu.vector_load %arg7[%swap3A_554, %swap3A_555, %swap3A_556] {strides = array<i32>} : memref<3x200x128xf32, #tpu.memory_space<vmem>>, vector<1x1x16xf32>,
        %swap3A_558 = vector.shape_cast %swap3A_557 : vector<1x1x16xf32> to vector<16xf32>
        %swap3A_559 = vector.shape_cast %get3A_552 : vector<16xf32> to vector<1x1x16xf32>
        tpu.vector_store %arg7[%swap3A_554, %swap3A_555, %swap3A_556], %swap3A_559 {add = true, strides = array<i32>} : memref<3x200x128xf32, #tpu.memory_space<vmem>>, vector<1x1x16xf32>,
        %get3A_560 = arith.index_cast %add3A_484 : i32 to index
        %get3A_561 = arith.constant 112 : index
        %get3A_562 = tpu.vector_load %arg8[%get3A_560, %get3A_561] {strides = array<i32>} : memref<200x128xf32, #tpu.memory_space<vmem>>, vector<1x16xf32>,
        %get3A_563 = vector.shape_cast %get3A_562 : vector<1x16xf32> to vector<16xf32>
        %swap3A_564 = arith.constant 0 : i32
        %swap3A_565 = arith.index_cast %swap3A_564 : i32 to index
        %swap3A_566 = arith.index_cast %add3A_484 : i32 to index
        %swap3A_567 = arith.constant 112 : index
        %swap3A_568 = tpu.vector_load %arg7[%swap3A_565, %swap3A_566, %swap3A_567] {strides = array<i32>} : memref<3x200x128xf32, #tpu.memory_space<vmem>>, vector<1x1x16xf32>,
        %swap3A_569 = vector.shape_cast %swap3A_568 : vector<1x1x16xf32> to vector<16xf32>
        %swap3A_570 = vector.shape_cast %get3A_563 : vector<16xf32> to vector<1x1x16xf32>
        tpu.vector_store %arg7[%swap3A_565, %swap3A_566, %swap3A_567], %swap3A_570 {add = true, strides = array<i32>} : memref<3x200x128xf32, #tpu.memory_space<vmem>>, vector<1x1x16xf32>,
        %scan3A_571 = arith.constant 1 : i32
        %scan3A_572 = arith.addi %scan3A_480, %scan3A_571 : i32
        %mul3A_573 = arith.constant 1 : i32
        %mul3A_574 = arith.muli %scan3A_572, %mul3A_573 : i32
        %add3A_575 = arith.constant 0 : i32
        %add3A_576 = arith.addi %add3A_575, %mul3A_574 : i32
        %get3A_577 = arith.index_cast %add3A_576 : i32 to index
        %get3A_578 = arith.constant 0 : index
        %get3A_579 = tpu.vector_load %arg8[%get3A_577, %get3A_578] {strides = array<i32>} : memref<200x128xf32, #tpu.memory_space<vmem>>, vector<1x16xf32>,
        %get3A_580 = vector.shape_cast %get3A_579 : vector<1x16xf32> to vector<16xf32>
        %swap3A_581 = arith.constant 0 : i32
        %swap3A_582 = arith.index_cast %swap3A_581 : i32 to index
        %swap3A_583 = arith.index_cast %add3A_576 : i32 to index
        %swap3A_584 = arith.constant 0 : index
        %swap3A_585 = tpu.vector_load %arg7[%swap3A_582, %swap3A_583, %swap3A_584] {strides = array<i32>} : memref<3x200x128xf32, #tpu.memory_space<vmem>>, vector<1x1x16xf32>,
        %swap3A_586 = vector.shape_cast %swap3A_585 : vector<1x1x16xf32> to vector<16xf32>
        %swap3A_587 = vector.shape_cast %get3A_580 : vector<16xf32> to vector<1x1x16xf32>
        tpu.vector_store %arg7[%swap3A_582, %swap3A_583, %swap3A_584], %swap3A_587 {add = true, strides = array<i32>} : memref<3x200x128xf32, #tpu.memory_space<vmem>>, vector<1x1x16xf32>,
        %get3A_588 = arith.index_cast %add3A_576 : i32 to index
        %get3A_589 = arith.constant 16 : index
        %get3A_590 = tpu.vector_load %arg8[%get3A_588, %get3A_589] {strides = array<i32>} : memref<200x128xf32, #tpu.memory_space<vmem>>, vector<1x16xf32>,
        %get3A_591 = vector.shape_cast %get3A_590 : vector<1x16xf32> to vector<16xf32>
        %swap3A_592 = arith.constant 0 : i32
        %swap3A_593 = arith.index_cast %swap3A_592 : i32 to index
        %swap3A_594 = arith.index_cast %add3A_576 : i32 to index
        %swap3A_595 = arith.constant 16 : index
        %swap3A_596 = tpu.vector_load %arg7[%swap3A_593, %swap3A_594, %swap3A_595] {strides = array<i32>} : memref<3x200x128xf32, #tpu.memory_space<vmem>>, vector<1x1x16xf32>,
        %swap3A_597 = vector.shape_cast %swap3A_596 : vector<1x1x16xf32> to vector<16xf32>
        %swap3A_598 = vector.shape_cast %get3A_591 : vector<16xf32> to vector<1x1x16xf32>
        tpu.vector_store %arg7[%swap3A_593, %swap3A_594, %swap3A_595], %swap3A_598 {add = true, strides = array<i32>} : memref<3x200x128xf32, #tpu.memory_space<vmem>>, vector<1x1x16xf32>,
        %get3A_599 = arith.index_cast %add3A_576 : i32 to index
        %get3A_600 = arith.constant 32 : index
        %get3A_601 = tpu.vector_load %arg8[%get3A_599, %get3A_600] {strides = array<i32>} : memref<200x128xf32, #tpu.memory_space<vmem>>, vector<1x16xf32>,
        %get3A_602 = vector.shape_cast %get3A_601 : vector<1x16xf32> to vector<16xf32>
        %swap3A_603 = arith.constant 0 : i32
        %swap3A_604 = arith.index_cast %swap3A_603 : i32 to index
        %swap3A_605 = arith.index_cast %add3A_576 : i32 to index
        %swap3A_606 = arith.constant 32 : index
        %swap3A_607 = tpu.vector_load %arg7[%swap3A_604, %swap3A_605, %swap3A_606] {strides = array<i32>} : memref<3x200x128xf32, #tpu.memory_space<vmem>>, vector<1x1x16xf32>,
        %swap3A_608 = vector.shape_cast %swap3A_607 : vector<1x1x16xf32> to vector<16xf32>
        %swap3A_609 = vector.shape_cast %get3A_602 : vector<16xf32> to vector<1x1x16xf32>
        tpu.vector_store %arg7[%swap3A_604, %swap3A_605, %swap3A_606], %swap3A_609 {add = true, strides = array<i32>} : memref<3x200x128xf32, #tpu.memory_space<vmem>>, vector<1x1x16xf32>,
        %get3A_610 = arith.index_cast %add3A_576 : i32 to index
        %get3A_611 = arith.constant 48 : index
        %get3A_612 = tpu.vector_load %arg8[%get3A_610, %get3A_611] {strides = array<i32>} : memref<200x128xf32, #tpu.memory_space<vmem>>, vector<1x16xf32>,
        %get3A_613 = vector.shape_cast %get3A_612 : vector<1x16xf32> to vector<16xf32>
        %swap3A_614 = arith.constant 0 : i32
        %swap3A_615 = arith.index_cast %swap3A_614 : i32 to index
        %swap3A_616 = arith.index_cast %add3A_576 : i32 to index
        %swap3A_617 = arith.constant 48 : index
        %swap3A_618 = tpu.vector_load %arg7[%swap3A_615, %swap3A_616, %swap3A_617] {strides = array<i32>} : memref<3x200x128xf32, #tpu.memory_space<vmem>>, vector<1x1x16xf32>,
        %swap3A_619 = vector.shape_cast %swap3A_618 : vector<1x1x16xf32> to vector<16xf32>
        %swap3A_620 = vector.shape_cast %get3A_613 : vector<16xf32> to vector<1x1x16xf32>
        tpu.vector_store %arg7[%swap3A_615, %swap3A_616, %swap3A_617], %swap3A_620 {add = true, strides = array<i32>} : memref<3x200x128xf32, #tpu.memory_space<vmem>>, vector<1x1x16xf32>,
        %get3A_621 = arith.index_cast %add3A_576 : i32 to index
        %get3A_622 = arith.constant 64 : index
        %get3A_623 = tpu.vector_load %arg8[%get3A_621, %get3A_622] {strides = array<i32>} : memref<200x128xf32, #tpu.memory_space<vmem>>, vector<1x16xf32>,
        %get3A_624 = vector.shape_cast %get3A_623 : vector<1x16xf32> to vector<16xf32>
        %swap3A_625 = arith.constant 0 : i32
        %swap3A_626 = arith.index_cast %swap3A_625 : i32 to index
        %swap3A_627 = arith.index_cast %add3A_576 : i32 to index
        %swap3A_628 = arith.constant 64 : index
        %swap3A_629 = tpu.vector_load %arg7[%swap3A_626, %swap3A_627, %swap3A_628] {strides = array<i32>} : memref<3x200x128xf32, #tpu.memory_space<vmem>>, vector<1x1x16xf32>,
        %swap3A_630 = vector.shape_cast %swap3A_629 : vector<1x1x16xf32> to vector<16xf32>
        %swap3A_631 = vector.shape_cast %get3A_624 : vector<16xf32> to vector<1x1x16xf32>
        tpu.vector_store %arg7[%swap3A_626, %swap3A_627, %swap3A_628], %swap3A_631 {add = true, strides = array<i32>} : memref<3x200x128xf32, #tpu.memory_space<vmem>>, vector<1x1x16xf32>,
        %get3A_632 = arith.index_cast %add3A_576 : i32 to index
        %get3A_633 = arith.constant 80 : index
        %get3A_634 = tpu.vector_load %arg8[%get3A_632, %get3A_633] {strides = array<i32>} : memref<200x128xf32, #tpu.memory_space<vmem>>, vector<1x16xf32>,
        %get3A_635 = vector.shape_cast %get3A_634 : vector<1x16xf32> to vector<16xf32>
        %swap3A_636 = arith.constant 0 : i32
        %swap3A_637 = arith.index_cast %swap3A_636 : i32 to index
        %swap3A_638 = arith.index_cast %add3A_576 : i32 to index
        %swap3A_639 = arith.constant 80 : index
        %swap3A_640 = tpu.vector_load %arg7[%swap3A_637, %swap3A_638, %swap3A_639] {strides = array<i32>} : memref<3x200x128xf32, #tpu.memory_space<vmem>>, vector<1x1x16xf32>,
        %swap3A_641 = vector.shape_cast %swap3A_640 : vector<1x1x16xf32> to vector<16xf32>
        %swap3A_642 = vector.shape_cast %get3A_635 : vector<16xf32> to vector<1x1x16xf32>
        tpu.vector_store %arg7[%swap3A_637, %swap3A_638, %swap3A_639], %swap3A_642 {add = true, strides = array<i32>} : memref<3x200x128xf32, #tpu.memory_space<vmem>>, vector<1x1x16xf32>,
        %get3A_643 = arith.index_cast %add3A_576 : i32 to index
        %get3A_644 = arith.constant 96 : index
        %get3A_645 = tpu.vector_load %arg8[%get3A_643, %get3A_644] {strides = array<i32>} : memref<200x128xf32, #tpu.memory_space<vmem>>, vector<1x16xf32>,
        %get3A_646 = vector.shape_cast %get3A_645 : vector<1x16xf32> to vector<16xf32>
        %swap3A_647 = arith.constant 0 : i32
        %swap3A_648 = arith.index_cast %swap3A_647 : i32 to index
        %swap3A_649 = arith.index_cast %add3A_576 : i32 to index
        %swap3A_650 = arith.constant 96 : index
        %swap3A_651 = tpu.vector_load %arg7[%swap3A_648, %swap3A_649, %swap3A_650] {strides = array<i32>} : memref<3x200x128xf32, #tpu.memory_space<vmem>>, vector<1x1x16xf32>,
        %swap3A_652 = vector.shape_cast %swap3A_651 : vector<1x1x16xf32> to vector<16xf32>
        %swap3A_653 = vector.shape_cast %get3A_646 : vector<16xf32> to vector<1x1x16xf32>
        tpu.vector_store %arg7[%swap3A_648, %swap3A_649, %swap3A_650], %swap3A_653 {add = true, strides = array<i32>} : memref<3x200x128xf32, #tpu.memory_space<vmem>>, vector<1x1x16xf32>,
        %get3A_654 = arith.index_cast %add3A_576 : i32 to index
        %get3A_655 = arith.constant 112 : index
        %get3A_656 = tpu.vector_load %arg8[%get3A_654, %get3A_655] {strides = array<i32>} : memref<200x128xf32, #tpu.memory_space<vmem>>, vector<1x16xf32>,
        %get3A_657 = vector.shape_cast %get3A_656 : vector<1x16xf32> to vector<16xf32>
        %swap3A_658 = arith.constant 0 : i32
        %swap3A_659 = arith.index_cast %swap3A_658 : i32 to index
        %swap3A_660 = arith.index_cast %add3A_576 : i32 to index
        %swap3A_661 = arith.constant 112 : index
        %swap3A_662 = tpu.vector_load %arg7[%swap3A_659, %swap3A_660, %swap3A_661] {strides = array<i32>} : memref<3x200x128xf32, #tpu.memory_space<vmem>>, vector<1x1x16xf32>,
        %swap3A_663 = vector.shape_cast %swap3A_662 : vector<1x1x16xf32> to vector<16xf32>
        %swap3A_664 = vector.shape_cast %get3A_657 : vector<16xf32> to vector<1x1x16xf32>
        tpu.vector_store %arg7[%swap3A_659, %swap3A_660, %swap3A_661], %swap3A_664 {add = true, strides = array<i32>} : memref<3x200x128xf32, #tpu.memory_space<vmem>>, vector<1x1x16xf32>,
      }
      %scan3A_337 = arith.constant 200 : i32
      %add3A_338 = arith.addi %mul3A_2, %add3A_295 : i32
      %mul3A_339 = arith.constant 200 : i32
      %mul3A_340 = arith.muli %add3A_338, %mul3A_339 : i32
      %dma_start3A_341 = arith.constant 0 : i32
      %dma_start3A_342 = arith.constant 0 : i32
      %dma_start3A_343 = arith.constant 0 : i32
      %dma_start3A_344 = tpu.memref_slice %arg7[%dma_start3A_341, %dma_start3A_342, %dma_start3A_343] : memref<3x200x128xf32, #tpu.memory_space<vmem>> -> memref<1x200x128xf32, #tpu.memory_space<vmem>>
      %dma_start3A_345 = tpu.memref_squeeze %dma_start3A_344 : memref<1x200x128xf32, #tpu.memory_space<vmem>> -> memref<200x128xf32, #tpu.memory_space<vmem>>
      %dma_start3A_346 = arith.constant 0 : i32
      %dma_start3A_347 = tpu.memref_slice %arg5[%mul3A_340, %dma_start3A_346] : memref<819200x128xf32, #tpu.memory_space<hbm>> -> memref<200x128xf32, #tpu.memory_space<hbm>>
      %dma_start3A_348 = arith.constant 0 : i32
      %dma_start3A_349 = tpu.memref_slice %arg5[%mul3A_340, %dma_start3A_348] : memref<819200x128xf32, #tpu.memory_space<hbm>> -> memref<200x128xf32, #tpu.memory_space<hbm>>
      %dma_start3A_350 = arith.constant 0 : i32
      %dma_start3A_351 = arith.constant 0 : i32
      %dma_start3A_352 = tpu.memref_slice %arg7[%dma_start3A_341, %dma_start3A_350, %dma_start3A_351] : memref<3x200x128xf32, #tpu.memory_space<vmem>> -> memref<1x200x128xf32, #tpu.memory_space<vmem>>
      %dma_start3A_353 = tpu.memref_squeeze %dma_start3A_352 : memref<1x200x128xf32, #tpu.memory_space<vmem>> -> memref<200x128xf32, #tpu.memory_space<vmem>>
      tpu.enqueue_dma source(%dma_start3A_353 : memref<200x128xf32, #tpu.memory_space<vmem>>) target(%dma_start3A_349 : memref<200x128xf32, #tpu.memory_space<hbm>>) target_semaphore(%arg15 : memref<!tpu.dma_semaphore, #tpu.memory_space<semaphore_mem>>)
      %add3A_354 = arith.constant 1 : i32
      %add3A_355 = arith.addi %add3A_293, %add3A_354 : i32
      %add3A_356 = arith.constant 2 : i32
      %add3A_357 = arith.addi %add3A_355, %add3A_356 : i32
      %lt3A_358 = arith.constant 128 : i32
      %lt3A_359 = arith.cmpi slt, %add3A_357, %lt3A_358 : i32
      %convert_element_type3A_360 = arith.extui %lt3A_359 : i1 to i32
      %cond3A_361 = arith.constant 0 : i32
      %cond3A_362 = arith.cmpi ne, %convert_element_type3A_360, %cond3A_361 : i32
      scf.if %cond3A_362 {
        %add3A_480 = arith.constant 2 : i32
        %add3A_481 = arith.addi %add3A_355, %add3A_480 : i32
        %add3A_482 = arith.addi %mul3A_2, %add3A_481 : i32
        %mul3A_483 = arith.constant 2 : i32
        %mul3A_484 = arith.muli %mul3A_483, %add3A_482 : i32
        %dma_start3A_485 = arith.constant 0 : i32
        %dma_start3A_486 = arith.constant 0 : i32
        %dma_start3A_487 = arith.constant 0 : i32
        %dma_start3A_488 = tpu.memref_slice %arg6[%dma_start3A_485, %dma_start3A_486, %dma_start3A_487] : memref<3x2x100xi32, #tpu.memory_space<vmem>> -> memref<1x2x100xi32, #tpu.memory_space<vmem>>
        %dma_start3A_489 = tpu.memref_squeeze %dma_start3A_488 : memref<1x2x100xi32, #tpu.memory_space<vmem>> -> memref<2x100xi32, #tpu.memory_space<vmem>>
        %dma_start3A_490 = arith.constant 0 : i32
        %dma_start3A_491 = tpu.memref_slice %arg2[%mul3A_484, %dma_start3A_490] : memref<8192x100xi32, #tpu.memory_space<hbm>> -> memref<2x100xi32, #tpu.memory_space<hbm>>
        %dma_start3A_492 = arith.constant 0 : i32
        %dma_start3A_493 = arith.constant 0 : i32
        %dma_start3A_494 = tpu.memref_slice %arg6[%dma_start3A_485, %dma_start3A_492, %dma_start3A_493] : memref<3x2x100xi32, #tpu.memory_space<vmem>> -> memref<1x2x100xi32, #tpu.memory_space<vmem>>
        %dma_start3A_495 = tpu.memref_squeeze %dma_start3A_494 : memref<1x2x100xi32, #tpu.memory_space<vmem>> -> memref<2x100xi32, #tpu.memory_space<vmem>>
        %dma_start3A_496 = arith.constant 0 : i32
        %dma_start3A_497 = tpu.memref_slice %arg2[%mul3A_484, %dma_start3A_496] : memref<8192x100xi32, #tpu.memory_space<hbm>> -> memref<2x100xi32, #tpu.memory_space<hbm>>
        tpu.enqueue_dma source(%dma_start3A_497 : memref<2x100xi32, #tpu.memory_space<hbm>>) target(%dma_start3A_495 : memref<2x100xi32, #tpu.memory_space<vmem>>) target_semaphore(%arg9 : memref<!tpu.dma_semaphore, #tpu.memory_space<semaphore_mem>>)
      } else {
      }
      %add3A_363 = arith.constant 1 : i32
      %add3A_364 = arith.addi %add3A_355, %add3A_363 : i32
      %lt3A_365 = arith.constant 128 : i32
      %lt3A_366 = arith.cmpi slt, %add3A_364, %lt3A_365 : i32
      %convert_element_type3A_367 = arith.extui %lt3A_366 : i1 to i32
      %cond3A_368 = arith.constant 0 : i32
      %cond3A_369 = arith.cmpi ne, %convert_element_type3A_367, %cond3A_368 : i32
      scf.if %cond3A_369 {
        %ge3A = arith.constant 2 : i32
        %ge3A_480 = arith.cmpi sge, %add3A_355, %ge3A : i32
        %convert_element_type3A_481 = arith.extui %ge3A_480 : i1 to i32
        %cond3A_482 = arith.constant 0 : i32
        %cond3A_483 = arith.cmpi ne, %convert_element_type3A_481, %cond3A_482 : i32
        scf.if %cond3A_483 {
          %sub3A = arith.constant 2 : i32
          %sub3A_530 = arith.subi %add3A_355, %sub3A : i32
          %add3A_531 = arith.addi %mul3A_2, %sub3A_530 : i32
          %mul3A_532 = arith.constant 200 : i32
          %mul3A_533 = arith.muli %add3A_531, %mul3A_532 : i32
          %dma_wait3A_534 = arith.constant 2 : i32
          %dma_wait3A_535 = arith.constant 0 : i32
          %dma_wait3A_536 = arith.constant 0 : i32
          %dma_wait3A_537 = tpu.memref_slice %arg7[%dma_wait3A_534, %dma_wait3A_535, %dma_wait3A_536] : memref<3x200x128xf32, #tpu.memory_space<vmem>> -> memref<1x200x128xf32, #tpu.memory_space<vmem>>
          %dma_wait3A_538 = tpu.memref_squeeze %dma_wait3A_537 : memref<1x200x128xf32, #tpu.memory_space<vmem>> -> memref<200x128xf32, #tpu.memory_space<vmem>>
          %dma_wait3A_539 = arith.constant 0 : i32
          %dma_wait3A_540 = tpu.memref_slice %arg5[%mul3A_533, %dma_wait3A_539] : memref<819200x128xf32, #tpu.memory_space<hbm>> -> memref<200x128xf32, #tpu.memory_space<hbm>>
          %dma_wait3A_541 = arith.constant 0 : i32
          %dma_wait3A_542 = tpu.memref_slice %arg5[%mul3A_533, %dma_wait3A_541] : memref<819200x128xf32, #tpu.memory_space<hbm>> -> memref<200x128xf32, #tpu.memory_space<hbm>>
          %dma_wait3A_543 = arith.constant 0 : i32
          %dma_wait3A_544 = arith.constant 0 : i32
          %dma_wait3A_545 = tpu.memref_slice %arg7[%dma_wait3A_534, %dma_wait3A_543, %dma_wait3A_544] : memref<3x200x128xf32, #tpu.memory_space<vmem>> -> memref<1x200x128xf32, #tpu.memory_space<vmem>>
          %dma_wait3A_546 = tpu.memref_squeeze %dma_wait3A_545 : memref<1x200x128xf32, #tpu.memory_space<vmem>> -> memref<200x128xf32, #tpu.memory_space<vmem>>
          tpu.wait_dma2 semaphore(%arg17 : memref<!tpu.dma_semaphore, #tpu.memory_space<semaphore_mem>>) src(%dma_wait3A_546 : memref<200x128xf32, #tpu.memory_space<vmem>>) dst(%dma_wait3A_542 : memref<200x128xf32, #tpu.memory_space<hbm>>)
        } else {
        }
        %add3A_484 = arith.constant 1 : i32
        %add3A_485 = arith.addi %add3A_355, %add3A_484 : i32
        %add3A_486 = arith.addi %mul3A_2, %add3A_485 : i32
        %mul3A_487 = arith.constant 2 : i32
        %mul3A_488 = arith.muli %mul3A_487, %add3A_486 : i32
        %dma_wait3A_489 = arith.constant 2 : i32
        %dma_wait3A_490 = arith.constant 0 : i32
        %dma_wait3A_491 = arith.constant 0 : i32
        %dma_wait3A_492 = tpu.memref_slice %arg6[%dma_wait3A_489, %dma_wait3A_490, %dma_wait3A_491] : memref<3x2x100xi32, #tpu.memory_space<vmem>> -> memref<1x2x100xi32, #tpu.memory_space<vmem>>
        %dma_wait3A_493 = tpu.memref_squeeze %dma_wait3A_492 : memref<1x2x100xi32, #tpu.memory_space<vmem>> -> memref<2x100xi32, #tpu.memory_space<vmem>>
        %dma_wait3A_494 = arith.constant 0 : i32
        %dma_wait3A_495 = tpu.memref_slice %arg2[%mul3A_488, %dma_wait3A_494] : memref<8192x100xi32, #tpu.memory_space<hbm>> -> memref<2x100xi32, #tpu.memory_space<hbm>>
        %dma_wait3A_496 = arith.constant 0 : i32
        %dma_wait3A_497 = arith.constant 0 : i32
        %dma_wait3A_498 = tpu.memref_slice %arg6[%dma_wait3A_489, %dma_wait3A_496, %dma_wait3A_497] : memref<3x2x100xi32, #tpu.memory_space<vmem>> -> memref<1x2x100xi32, #tpu.memory_space<vmem>>
        %dma_wait3A_499 = tpu.memref_squeeze %dma_wait3A_498 : memref<1x2x100xi32, #tpu.memory_space<vmem>> -> memref<2x100xi32, #tpu.memory_space<vmem>>
        %dma_wait3A_500 = arith.constant 0 : i32
        %dma_wait3A_501 = tpu.memref_slice %arg2[%mul3A_488, %dma_wait3A_500] : memref<8192x100xi32, #tpu.memory_space<hbm>> -> memref<2x100xi32, #tpu.memory_space<hbm>>
        tpu.wait_dma2 semaphore(%arg11 : memref<!tpu.dma_semaphore, #tpu.memory_space<semaphore_mem>>) src(%dma_wait3A_501 : memref<2x100xi32, #tpu.memory_space<hbm>>) dst(%dma_wait3A_499 : memref<2x100xi32, #tpu.memory_space<vmem>>)
        %add3A_502 = arith.constant 1 : i32
        %add3A_503 = arith.addi %add3A_355, %add3A_502 : i32
        %dma_start3A_504 = arith.constant 2 : i32
        %dma_start3A_505 = arith.constant 0 : i32
        %dma_start3A_506 = arith.constant 2 : i32
        %dma_start3A_507 = arith.constant 0 : i32
        %dma_start3A_508 = arith.constant 0 : i32
        %dma_start3A_509 = tpu.memref_slice %arg7[%dma_start3A_506, %dma_start3A_507, %dma_start3A_508] : memref<3x200x128xf32, #tpu.memory_space<vmem>> -> memref<1x100x128xf32, #tpu.memory_space<vmem>>
        %dma_start3A_510 = tpu.memref_squeeze %dma_start3A_509 : memref<1x100x128xf32, #tpu.memory_space<vmem>> -> memref<100x128xf32, #tpu.memory_space<vmem>>
        %dma_start3A_511 = arith.constant 0 : i32
        %dma_start3A_512 = tpu.memref_slice %arg6[%dma_start3A_504, %dma_start3A_505, %dma_start3A_511] : memref<3x2x100xi32, #tpu.memory_space<vmem>> -> memref<1x1x100xi32, #tpu.memory_space<vmem>>
        %dma_start3A_513 = tpu.memref_squeeze %dma_start3A_512 : memref<1x1x100xi32, #tpu.memory_space<vmem>> -> memref<100xi32, #tpu.memory_space<vmem>>
        %dma_start3A_514 = arith.constant 0 : i32
        %dma_start3A_515 = arith.constant 0 : i32
        %dma_start3A_516 = tpu.memref_slice %arg3[%dma_start3A_514, %dma_start3A_515] : memref<100000x128xf32, #tpu.memory_space<hbm>> -> memref<100000x128xf32, #tpu.memory_space<hbm>>
        tpu.enqueue_indirect_dma source(%dma_start3A_516 : memref<100000x128xf32, #tpu.memory_space<hbm>>) target(%dma_start3A_510 : memref<100x128xf32, #tpu.memory_space<vmem>>) offsets(%dma_start3A_513 : memref<100xi32, #tpu.memory_space<vmem>>) semaphore(%arg14 : memref<!tpu.dma_semaphore, #tpu.memory_space<semaphore_mem>>)
        %dma_start3A_517 = arith.constant 2 : i32
        %dma_start3A_518 = arith.constant 1 : i32
        %dma_start3A_519 = arith.constant 2 : i32
        %dma_start3A_520 = arith.constant 100 : i32
        %dma_start3A_521 = arith.constant 0 : i32
        %dma_start3A_522 = tpu.memref_slice %arg7[%dma_start3A_519, %dma_start3A_520, %dma_start3A_521] : memref<3x200x128xf32, #tpu.memory_space<vmem>> -> memref<1x100x128xf32, #tpu.memory_space<vmem>>
        %dma_start3A_523 = tpu.memref_squeeze %dma_start3A_522 : memref<1x100x128xf32, #tpu.memory_space<vmem>> -> memref<100x128xf32, #tpu.memory_space<vmem>>
        %dma_start3A_524 = arith.constant 0 : i32
        %dma_start3A_525 = tpu.memref_slice %arg6[%dma_start3A_517, %dma_start3A_518, %dma_start3A_524] : memref<3x2x100xi32, #tpu.memory_space<vmem>> -> memref<1x1x100xi32, #tpu.memory_space<vmem>>
        %dma_start3A_526 = tpu.memref_squeeze %dma_start3A_525 : memref<1x1x100xi32, #tpu.memory_space<vmem>> -> memref<100xi32, #tpu.memory_space<vmem>>
        %dma_start3A_527 = arith.constant 0 : i32
        %dma_start3A_528 = arith.constant 0 : i32
        %dma_start3A_529 = tpu.memref_slice %arg3[%dma_start3A_527, %dma_start3A_528] : memref<100000x128xf32, #tpu.memory_space<hbm>> -> memref<100000x128xf32, #tpu.memory_space<hbm>>
        tpu.enqueue_indirect_dma source(%dma_start3A_529 : memref<100000x128xf32, #tpu.memory_space<hbm>>) target(%dma_start3A_523 : memref<100x128xf32, #tpu.memory_space<vmem>>) offsets(%dma_start3A_526 : memref<100xi32, #tpu.memory_space<vmem>>) semaphore(%arg14 : memref<!tpu.dma_semaphore, #tpu.memory_space<semaphore_mem>>)
      } else {
      }
      %dma_wait3A_370 = arith.constant 1 : i32
      %dma_wait3A_371 = arith.constant 0 : i32
      %dma_wait3A_372 = arith.constant 1 : i32
      %dma_wait3A_373 = arith.constant 0 : i32
      %dma_wait3A_374 = arith.constant 0 : i32
      %dma_wait3A_375 = tpu.memref_slice %arg7[%dma_wait3A_372, %dma_wait3A_373, %dma_wait3A_374] : memref<3x200x128xf32, #tpu.memory_space<vmem>> -> memref<1x100x128xf32, #tpu.memory_space<vmem>>
      %dma_wait3A_376 = tpu.memref_squeeze %dma_wait3A_375 : memref<1x100x128xf32, #tpu.memory_space<vmem>> -> memref<100x128xf32, #tpu.memory_space<vmem>>
      %dma_wait3A_377 = arith.constant 0 : i32
      %dma_wait3A_378 = tpu.memref_slice %arg6[%dma_wait3A_370, %dma_wait3A_371, %dma_wait3A_377] : memref<3x2x100xi32, #tpu.memory_space<vmem>> -> memref<1x1x100xi32, #tpu.memory_space<vmem>>
      %dma_wait3A_379 = tpu.memref_squeeze %dma_wait3A_378 : memref<1x1x100xi32, #tpu.memory_space<vmem>> -> memref<100xi32, #tpu.memory_space<vmem>>
      %dma_wait3A_380 = arith.constant 0 : i32
      %dma_wait3A_381 = arith.constant 0 : i32
      %dma_wait3A_382 = tpu.memref_slice %arg3[%dma_wait3A_380, %dma_wait3A_381] : memref<100000x128xf32, #tpu.memory_space<hbm>> -> memref<100000x128xf32, #tpu.memory_space<hbm>>
      tpu.wait_indirect_dma semaphore(%arg13 : memref<!tpu.dma_semaphore, #tpu.memory_space<semaphore_mem>>) src(%dma_wait3A_382 : memref<100000x128xf32, #tpu.memory_space<hbm>>) dst(%dma_wait3A_376 : memref<100x128xf32, #tpu.memory_space<vmem>>)
      %dma_wait3A_383 = arith.constant 1 : i32
      %dma_wait3A_384 = arith.constant 1 : i32
      %dma_wait3A_385 = arith.constant 1 : i32
      %dma_wait3A_386 = arith.constant 100 : i32
      %dma_wait3A_387 = arith.constant 0 : i32
      %dma_wait3A_388 = tpu.memref_slice %arg7[%dma_wait3A_385, %dma_wait3A_386, %dma_wait3A_387] : memref<3x200x128xf32, #tpu.memory_space<vmem>> -> memref<1x100x128xf32, #tpu.memory_space<vmem>>
      %dma_wait3A_389 = tpu.memref_squeeze %dma_wait3A_388 : memref<1x100x128xf32, #tpu.memory_space<vmem>> -> memref<100x128xf32, #tpu.memory_space<vmem>>
      %dma_wait3A_390 = arith.constant 0 : i32
      %dma_wait3A_391 = tpu.memref_slice %arg6[%dma_wait3A_383, %dma_wait3A_384, %dma_wait3A_390] : memref<3x2x100xi32, #tpu.memory_space<vmem>> -> memref<1x1x100xi32, #tpu.memory_space<vmem>>
      %dma_wait3A_392 = tpu.memref_squeeze %dma_wait3A_391 : memref<1x1x100xi32, #tpu.memory_space<vmem>> -> memref<100xi32, #tpu.memory_space<vmem>>
      %dma_wait3A_393 = arith.constant 0 : i32
      %dma_wait3A_394 = arith.constant 0 : i32
      %dma_wait3A_395 = tpu.memref_slice %arg3[%dma_wait3A_393, %dma_wait3A_394] : memref<100000x128xf32, #tpu.memory_space<hbm>> -> memref<100000x128xf32, #tpu.memory_space<hbm>>
      tpu.wait_indirect_dma semaphore(%arg13 : memref<!tpu.dma_semaphore, #tpu.memory_space<semaphore_mem>>) src(%dma_wait3A_395 : memref<100000x128xf32, #tpu.memory_space<hbm>>) dst(%dma_wait3A_389 : memref<100x128xf32, #tpu.memory_space<vmem>>)
      %scan3A_396 = arith.constant 0 : i32
      %scan3A_397 = arith.constant 200 : i32
      %scan3A_398 = arith.addi %scan3A_396, %scan3A_397 : i32
      %scan3A_399 = arith.constant 2 : i32
      scf.for %scan3A_480 = %scan3A_396 to %scan3A_398 step %scan3A_399  : i32 {
        %mul3A_481 = arith.constant 1 : i32
        %mul3A_482 = arith.muli %scan3A_480, %mul3A_481 : i32
        %add3A_483 = arith.constant 0 : i32
        %add3A_484 = arith.addi %add3A_483, %mul3A_482 : i32
        %get3A = arith.index_cast %add3A_484 : i32 to index
        %get3A_485 = arith.constant 0 : index
        %get3A_486 = tpu.vector_load %arg8[%get3A, %get3A_485] {strides = array<i32>} : memref<200x128xf32, #tpu.memory_space<vmem>>, vector<1x16xf32>,
        %get3A_487 = vector.shape_cast %get3A_486 : vector<1x16xf32> to vector<16xf32>
        %swap3A = arith.constant 1 : i32
        %swap3A_488 = arith.index_cast %swap3A : i32 to index
        %swap3A_489 = arith.index_cast %add3A_484 : i32 to index
        %swap3A_490 = arith.constant 0 : index
        %swap3A_491 = tpu.vector_load %arg7[%swap3A_488, %swap3A_489, %swap3A_490] {strides = array<i32>} : memref<3x200x128xf32, #tpu.memory_space<vmem>>, vector<1x1x16xf32>,
        %swap3A_492 = vector.shape_cast %swap3A_491 : vector<1x1x16xf32> to vector<16xf32>
        %swap3A_493 = vector.shape_cast %get3A_487 : vector<16xf32> to vector<1x1x16xf32>
        tpu.vector_store %arg7[%swap3A_488, %swap3A_489, %swap3A_490], %swap3A_493 {add = true, strides = array<i32>} : memref<3x200x128xf32, #tpu.memory_space<vmem>>, vector<1x1x16xf32>,
        %get3A_494 = arith.index_cast %add3A_484 : i32 to index
        %get3A_495 = arith.constant 16 : index
        %get3A_496 = tpu.vector_load %arg8[%get3A_494, %get3A_495] {strides = array<i32>} : memref<200x128xf32, #tpu.memory_space<vmem>>, vector<1x16xf32>,
        %get3A_497 = vector.shape_cast %get3A_496 : vector<1x16xf32> to vector<16xf32>
        %swap3A_498 = arith.constant 1 : i32
        %swap3A_499 = arith.index_cast %swap3A_498 : i32 to index
        %swap3A_500 = arith.index_cast %add3A_484 : i32 to index
        %swap3A_501 = arith.constant 16 : index
        %swap3A_502 = tpu.vector_load %arg7[%swap3A_499, %swap3A_500, %swap3A_501] {strides = array<i32>} : memref<3x200x128xf32, #tpu.memory_space<vmem>>, vector<1x1x16xf32>,
        %swap3A_503 = vector.shape_cast %swap3A_502 : vector<1x1x16xf32> to vector<16xf32>
        %swap3A_504 = vector.shape_cast %get3A_497 : vector<16xf32> to vector<1x1x16xf32>
        tpu.vector_store %arg7[%swap3A_499, %swap3A_500, %swap3A_501], %swap3A_504 {add = true, strides = array<i32>} : memref<3x200x128xf32, #tpu.memory_space<vmem>>, vector<1x1x16xf32>,
        %get3A_505 = arith.index_cast %add3A_484 : i32 to index
        %get3A_506 = arith.constant 32 : index
        %get3A_507 = tpu.vector_load %arg8[%get3A_505, %get3A_506] {strides = array<i32>} : memref<200x128xf32, #tpu.memory_space<vmem>>, vector<1x16xf32>,
        %get3A_508 = vector.shape_cast %get3A_507 : vector<1x16xf32> to vector<16xf32>
        %swap3A_509 = arith.constant 1 : i32
        %swap3A_510 = arith.index_cast %swap3A_509 : i32 to index
        %swap3A_511 = arith.index_cast %add3A_484 : i32 to index
        %swap3A_512 = arith.constant 32 : index
        %swap3A_513 = tpu.vector_load %arg7[%swap3A_510, %swap3A_511, %swap3A_512] {strides = array<i32>} : memref<3x200x128xf32, #tpu.memory_space<vmem>>, vector<1x1x16xf32>,
        %swap3A_514 = vector.shape_cast %swap3A_513 : vector<1x1x16xf32> to vector<16xf32>
        %swap3A_515 = vector.shape_cast %get3A_508 : vector<16xf32> to vector<1x1x16xf32>
        tpu.vector_store %arg7[%swap3A_510, %swap3A_511, %swap3A_512], %swap3A_515 {add = true, strides = array<i32>} : memref<3x200x128xf32, #tpu.memory_space<vmem>>, vector<1x1x16xf32>,
        %get3A_516 = arith.index_cast %add3A_484 : i32 to index
        %get3A_517 = arith.constant 48 : index
        %get3A_518 = tpu.vector_load %arg8[%get3A_516, %get3A_517] {strides = array<i32>} : memref<200x128xf32, #tpu.memory_space<vmem>>, vector<1x16xf32>,
        %get3A_519 = vector.shape_cast %get3A_518 : vector<1x16xf32> to vector<16xf32>
        %swap3A_520 = arith.constant 1 : i32
        %swap3A_521 = arith.index_cast %swap3A_520 : i32 to index
        %swap3A_522 = arith.index_cast %add3A_484 : i32 to index
        %swap3A_523 = arith.constant 48 : index
        %swap3A_524 = tpu.vector_load %arg7[%swap3A_521, %swap3A_522, %swap3A_523] {strides = array<i32>} : memref<3x200x128xf32, #tpu.memory_space<vmem>>, vector<1x1x16xf32>,
        %swap3A_525 = vector.shape_cast %swap3A_524 : vector<1x1x16xf32> to vector<16xf32>
        %swap3A_526 = vector.shape_cast %get3A_519 : vector<16xf32> to vector<1x1x16xf32>
        tpu.vector_store %arg7[%swap3A_521, %swap3A_522, %swap3A_523], %swap3A_526 {add = true, strides = array<i32>} : memref<3x200x128xf32, #tpu.memory_space<vmem>>, vector<1x1x16xf32>,
        %get3A_527 = arith.index_cast %add3A_484 : i32 to index
        %get3A_528 = arith.constant 64 : index
        %get3A_529 = tpu.vector_load %arg8[%get3A_527, %get3A_528] {strides = array<i32>} : memref<200x128xf32, #tpu.memory_space<vmem>>, vector<1x16xf32>,
        %get3A_530 = vector.shape_cast %get3A_529 : vector<1x16xf32> to vector<16xf32>
        %swap3A_531 = arith.constant 1 : i32
        %swap3A_532 = arith.index_cast %swap3A_531 : i32 to index
        %swap3A_533 = arith.index_cast %add3A_484 : i32 to index
        %swap3A_534 = arith.constant 64 : index
        %swap3A_535 = tpu.vector_load %arg7[%swap3A_532, %swap3A_533, %swap3A_534] {strides = array<i32>} : memref<3x200x128xf32, #tpu.memory_space<vmem>>, vector<1x1x16xf32>,
        %swap3A_536 = vector.shape_cast %swap3A_535 : vector<1x1x16xf32> to vector<16xf32>
        %swap3A_537 = vector.shape_cast %get3A_530 : vector<16xf32> to vector<1x1x16xf32>
        tpu.vector_store %arg7[%swap3A_532, %swap3A_533, %swap3A_534], %swap3A_537 {add = true, strides = array<i32>} : memref<3x200x128xf32, #tpu.memory_space<vmem>>, vector<1x1x16xf32>,
        %get3A_538 = arith.index_cast %add3A_484 : i32 to index
        %get3A_539 = arith.constant 80 : index
        %get3A_540 = tpu.vector_load %arg8[%get3A_538, %get3A_539] {strides = array<i32>} : memref<200x128xf32, #tpu.memory_space<vmem>>, vector<1x16xf32>,
        %get3A_541 = vector.shape_cast %get3A_540 : vector<1x16xf32> to vector<16xf32>
        %swap3A_542 = arith.constant 1 : i32
        %swap3A_543 = arith.index_cast %swap3A_542 : i32 to index
        %swap3A_544 = arith.index_cast %add3A_484 : i32 to index
        %swap3A_545 = arith.constant 80 : index
        %swap3A_546 = tpu.vector_load %arg7[%swap3A_543, %swap3A_544, %swap3A_545] {strides = array<i32>} : memref<3x200x128xf32, #tpu.memory_space<vmem>>, vector<1x1x16xf32>,
        %swap3A_547 = vector.shape_cast %swap3A_546 : vector<1x1x16xf32> to vector<16xf32>
        %swap3A_548 = vector.shape_cast %get3A_541 : vector<16xf32> to vector<1x1x16xf32>
        tpu.vector_store %arg7[%swap3A_543, %swap3A_544, %swap3A_545], %swap3A_548 {add = true, strides = array<i32>} : memref<3x200x128xf32, #tpu.memory_space<vmem>>, vector<1x1x16xf32>,
        %get3A_549 = arith.index_cast %add3A_484 : i32 to index
        %get3A_550 = arith.constant 96 : index
        %get3A_551 = tpu.vector_load %arg8[%get3A_549, %get3A_550] {strides = array<i32>} : memref<200x128xf32, #tpu.memory_space<vmem>>, vector<1x16xf32>,
        %get3A_552 = vector.shape_cast %get3A_551 : vector<1x16xf32> to vector<16xf32>
        %swap3A_553 = arith.constant 1 : i32
        %swap3A_554 = arith.index_cast %swap3A_553 : i32 to index
        %swap3A_555 = arith.index_cast %add3A_484 : i32 to index
        %swap3A_556 = arith.constant 96 : index
        %swap3A_557 = tpu.vector_load %arg7[%swap3A_554, %swap3A_555, %swap3A_556] {strides = array<i32>} : memref<3x200x128xf32, #tpu.memory_space<vmem>>, vector<1x1x16xf32>,
        %swap3A_558 = vector.shape_cast %swap3A_557 : vector<1x1x16xf32> to vector<16xf32>
        %swap3A_559 = vector.shape_cast %get3A_552 : vector<16xf32> to vector<1x1x16xf32>
        tpu.vector_store %arg7[%swap3A_554, %swap3A_555, %swap3A_556], %swap3A_559 {add = true, strides = array<i32>} : memref<3x200x128xf32, #tpu.memory_space<vmem>>, vector<1x1x16xf32>,
        %get3A_560 = arith.index_cast %add3A_484 : i32 to index
        %get3A_561 = arith.constant 112 : index
        %get3A_562 = tpu.vector_load %arg8[%get3A_560, %get3A_561] {strides = array<i32>} : memref<200x128xf32, #tpu.memory_space<vmem>>, vector<1x16xf32>,
        %get3A_563 = vector.shape_cast %get3A_562 : vector<1x16xf32> to vector<16xf32>
        %swap3A_564 = arith.constant 1 : i32
        %swap3A_565 = arith.index_cast %swap3A_564 : i32 to index
        %swap3A_566 = arith.index_cast %add3A_484 : i32 to index
        %swap3A_567 = arith.constant 112 : index
        %swap3A_568 = tpu.vector_load %arg7[%swap3A_565, %swap3A_566, %swap3A_567] {strides = array<i32>} : memref<3x200x128xf32, #tpu.memory_space<vmem>>, vector<1x1x16xf32>,
        %swap3A_569 = vector.shape_cast %swap3A_568 : vector<1x1x16xf32> to vector<16xf32>
        %swap3A_570 = vector.shape_cast %get3A_563 : vector<16xf32> to vector<1x1x16xf32>
        tpu.vector_store %arg7[%swap3A_565, %swap3A_566, %swap3A_567], %swap3A_570 {add = true, strides = array<i32>} : memref<3x200x128xf32, #tpu.memory_space<vmem>>, vector<1x1x16xf32>,
        %scan3A_571 = arith.constant 1 : i32
        %scan3A_572 = arith.addi %scan3A_480, %scan3A_571 : i32
        %mul3A_573 = arith.constant 1 : i32
        %mul3A_574 = arith.muli %scan3A_572, %mul3A_573 : i32
        %add3A_575 = arith.constant 0 : i32
        %add3A_576 = arith.addi %add3A_575, %mul3A_574 : i32
        %get3A_577 = arith.index_cast %add3A_576 : i32 to index
        %get3A_578 = arith.constant 0 : index
        %get3A_579 = tpu.vector_load %arg8[%get3A_577, %get3A_578] {strides = array<i32>} : memref<200x128xf32, #tpu.memory_space<vmem>>, vector<1x16xf32>,
        %get3A_580 = vector.shape_cast %get3A_579 : vector<1x16xf32> to vector<16xf32>
        %swap3A_581 = arith.constant 1 : i32
        %swap3A_582 = arith.index_cast %swap3A_581 : i32 to index
        %swap3A_583 = arith.index_cast %add3A_576 : i32 to index
        %swap3A_584 = arith.constant 0 : index
        %swap3A_585 = tpu.vector_load %arg7[%swap3A_582, %swap3A_583, %swap3A_584] {strides = array<i32>} : memref<3x200x128xf32, #tpu.memory_space<vmem>>, vector<1x1x16xf32>,
        %swap3A_586 = vector.shape_cast %swap3A_585 : vector<1x1x16xf32> to vector<16xf32>
        %swap3A_587 = vector.shape_cast %get3A_580 : vector<16xf32> to vector<1x1x16xf32>
        tpu.vector_store %arg7[%swap3A_582, %swap3A_583, %swap3A_584], %swap3A_587 {add = true, strides = array<i32>} : memref<3x200x128xf32, #tpu.memory_space<vmem>>, vector<1x1x16xf32>,
        %get3A_588 = arith.index_cast %add3A_576 : i32 to index
        %get3A_589 = arith.constant 16 : index
        %get3A_590 = tpu.vector_load %arg8[%get3A_588, %get3A_589] {strides = array<i32>} : memref<200x128xf32, #tpu.memory_space<vmem>>, vector<1x16xf32>,
        %get3A_591 = vector.shape_cast %get3A_590 : vector<1x16xf32> to vector<16xf32>
        %swap3A_592 = arith.constant 1 : i32
        %swap3A_593 = arith.index_cast %swap3A_592 : i32 to index
        %swap3A_594 = arith.index_cast %add3A_576 : i32 to index
        %swap3A_595 = arith.constant 16 : index
        %swap3A_596 = tpu.vector_load %arg7[%swap3A_593, %swap3A_594, %swap3A_595] {strides = array<i32>} : memref<3x200x128xf32, #tpu.memory_space<vmem>>, vector<1x1x16xf32>,
        %swap3A_597 = vector.shape_cast %swap3A_596 : vector<1x1x16xf32> to vector<16xf32>
        %swap3A_598 = vector.shape_cast %get3A_591 : vector<16xf32> to vector<1x1x16xf32>
        tpu.vector_store %arg7[%swap3A_593, %swap3A_594, %swap3A_595], %swap3A_598 {add = true, strides = array<i32>} : memref<3x200x128xf32, #tpu.memory_space<vmem>>, vector<1x1x16xf32>,
        %get3A_599 = arith.index_cast %add3A_576 : i32 to index
        %get3A_600 = arith.constant 32 : index
        %get3A_601 = tpu.vector_load %arg8[%get3A_599, %get3A_600] {strides = array<i32>} : memref<200x128xf32, #tpu.memory_space<vmem>>, vector<1x16xf32>,
        %get3A_602 = vector.shape_cast %get3A_601 : vector<1x16xf32> to vector<16xf32>
        %swap3A_603 = arith.constant 1 : i32
        %swap3A_604 = arith.index_cast %swap3A_603 : i32 to index
        %swap3A_605 = arith.index_cast %add3A_576 : i32 to index
        %swap3A_606 = arith.constant 32 : index
        %swap3A_607 = tpu.vector_load %arg7[%swap3A_604, %swap3A_605, %swap3A_606] {strides = array<i32>} : memref<3x200x128xf32, #tpu.memory_space<vmem>>, vector<1x1x16xf32>,
        %swap3A_608 = vector.shape_cast %swap3A_607 : vector<1x1x16xf32> to vector<16xf32>
        %swap3A_609 = vector.shape_cast %get3A_602 : vector<16xf32> to vector<1x1x16xf32>
        tpu.vector_store %arg7[%swap3A_604, %swap3A_605, %swap3A_606], %swap3A_609 {add = true, strides = array<i32>} : memref<3x200x128xf32, #tpu.memory_space<vmem>>, vector<1x1x16xf32>,
        %get3A_610 = arith.index_cast %add3A_576 : i32 to index
        %get3A_611 = arith.constant 48 : index
        %get3A_612 = tpu.vector_load %arg8[%get3A_610, %get3A_611] {strides = array<i32>} : memref<200x128xf32, #tpu.memory_space<vmem>>, vector<1x16xf32>,
        %get3A_613 = vector.shape_cast %get3A_612 : vector<1x16xf32> to vector<16xf32>
        %swap3A_614 = arith.constant 1 : i32
        %swap3A_615 = arith.index_cast %swap3A_614 : i32 to index
        %swap3A_616 = arith.index_cast %add3A_576 : i32 to index
        %swap3A_617 = arith.constant 48 : index
        %swap3A_618 = tpu.vector_load %arg7[%swap3A_615, %swap3A_616, %swap3A_617] {strides = array<i32>} : memref<3x200x128xf32, #tpu.memory_space<vmem>>, vector<1x1x16xf32>,
        %swap3A_619 = vector.shape_cast %swap3A_618 : vector<1x1x16xf32> to vector<16xf32>
        %swap3A_620 = vector.shape_cast %get3A_613 : vector<16xf32> to vector<1x1x16xf32>
        tpu.vector_store %arg7[%swap3A_615, %swap3A_616, %swap3A_617], %swap3A_620 {add = true, strides = array<i32>} : memref<3x200x128xf32, #tpu.memory_space<vmem>>, vector<1x1x16xf32>,
        %get3A_621 = arith.index_cast %add3A_576 : i32 to index
        %get3A_622 = arith.constant 64 : index
        %get3A_623 = tpu.vector_load %arg8[%get3A_621, %get3A_622] {strides = array<i32>} : memref<200x128xf32, #tpu.memory_space<vmem>>, vector<1x16xf32>,
        %get3A_624 = vector.shape_cast %get3A_623 : vector<1x16xf32> to vector<16xf32>
        %swap3A_625 = arith.constant 1 : i32
        %swap3A_626 = arith.index_cast %swap3A_625 : i32 to index
        %swap3A_627 = arith.index_cast %add3A_576 : i32 to index
        %swap3A_628 = arith.constant 64 : index
        %swap3A_629 = tpu.vector_load %arg7[%swap3A_626, %swap3A_627, %swap3A_628] {strides = array<i32>} : memref<3x200x128xf32, #tpu.memory_space<vmem>>, vector<1x1x16xf32>,
        %swap3A_630 = vector.shape_cast %swap3A_629 : vector<1x1x16xf32> to vector<16xf32>
        %swap3A_631 = vector.shape_cast %get3A_624 : vector<16xf32> to vector<1x1x16xf32>
        tpu.vector_store %arg7[%swap3A_626, %swap3A_627, %swap3A_628], %swap3A_631 {add = true, strides = array<i32>} : memref<3x200x128xf32, #tpu.memory_space<vmem>>, vector<1x1x16xf32>,
        %get3A_632 = arith.index_cast %add3A_576 : i32 to index
        %get3A_633 = arith.constant 80 : index
        %get3A_634 = tpu.vector_load %arg8[%get3A_632, %get3A_633] {strides = array<i32>} : memref<200x128xf32, #tpu.memory_space<vmem>>, vector<1x16xf32>,
        %get3A_635 = vector.shape_cast %get3A_634 : vector<1x16xf32> to vector<16xf32>
        %swap3A_636 = arith.constant 1 : i32
        %swap3A_637 = arith.index_cast %swap3A_636 : i32 to index
        %swap3A_638 = arith.index_cast %add3A_576 : i32 to index
        %swap3A_639 = arith.constant 80 : index
        %swap3A_640 = tpu.vector_load %arg7[%swap3A_637, %swap3A_638, %swap3A_639] {strides = array<i32>} : memref<3x200x128xf32, #tpu.memory_space<vmem>>, vector<1x1x16xf32>,
        %swap3A_641 = vector.shape_cast %swap3A_640 : vector<1x1x16xf32> to vector<16xf32>
        %swap3A_642 = vector.shape_cast %get3A_635 : vector<16xf32> to vector<1x1x16xf32>
        tpu.vector_store %arg7[%swap3A_637, %swap3A_638, %swap3A_639], %swap3A_642 {add = true, strides = array<i32>} : memref<3x200x128xf32, #tpu.memory_space<vmem>>, vector<1x1x16xf32>,
        %get3A_643 = arith.index_cast %add3A_576 : i32 to index
        %get3A_644 = arith.constant 96 : index
        %get3A_645 = tpu.vector_load %arg8[%get3A_643, %get3A_644] {strides = array<i32>} : memref<200x128xf32, #tpu.memory_space<vmem>>, vector<1x16xf32>,
        %get3A_646 = vector.shape_cast %get3A_645 : vector<1x16xf32> to vector<16xf32>
        %swap3A_647 = arith.constant 1 : i32
        %swap3A_648 = arith.index_cast %swap3A_647 : i32 to index
        %swap3A_649 = arith.index_cast %add3A_576 : i32 to index
        %swap3A_650 = arith.constant 96 : index
        %swap3A_651 = tpu.vector_load %arg7[%swap3A_648, %swap3A_649, %swap3A_650] {strides = array<i32>} : memref<3x200x128xf32, #tpu.memory_space<vmem>>, vector<1x1x16xf32>,
        %swap3A_652 = vector.shape_cast %swap3A_651 : vector<1x1x16xf32> to vector<16xf32>
        %swap3A_653 = vector.shape_cast %get3A_646 : vector<16xf32> to vector<1x1x16xf32>
        tpu.vector_store %arg7[%swap3A_648, %swap3A_649, %swap3A_650], %swap3A_653 {add = true, strides = array<i32>} : memref<3x200x128xf32, #tpu.memory_space<vmem>>, vector<1x1x16xf32>,
        %get3A_654 = arith.index_cast %add3A_576 : i32 to index
        %get3A_655 = arith.constant 112 : index
        %get3A_656 = tpu.vector_load %arg8[%get3A_654, %get3A_655] {strides = array<i32>} : memref<200x128xf32, #tpu.memory_space<vmem>>, vector<1x16xf32>,
        %get3A_657 = vector.shape_cast %get3A_656 : vector<1x16xf32> to vector<16xf32>
        %swap3A_658 = arith.constant 1 : i32
        %swap3A_659 = arith.index_cast %swap3A_658 : i32 to index
        %swap3A_660 = arith.index_cast %add3A_576 : i32 to index
        %swap3A_661 = arith.constant 112 : index
        %swap3A_662 = tpu.vector_load %arg7[%swap3A_659, %swap3A_660, %swap3A_661] {strides = array<i32>} : memref<3x200x128xf32, #tpu.memory_space<vmem>>, vector<1x1x16xf32>,
        %swap3A_663 = vector.shape_cast %swap3A_662 : vector<1x1x16xf32> to vector<16xf32>
        %swap3A_664 = vector.shape_cast %get3A_657 : vector<16xf32> to vector<1x1x16xf32>
        tpu.vector_store %arg7[%swap3A_659, %swap3A_660, %swap3A_661], %swap3A_664 {add = true, strides = array<i32>} : memref<3x200x128xf32, #tpu.memory_space<vmem>>, vector<1x1x16xf32>,
      }
      %scan3A_400 = arith.constant 200 : i32
      %add3A_401 = arith.addi %mul3A_2, %add3A_355 : i32
      %mul3A_402 = arith.constant 200 : i32
      %mul3A_403 = arith.muli %add3A_401, %mul3A_402 : i32
      %dma_start3A_404 = arith.constant 1 : i32
      %dma_start3A_405 = arith.constant 0 : i32
      %dma_start3A_406 = arith.constant 0 : i32
      %dma_start3A_407 = tpu.memref_slice %arg7[%dma_start3A_404, %dma_start3A_405, %dma_start3A_406] : memref<3x200x128xf32, #tpu.memory_space<vmem>> -> memref<1x200x128xf32, #tpu.memory_space<vmem>>
      %dma_start3A_408 = tpu.memref_squeeze %dma_start3A_407 : memref<1x200x128xf32, #tpu.memory_space<vmem>> -> memref<200x128xf32, #tpu.memory_space<vmem>>
      %dma_start3A_409 = arith.constant 0 : i32
      %dma_start3A_410 = tpu.memref_slice %arg5[%mul3A_403, %dma_start3A_409] : memref<819200x128xf32, #tpu.memory_space<hbm>> -> memref<200x128xf32, #tpu.memory_space<hbm>>
      %dma_start3A_411 = arith.constant 0 : i32
      %dma_start3A_412 = tpu.memref_slice %arg5[%mul3A_403, %dma_start3A_411] : memref<819200x128xf32, #tpu.memory_space<hbm>> -> memref<200x128xf32, #tpu.memory_space<hbm>>
      %dma_start3A_413 = arith.constant 0 : i32
      %dma_start3A_414 = arith.constant 0 : i32
      %dma_start3A_415 = tpu.memref_slice %arg7[%dma_start3A_404, %dma_start3A_413, %dma_start3A_414] : memref<3x200x128xf32, #tpu.memory_space<vmem>> -> memref<1x200x128xf32, #tpu.memory_space<vmem>>
      %dma_start3A_416 = tpu.memref_squeeze %dma_start3A_415 : memref<1x200x128xf32, #tpu.memory_space<vmem>> -> memref<200x128xf32, #tpu.memory_space<vmem>>
      tpu.enqueue_dma source(%dma_start3A_416 : memref<200x128xf32, #tpu.memory_space<vmem>>) target(%dma_start3A_412 : memref<200x128xf32, #tpu.memory_space<hbm>>) target_semaphore(%arg16 : memref<!tpu.dma_semaphore, #tpu.memory_space<semaphore_mem>>)
      %add3A_417 = arith.constant 2 : i32
      %add3A_418 = arith.addi %add3A_293, %add3A_417 : i32
      %add3A_419 = arith.constant 2 : i32
      %add3A_420 = arith.addi %add3A_418, %add3A_419 : i32
      %lt3A_421 = arith.constant 128 : i32
      %lt3A_422 = arith.cmpi slt, %add3A_420, %lt3A_421 : i32
      %convert_element_type3A_423 = arith.extui %lt3A_422 : i1 to i32
      %cond3A_424 = arith.constant 0 : i32
      %cond3A_425 = arith.cmpi ne, %convert_element_type3A_423, %cond3A_424 : i32
      scf.if %cond3A_425 {
        %add3A_480 = arith.constant 2 : i32
        %add3A_481 = arith.addi %add3A_418, %add3A_480 : i32
        %add3A_482 = arith.addi %mul3A_2, %add3A_481 : i32
        %mul3A_483 = arith.constant 2 : i32
        %mul3A_484 = arith.muli %mul3A_483, %add3A_482 : i32
        %dma_start3A_485 = arith.constant 1 : i32
        %dma_start3A_486 = arith.constant 0 : i32
        %dma_start3A_487 = arith.constant 0 : i32
        %dma_start3A_488 = tpu.memref_slice %arg6[%dma_start3A_485, %dma_start3A_486, %dma_start3A_487] : memref<3x2x100xi32, #tpu.memory_space<vmem>> -> memref<1x2x100xi32, #tpu.memory_space<vmem>>
        %dma_start3A_489 = tpu.memref_squeeze %dma_start3A_488 : memref<1x2x100xi32, #tpu.memory_space<vmem>> -> memref<2x100xi32, #tpu.memory_space<vmem>>
        %dma_start3A_490 = arith.constant 0 : i32
        %dma_start3A_491 = tpu.memref_slice %arg2[%mul3A_484, %dma_start3A_490] : memref<8192x100xi32, #tpu.memory_space<hbm>> -> memref<2x100xi32, #tpu.memory_space<hbm>>
        %dma_start3A_492 = arith.constant 0 : i32
        %dma_start3A_493 = arith.constant 0 : i32
        %dma_start3A_494 = tpu.memref_slice %arg6[%dma_start3A_485, %dma_start3A_492, %dma_start3A_493] : memref<3x2x100xi32, #tpu.memory_space<vmem>> -> memref<1x2x100xi32, #tpu.memory_space<vmem>>
        %dma_start3A_495 = tpu.memref_squeeze %dma_start3A_494 : memref<1x2x100xi32, #tpu.memory_space<vmem>> -> memref<2x100xi32, #tpu.memory_space<vmem>>
        %dma_start3A_496 = arith.constant 0 : i32
        %dma_start3A_497 = tpu.memref_slice %arg2[%mul3A_484, %dma_start3A_496] : memref<8192x100xi32, #tpu.memory_space<hbm>> -> memref<2x100xi32, #tpu.memory_space<hbm>>
        tpu.enqueue_dma source(%dma_start3A_497 : memref<2x100xi32, #tpu.memory_space<hbm>>) target(%dma_start3A_495 : memref<2x100xi32, #tpu.memory_space<vmem>>) target_semaphore(%arg10 : memref<!tpu.dma_semaphore, #tpu.memory_space<semaphore_mem>>)
      } else {
      }
      %add3A_426 = arith.constant 1 : i32
      %add3A_427 = arith.addi %add3A_418, %add3A_426 : i32
      %lt3A_428 = arith.constant 128 : i32
      %lt3A_429 = arith.cmpi slt, %add3A_427, %lt3A_428 : i32
      %convert_element_type3A_430 = arith.extui %lt3A_429 : i1 to i32
      %cond3A_431 = arith.constant 0 : i32
      %cond3A_432 = arith.cmpi ne, %convert_element_type3A_430, %cond3A_431 : i32
      scf.if %cond3A_432 {
        %ge3A = arith.constant 2 : i32
        %ge3A_480 = arith.cmpi sge, %add3A_418, %ge3A : i32
        %convert_element_type3A_481 = arith.extui %ge3A_480 : i1 to i32
        %cond3A_482 = arith.constant 0 : i32
        %cond3A_483 = arith.cmpi ne, %convert_element_type3A_481, %cond3A_482 : i32
        scf.if %cond3A_483 {
          %sub3A = arith.constant 2 : i32
          %sub3A_530 = arith.subi %add3A_418, %sub3A : i32
          %add3A_531 = arith.addi %mul3A_2, %sub3A_530 : i32
          %mul3A_532 = arith.constant 200 : i32
          %mul3A_533 = arith.muli %add3A_531, %mul3A_532 : i32
          %dma_wait3A_534 = arith.constant 0 : i32
          %dma_wait3A_535 = arith.constant 0 : i32
          %dma_wait3A_536 = arith.constant 0 : i32
          %dma_wait3A_537 = tpu.memref_slice %arg7[%dma_wait3A_534, %dma_wait3A_535, %dma_wait3A_536] : memref<3x200x128xf32, #tpu.memory_space<vmem>> -> memref<1x200x128xf32, #tpu.memory_space<vmem>>
          %dma_wait3A_538 = tpu.memref_squeeze %dma_wait3A_537 : memref<1x200x128xf32, #tpu.memory_space<vmem>> -> memref<200x128xf32, #tpu.memory_space<vmem>>
          %dma_wait3A_539 = arith.constant 0 : i32
          %dma_wait3A_540 = tpu.memref_slice %arg5[%mul3A_533, %dma_wait3A_539] : memref<819200x128xf32, #tpu.memory_space<hbm>> -> memref<200x128xf32, #tpu.memory_space<hbm>>
          %dma_wait3A_541 = arith.constant 0 : i32
          %dma_wait3A_542 = tpu.memref_slice %arg5[%mul3A_533, %dma_wait3A_541] : memref<819200x128xf32, #tpu.memory_space<hbm>> -> memref<200x128xf32, #tpu.memory_space<hbm>>
          %dma_wait3A_543 = arith.constant 0 : i32
          %dma_wait3A_544 = arith.constant 0 : i32
          %dma_wait3A_545 = tpu.memref_slice %arg7[%dma_wait3A_534, %dma_wait3A_543, %dma_wait3A_544] : memref<3x200x128xf32, #tpu.memory_space<vmem>> -> memref<1x200x128xf32, #tpu.memory_space<vmem>>
          %dma_wait3A_546 = tpu.memref_squeeze %dma_wait3A_545 : memref<1x200x128xf32, #tpu.memory_space<vmem>> -> memref<200x128xf32, #tpu.memory_space<vmem>>
          tpu.wait_dma2 semaphore(%arg15 : memref<!tpu.dma_semaphore, #tpu.memory_space<semaphore_mem>>) src(%dma_wait3A_546 : memref<200x128xf32, #tpu.memory_space<vmem>>) dst(%dma_wait3A_542 : memref<200x128xf32, #tpu.memory_space<hbm>>)
        } else {
        }
        %add3A_484 = arith.constant 1 : i32
        %add3A_485 = arith.addi %add3A_418, %add3A_484 : i32
        %add3A_486 = arith.addi %mul3A_2, %add3A_485 : i32
        %mul3A_487 = arith.constant 2 : i32
        %mul3A_488 = arith.muli %mul3A_487, %add3A_486 : i32
        %dma_wait3A_489 = arith.constant 0 : i32
        %dma_wait3A_490 = arith.constant 0 : i32
        %dma_wait3A_491 = arith.constant 0 : i32
        %dma_wait3A_492 = tpu.memref_slice %arg6[%dma_wait3A_489, %dma_wait3A_490, %dma_wait3A_491] : memref<3x2x100xi32, #tpu.memory_space<vmem>> -> memref<1x2x100xi32, #tpu.memory_space<vmem>>
        %dma_wait3A_493 = tpu.memref_squeeze %dma_wait3A_492 : memref<1x2x100xi32, #tpu.memory_space<vmem>> -> memref<2x100xi32, #tpu.memory_space<vmem>>
        %dma_wait3A_494 = arith.constant 0 : i32
        %dma_wait3A_495 = tpu.memref_slice %arg2[%mul3A_488, %dma_wait3A_494] : memref<8192x100xi32, #tpu.memory_space<hbm>> -> memref<2x100xi32, #tpu.memory_space<hbm>>
        %dma_wait3A_496 = arith.constant 0 : i32
        %dma_wait3A_497 = arith.constant 0 : i32
        %dma_wait3A_498 = tpu.memref_slice %arg6[%dma_wait3A_489, %dma_wait3A_496, %dma_wait3A_497] : memref<3x2x100xi32, #tpu.memory_space<vmem>> -> memref<1x2x100xi32, #tpu.memory_space<vmem>>
        %dma_wait3A_499 = tpu.memref_squeeze %dma_wait3A_498 : memref<1x2x100xi32, #tpu.memory_space<vmem>> -> memref<2x100xi32, #tpu.memory_space<vmem>>
        %dma_wait3A_500 = arith.constant 0 : i32
        %dma_wait3A_501 = tpu.memref_slice %arg2[%mul3A_488, %dma_wait3A_500] : memref<8192x100xi32, #tpu.memory_space<hbm>> -> memref<2x100xi32, #tpu.memory_space<hbm>>
        tpu.wait_dma2 semaphore(%arg9 : memref<!tpu.dma_semaphore, #tpu.memory_space<semaphore_mem>>) src(%dma_wait3A_501 : memref<2x100xi32, #tpu.memory_space<hbm>>) dst(%dma_wait3A_499 : memref<2x100xi32, #tpu.memory_space<vmem>>)
        %add3A_502 = arith.constant 1 : i32
        %add3A_503 = arith.addi %add3A_418, %add3A_502 : i32
        %dma_start3A_504 = arith.constant 0 : i32
        %dma_start3A_505 = arith.constant 0 : i32
        %dma_start3A_506 = arith.constant 0 : i32
        %dma_start3A_507 = arith.constant 0 : i32
        %dma_start3A_508 = arith.constant 0 : i32
        %dma_start3A_509 = tpu.memref_slice %arg7[%dma_start3A_506, %dma_start3A_507, %dma_start3A_508] : memref<3x200x128xf32, #tpu.memory_space<vmem>> -> memref<1x100x128xf32, #tpu.memory_space<vmem>>
        %dma_start3A_510 = tpu.memref_squeeze %dma_start3A_509 : memref<1x100x128xf32, #tpu.memory_space<vmem>> -> memref<100x128xf32, #tpu.memory_space<vmem>>
        %dma_start3A_511 = arith.constant 0 : i32
        %dma_start3A_512 = tpu.memref_slice %arg6[%dma_start3A_504, %dma_start3A_505, %dma_start3A_511] : memref<3x2x100xi32, #tpu.memory_space<vmem>> -> memref<1x1x100xi32, #tpu.memory_space<vmem>>
        %dma_start3A_513 = tpu.memref_squeeze %dma_start3A_512 : memref<1x1x100xi32, #tpu.memory_space<vmem>> -> memref<100xi32, #tpu.memory_space<vmem>>
        %dma_start3A_514 = arith.constant 0 : i32
        %dma_start3A_515 = arith.constant 0 : i32
        %dma_start3A_516 = tpu.memref_slice %arg3[%dma_start3A_514, %dma_start3A_515] : memref<100000x128xf32, #tpu.memory_space<hbm>> -> memref<100000x128xf32, #tpu.memory_space<hbm>>
        tpu.enqueue_indirect_dma source(%dma_start3A_516 : memref<100000x128xf32, #tpu.memory_space<hbm>>) target(%dma_start3A_510 : memref<100x128xf32, #tpu.memory_space<vmem>>) offsets(%dma_start3A_513 : memref<100xi32, #tpu.memory_space<vmem>>) semaphore(%arg12 : memref<!tpu.dma_semaphore, #tpu.memory_space<semaphore_mem>>)
        %dma_start3A_517 = arith.constant 0 : i32
        %dma_start3A_518 = arith.constant 1 : i32
        %dma_start3A_519 = arith.constant 0 : i32
        %dma_start3A_520 = arith.constant 100 : i32
        %dma_start3A_521 = arith.constant 0 : i32
        %dma_start3A_522 = tpu.memref_slice %arg7[%dma_start3A_519, %dma_start3A_520, %dma_start3A_521] : memref<3x200x128xf32, #tpu.memory_space<vmem>> -> memref<1x100x128xf32, #tpu.memory_space<vmem>>
        %dma_start3A_523 = tpu.memref_squeeze %dma_start3A_522 : memref<1x100x128xf32, #tpu.memory_space<vmem>> -> memref<100x128xf32, #tpu.memory_space<vmem>>
        %dma_start3A_524 = arith.constant 0 : i32
        %dma_start3A_525 = tpu.memref_slice %arg6[%dma_start3A_517, %dma_start3A_518, %dma_start3A_524] : memref<3x2x100xi32, #tpu.memory_space<vmem>> -> memref<1x1x100xi32, #tpu.memory_space<vmem>>
        %dma_start3A_526 = tpu.memref_squeeze %dma_start3A_525 : memref<1x1x100xi32, #tpu.memory_space<vmem>> -> memref<100xi32, #tpu.memory_space<vmem>>
        %dma_start3A_527 = arith.constant 0 : i32
        %dma_start3A_528 = arith.constant 0 : i32
        %dma_start3A_529 = tpu.memref_slice %arg3[%dma_start3A_527, %dma_start3A_528] : memref<100000x128xf32, #tpu.memory_space<hbm>> -> memref<100000x128xf32, #tpu.memory_space<hbm>>
        tpu.enqueue_indirect_dma source(%dma_start3A_529 : memref<100000x128xf32, #tpu.memory_space<hbm>>) target(%dma_start3A_523 : memref<100x128xf32, #tpu.memory_space<vmem>>) offsets(%dma_start3A_526 : memref<100xi32, #tpu.memory_space<vmem>>) semaphore(%arg12 : memref<!tpu.dma_semaphore, #tpu.memory_space<semaphore_mem>>)
      } else {
      }
      %dma_wait3A_433 = arith.constant 2 : i32
      %dma_wait3A_434 = arith.constant 0 : i32
      %dma_wait3A_435 = arith.constant 2 : i32
      %dma_wait3A_436 = arith.constant 0 : i32
      %dma_wait3A_437 = arith.constant 0 : i32
      %dma_wait3A_438 = tpu.memref_slice %arg7[%dma_wait3A_435, %dma_wait3A_436, %dma_wait3A_437] : memref<3x200x128xf32, #tpu.memory_space<vmem>> -> memref<1x100x128xf32, #tpu.memory_space<vmem>>
      %dma_wait3A_439 = tpu.memref_squeeze %dma_wait3A_438 : memref<1x100x128xf32, #tpu.memory_space<vmem>> -> memref<100x128xf32, #tpu.memory_space<vmem>>
      %dma_wait3A_440 = arith.constant 0 : i32
      %dma_wait3A_441 = tpu.memref_slice %arg6[%dma_wait3A_433, %dma_wait3A_434, %dma_wait3A_440] : memref<3x2x100xi32, #tpu.memory_space<vmem>> -> memref<1x1x100xi32, #tpu.memory_space<vmem>>
      %dma_wait3A_442 = tpu.memref_squeeze %dma_wait3A_441 : memref<1x1x100xi32, #tpu.memory_space<vmem>> -> memref<100xi32, #tpu.memory_space<vmem>>
      %dma_wait3A_443 = arith.constant 0 : i32
      %dma_wait3A_444 = arith.constant 0 : i32
      %dma_wait3A_445 = tpu.memref_slice %arg3[%dma_wait3A_443, %dma_wait3A_444] : memref<100000x128xf32, #tpu.memory_space<hbm>> -> memref<100000x128xf32, #tpu.memory_space<hbm>>
      tpu.wait_indirect_dma semaphore(%arg14 : memref<!tpu.dma_semaphore, #tpu.memory_space<semaphore_mem>>) src(%dma_wait3A_445 : memref<100000x128xf32, #tpu.memory_space<hbm>>) dst(%dma_wait3A_439 : memref<100x128xf32, #tpu.memory_space<vmem>>)
      %dma_wait3A_446 = arith.constant 2 : i32
      %dma_wait3A_447 = arith.constant 1 : i32
      %dma_wait3A_448 = arith.constant 2 : i32
      %dma_wait3A_449 = arith.constant 100 : i32
      %dma_wait3A_450 = arith.constant 0 : i32
      %dma_wait3A_451 = tpu.memref_slice %arg7[%dma_wait3A_448, %dma_wait3A_449, %dma_wait3A_450] : memref<3x200x128xf32, #tpu.memory_space<vmem>> -> memref<1x100x128xf32, #tpu.memory_space<vmem>>
      %dma_wait3A_452 = tpu.memref_squeeze %dma_wait3A_451 : memref<1x100x128xf32, #tpu.memory_space<vmem>> -> memref<100x128xf32, #tpu.memory_space<vmem>>
      %dma_wait3A_453 = arith.constant 0 : i32
      %dma_wait3A_454 = tpu.memref_slice %arg6[%dma_wait3A_446, %dma_wait3A_447, %dma_wait3A_453] : memref<3x2x100xi32, #tpu.memory_space<vmem>> -> memref<1x1x100xi32, #tpu.memory_space<vmem>>
      %dma_wait3A_455 = tpu.memref_squeeze %dma_wait3A_454 : memref<1x1x100xi32, #tpu.memory_space<vmem>> -> memref<100xi32, #tpu.memory_space<vmem>>
      %dma_wait3A_456 = arith.constant 0 : i32
      %dma_wait3A_457 = arith.constant 0 : i32
      %dma_wait3A_458 = tpu.memref_slice %arg3[%dma_wait3A_456, %dma_wait3A_457] : memref<100000x128xf32, #tpu.memory_space<hbm>> -> memref<100000x128xf32, #tpu.memory_space<hbm>>
      tpu.wait_indirect_dma semaphore(%arg14 : memref<!tpu.dma_semaphore, #tpu.memory_space<semaphore_mem>>) src(%dma_wait3A_458 : memref<100000x128xf32, #tpu.memory_space<hbm>>) dst(%dma_wait3A_452 : memref<100x128xf32, #tpu.memory_space<vmem>>)
      %scan3A_459 = arith.constant 0 : i32
      %scan3A_460 = arith.constant 200 : i32
      %scan3A_461 = arith.addi %scan3A_459, %scan3A_460 : i32
      %scan3A_462 = arith.constant 2 : i32
      scf.for %scan3A_480 = %scan3A_459 to %scan3A_461 step %scan3A_462  : i32 {
        %mul3A_481 = arith.constant 1 : i32
        %mul3A_482 = arith.muli %scan3A_480, %mul3A_481 : i32
        %add3A_483 = arith.constant 0 : i32
        %add3A_484 = arith.addi %add3A_483, %mul3A_482 : i32
        %get3A = arith.index_cast %add3A_484 : i32 to index
        %get3A_485 = arith.constant 0 : index
        %get3A_486 = tpu.vector_load %arg8[%get3A, %get3A_485] {strides = array<i32>} : memref<200x128xf32, #tpu.memory_space<vmem>>, vector<1x16xf32>,
        %get3A_487 = vector.shape_cast %get3A_486 : vector<1x16xf32> to vector<16xf32>
        %swap3A = arith.constant 2 : i32
        %swap3A_488 = arith.index_cast %swap3A : i32 to index
        %swap3A_489 = arith.index_cast %add3A_484 : i32 to index
        %swap3A_490 = arith.constant 0 : index
        %swap3A_491 = tpu.vector_load %arg7[%swap3A_488, %swap3A_489, %swap3A_490] {strides = array<i32>} : memref<3x200x128xf32, #tpu.memory_space<vmem>>, vector<1x1x16xf32>,
        %swap3A_492 = vector.shape_cast %swap3A_491 : vector<1x1x16xf32> to vector<16xf32>
        %swap3A_493 = vector.shape_cast %get3A_487 : vector<16xf32> to vector<1x1x16xf32>
        tpu.vector_store %arg7[%swap3A_488, %swap3A_489, %swap3A_490], %swap3A_493 {add = true, strides = array<i32>} : memref<3x200x128xf32, #tpu.memory_space<vmem>>, vector<1x1x16xf32>,
        %get3A_494 = arith.index_cast %add3A_484 : i32 to index
        %get3A_495 = arith.constant 16 : index
        %get3A_496 = tpu.vector_load %arg8[%get3A_494, %get3A_495] {strides = array<i32>} : memref<200x128xf32, #tpu.memory_space<vmem>>, vector<1x16xf32>,
        %get3A_497 = vector.shape_cast %get3A_496 : vector<1x16xf32> to vector<16xf32>
        %swap3A_498 = arith.constant 2 : i32
        %swap3A_499 = arith.index_cast %swap3A_498 : i32 to index
        %swap3A_500 = arith.index_cast %add3A_484 : i32 to index
        %swap3A_501 = arith.constant 16 : index
        %swap3A_502 = tpu.vector_load %arg7[%swap3A_499, %swap3A_500, %swap3A_501] {strides = array<i32>} : memref<3x200x128xf32, #tpu.memory_space<vmem>>, vector<1x1x16xf32>,
        %swap3A_503 = vector.shape_cast %swap3A_502 : vector<1x1x16xf32> to vector<16xf32>
        %swap3A_504 = vector.shape_cast %get3A_497 : vector<16xf32> to vector<1x1x16xf32>
        tpu.vector_store %arg7[%swap3A_499, %swap3A_500, %swap3A_501], %swap3A_504 {add = true, strides = array<i32>} : memref<3x200x128xf32, #tpu.memory_space<vmem>>, vector<1x1x16xf32>,
        %get3A_505 = arith.index_cast %add3A_484 : i32 to index
        %get3A_506 = arith.constant 32 : index
        %get3A_507 = tpu.vector_load %arg8[%get3A_505, %get3A_506] {strides = array<i32>} : memref<200x128xf32, #tpu.memory_space<vmem>>, vector<1x16xf32>,
        %get3A_508 = vector.shape_cast %get3A_507 : vector<1x16xf32> to vector<16xf32>
        %swap3A_509 = arith.constant 2 : i32
        %swap3A_510 = arith.index_cast %swap3A_509 : i32 to index
        %swap3A_511 = arith.index_cast %add3A_484 : i32 to index
        %swap3A_512 = arith.constant 32 : index
        %swap3A_513 = tpu.vector_load %arg7[%swap3A_510, %swap3A_511, %swap3A_512] {strides = array<i32>} : memref<3x200x128xf32, #tpu.memory_space<vmem>>, vector<1x1x16xf32>,
        %swap3A_514 = vector.shape_cast %swap3A_513 : vector<1x1x16xf32> to vector<16xf32>
        %swap3A_515 = vector.shape_cast %get3A_508 : vector<16xf32> to vector<1x1x16xf32>
        tpu.vector_store %arg7[%swap3A_510, %swap3A_511, %swap3A_512], %swap3A_515 {add = true, strides = array<i32>} : memref<3x200x128xf32, #tpu.memory_space<vmem>>, vector<1x1x16xf32>,
        %get3A_516 = arith.index_cast %add3A_484 : i32 to index
        %get3A_517 = arith.constant 48 : index
        %get3A_518 = tpu.vector_load %arg8[%get3A_516, %get3A_517] {strides = array<i32>} : memref<200x128xf32, #tpu.memory_space<vmem>>, vector<1x16xf32>,
        %get3A_519 = vector.shape_cast %get3A_518 : vector<1x16xf32> to vector<16xf32>
        %swap3A_520 = arith.constant 2 : i32
        %swap3A_521 = arith.index_cast %swap3A_520 : i32 to index
        %swap3A_522 = arith.index_cast %add3A_484 : i32 to index
        %swap3A_523 = arith.constant 48 : index
        %swap3A_524 = tpu.vector_load %arg7[%swap3A_521, %swap3A_522, %swap3A_523] {strides = array<i32>} : memref<3x200x128xf32, #tpu.memory_space<vmem>>, vector<1x1x16xf32>,
        %swap3A_525 = vector.shape_cast %swap3A_524 : vector<1x1x16xf32> to vector<16xf32>
        %swap3A_526 = vector.shape_cast %get3A_519 : vector<16xf32> to vector<1x1x16xf32>
        tpu.vector_store %arg7[%swap3A_521, %swap3A_522, %swap3A_523], %swap3A_526 {add = true, strides = array<i32>} : memref<3x200x128xf32, #tpu.memory_space<vmem>>, vector<1x1x16xf32>,
        %get3A_527 = arith.index_cast %add3A_484 : i32 to index
        %get3A_528 = arith.constant 64 : index
        %get3A_529 = tpu.vector_load %arg8[%get3A_527, %get3A_528] {strides = array<i32>} : memref<200x128xf32, #tpu.memory_space<vmem>>, vector<1x16xf32>,
        %get3A_530 = vector.shape_cast %get3A_529 : vector<1x16xf32> to vector<16xf32>
        %swap3A_531 = arith.constant 2 : i32
        %swap3A_532 = arith.index_cast %swap3A_531 : i32 to index
        %swap3A_533 = arith.index_cast %add3A_484 : i32 to index
        %swap3A_534 = arith.constant 64 : index
        %swap3A_535 = tpu.vector_load %arg7[%swap3A_532, %swap3A_533, %swap3A_534] {strides = array<i32>} : memref<3x200x128xf32, #tpu.memory_space<vmem>>, vector<1x1x16xf32>,
        %swap3A_536 = vector.shape_cast %swap3A_535 : vector<1x1x16xf32> to vector<16xf32>
        %swap3A_537 = vector.shape_cast %get3A_530 : vector<16xf32> to vector<1x1x16xf32>
        tpu.vector_store %arg7[%swap3A_532, %swap3A_533, %swap3A_534], %swap3A_537 {add = true, strides = array<i32>} : memref<3x200x128xf32, #tpu.memory_space<vmem>>, vector<1x1x16xf32>,
        %get3A_538 = arith.index_cast %add3A_484 : i32 to index
        %get3A_539 = arith.constant 80 : index
        %get3A_540 = tpu.vector_load %arg8[%get3A_538, %get3A_539] {strides = array<i32>} : memref<200x128xf32, #tpu.memory_space<vmem>>, vector<1x16xf32>,
        %get3A_541 = vector.shape_cast %get3A_540 : vector<1x16xf32> to vector<16xf32>
        %swap3A_542 = arith.constant 2 : i32
        %swap3A_543 = arith.index_cast %swap3A_542 : i32 to index
        %swap3A_544 = arith.index_cast %add3A_484 : i32 to index
        %swap3A_545 = arith.constant 80 : index
        %swap3A_546 = tpu.vector_load %arg7[%swap3A_543, %swap3A_544, %swap3A_545] {strides = array<i32>} : memref<3x200x128xf32, #tpu.memory_space<vmem>>, vector<1x1x16xf32>,
        %swap3A_547 = vector.shape_cast %swap3A_546 : vector<1x1x16xf32> to vector<16xf32>
        %swap3A_548 = vector.shape_cast %get3A_541 : vector<16xf32> to vector<1x1x16xf32>
        tpu.vector_store %arg7[%swap3A_543, %swap3A_544, %swap3A_545], %swap3A_548 {add = true, strides = array<i32>} : memref<3x200x128xf32, #tpu.memory_space<vmem>>, vector<1x1x16xf32>,
        %get3A_549 = arith.index_cast %add3A_484 : i32 to index
        %get3A_550 = arith.constant 96 : index
        %get3A_551 = tpu.vector_load %arg8[%get3A_549, %get3A_550] {strides = array<i32>} : memref<200x128xf32, #tpu.memory_space<vmem>>, vector<1x16xf32>,
        %get3A_552 = vector.shape_cast %get3A_551 : vector<1x16xf32> to vector<16xf32>
        %swap3A_553 = arith.constant 2 : i32
        %swap3A_554 = arith.index_cast %swap3A_553 : i32 to index
        %swap3A_555 = arith.index_cast %add3A_484 : i32 to index
        %swap3A_556 = arith.constant 96 : index
        %swap3A_557 = tpu.vector_load %arg7[%swap3A_554, %swap3A_555, %swap3A_556] {strides = array<i32>} : memref<3x200x128xf32, #tpu.memory_space<vmem>>, vector<1x1x16xf32>,
        %swap3A_558 = vector.shape_cast %swap3A_557 : vector<1x1x16xf32> to vector<16xf32>
        %swap3A_559 = vector.shape_cast %get3A_552 : vector<16xf32> to vector<1x1x16xf32>
        tpu.vector_store %arg7[%swap3A_554, %swap3A_555, %swap3A_556], %swap3A_559 {add = true, strides = array<i32>} : memref<3x200x128xf32, #tpu.memory_space<vmem>>, vector<1x1x16xf32>,
        %get3A_560 = arith.index_cast %add3A_484 : i32 to index
        %get3A_561 = arith.constant 112 : index
        %get3A_562 = tpu.vector_load %arg8[%get3A_560, %get3A_561] {strides = array<i32>} : memref<200x128xf32, #tpu.memory_space<vmem>>, vector<1x16xf32>,
        %get3A_563 = vector.shape_cast %get3A_562 : vector<1x16xf32> to vector<16xf32>
        %swap3A_564 = arith.constant 2 : i32
        %swap3A_565 = arith.index_cast %swap3A_564 : i32 to index
        %swap3A_566 = arith.index_cast %add3A_484 : i32 to index
        %swap3A_567 = arith.constant 112 : index
        %swap3A_568 = tpu.vector_load %arg7[%swap3A_565, %swap3A_566, %swap3A_567] {strides = array<i32>} : memref<3x200x128xf32, #tpu.memory_space<vmem>>, vector<1x1x16xf32>,
        %swap3A_569 = vector.shape_cast %swap3A_568 : vector<1x1x16xf32> to vector<16xf32>
        %swap3A_570 = vector.shape_cast %get3A_563 : vector<16xf32> to vector<1x1x16xf32>
        tpu.vector_store %arg7[%swap3A_565, %swap3A_566, %swap3A_567], %swap3A_570 {add = true, strides = array<i32>} : memref<3x200x128xf32, #tpu.memory_space<vmem>>, vector<1x1x16xf32>,
        %scan3A_571 = arith.constant 1 : i32
        %scan3A_572 = arith.addi %scan3A_480, %scan3A_571 : i32
        %mul3A_573 = arith.constant 1 : i32
        %mul3A_574 = arith.muli %scan3A_572, %mul3A_573 : i32
        %add3A_575 = arith.constant 0 : i32
        %add3A_576 = arith.addi %add3A_575, %mul3A_574 : i32
        %get3A_577 = arith.index_cast %add3A_576 : i32 to index
        %get3A_578 = arith.constant 0 : index
        %get3A_579 = tpu.vector_load %arg8[%get3A_577, %get3A_578] {strides = array<i32>} : memref<200x128xf32, #tpu.memory_space<vmem>>, vector<1x16xf32>,
        %get3A_580 = vector.shape_cast %get3A_579 : vector<1x16xf32> to vector<16xf32>
        %swap3A_581 = arith.constant 2 : i32
        %swap3A_582 = arith.index_cast %swap3A_581 : i32 to index
        %swap3A_583 = arith.index_cast %add3A_576 : i32 to index
        %swap3A_584 = arith.constant 0 : index
        %swap3A_585 = tpu.vector_load %arg7[%swap3A_582, %swap3A_583, %swap3A_584] {strides = array<i32>} : memref<3x200x128xf32, #tpu.memory_space<vmem>>, vector<1x1x16xf32>,
        %swap3A_586 = vector.shape_cast %swap3A_585 : vector<1x1x16xf32> to vector<16xf32>
        %swap3A_587 = vector.shape_cast %get3A_580 : vector<16xf32> to vector<1x1x16xf32>
        tpu.vector_store %arg7[%swap3A_582, %swap3A_583, %swap3A_584], %swap3A_587 {add = true, strides = array<i32>} : memref<3x200x128xf32, #tpu.memory_space<vmem>>, vector<1x1x16xf32>,
        %get3A_588 = arith.index_cast %add3A_576 : i32 to index
        %get3A_589 = arith.constant 16 : index
        %get3A_590 = tpu.vector_load %arg8[%get3A_588, %get3A_589] {strides = array<i32>} : memref<200x128xf32, #tpu.memory_space<vmem>>, vector<1x16xf32>,
        %get3A_591 = vector.shape_cast %get3A_590 : vector<1x16xf32> to vector<16xf32>
        %swap3A_592 = arith.constant 2 : i32
        %swap3A_593 = arith.index_cast %swap3A_592 : i32 to index
        %swap3A_594 = arith.index_cast %add3A_576 : i32 to index
        %swap3A_595 = arith.constant 16 : index
        %swap3A_596 = tpu.vector_load %arg7[%swap3A_593, %swap3A_594, %swap3A_595] {strides = array<i32>} : memref<3x200x128xf32, #tpu.memory_space<vmem>>, vector<1x1x16xf32>,
        %swap3A_597 = vector.shape_cast %swap3A_596 : vector<1x1x16xf32> to vector<16xf32>
        %swap3A_598 = vector.shape_cast %get3A_591 : vector<16xf32> to vector<1x1x16xf32>
        tpu.vector_store %arg7[%swap3A_593, %swap3A_594, %swap3A_595], %swap3A_598 {add = true, strides = array<i32>} : memref<3x200x128xf32, #tpu.memory_space<vmem>>, vector<1x1x16xf32>,
        %get3A_599 = arith.index_cast %add3A_576 : i32 to index
        %get3A_600 = arith.constant 32 : index
        %get3A_601 = tpu.vector_load %arg8[%get3A_599, %get3A_600] {strides = array<i32>} : memref<200x128xf32, #tpu.memory_space<vmem>>, vector<1x16xf32>,
        %get3A_602 = vector.shape_cast %get3A_601 : vector<1x16xf32> to vector<16xf32>
        %swap3A_603 = arith.constant 2 : i32
        %swap3A_604 = arith.index_cast %swap3A_603 : i32 to index
        %swap3A_605 = arith.index_cast %add3A_576 : i32 to index
        %swap3A_606 = arith.constant 32 : index
        %swap3A_607 = tpu.vector_load %arg7[%swap3A_604, %swap3A_605, %swap3A_606] {strides = array<i32>} : memref<3x200x128xf32, #tpu.memory_space<vmem>>, vector<1x1x16xf32>,
        %swap3A_608 = vector.shape_cast %swap3A_607 : vector<1x1x16xf32> to vector<16xf32>
        %swap3A_609 = vector.shape_cast %get3A_602 : vector<16xf32> to vector<1x1x16xf32>
        tpu.vector_store %arg7[%swap3A_604, %swap3A_605, %swap3A_606], %swap3A_609 {add = true, strides = array<i32>} : memref<3x200x128xf32, #tpu.memory_space<vmem>>, vector<1x1x16xf32>,
        %get3A_610 = arith.index_cast %add3A_576 : i32 to index
        %get3A_611 = arith.constant 48 : index
        %get3A_612 = tpu.vector_load %arg8[%get3A_610, %get3A_611] {strides = array<i32>} : memref<200x128xf32, #tpu.memory_space<vmem>>, vector<1x16xf32>,
        %get3A_613 = vector.shape_cast %get3A_612 : vector<1x16xf32> to vector<16xf32>
        %swap3A_614 = arith.constant 2 : i32
        %swap3A_615 = arith.index_cast %swap3A_614 : i32 to index
        %swap3A_616 = arith.index_cast %add3A_576 : i32 to index
        %swap3A_617 = arith.constant 48 : index
        %swap3A_618 = tpu.vector_load %arg7[%swap3A_615, %swap3A_616, %swap3A_617] {strides = array<i32>} : memref<3x200x128xf32, #tpu.memory_space<vmem>>, vector<1x1x16xf32>,
        %swap3A_619 = vector.shape_cast %swap3A_618 : vector<1x1x16xf32> to vector<16xf32>
        %swap3A_620 = vector.shape_cast %get3A_613 : vector<16xf32> to vector<1x1x16xf32>
        tpu.vector_store %arg7[%swap3A_615, %swap3A_616, %swap3A_617], %swap3A_620 {add = true, strides = array<i32>} : memref<3x200x128xf32, #tpu.memory_space<vmem>>, vector<1x1x16xf32>,
        %get3A_621 = arith.index_cast %add3A_576 : i32 to index
        %get3A_622 = arith.constant 64 : index
        %get3A_623 = tpu.vector_load %arg8[%get3A_621, %get3A_622] {strides = array<i32>} : memref<200x128xf32, #tpu.memory_space<vmem>>, vector<1x16xf32>,
        %get3A_624 = vector.shape_cast %get3A_623 : vector<1x16xf32> to vector<16xf32>
        %swap3A_625 = arith.constant 2 : i32
        %swap3A_626 = arith.index_cast %swap3A_625 : i32 to index
        %swap3A_627 = arith.index_cast %add3A_576 : i32 to index
        %swap3A_628 = arith.constant 64 : index
        %swap3A_629 = tpu.vector_load %arg7[%swap3A_626, %swap3A_627, %swap3A_628] {strides = array<i32>} : memref<3x200x128xf32, #tpu.memory_space<vmem>>, vector<1x1x16xf32>,
        %swap3A_630 = vector.shape_cast %swap3A_629 : vector<1x1x16xf32> to vector<16xf32>
        %swap3A_631 = vector.shape_cast %get3A_624 : vector<16xf32> to vector<1x1x16xf32>
        tpu.vector_store %arg7[%swap3A_626, %swap3A_627, %swap3A_628], %swap3A_631 {add = true, strides = array<i32>} : memref<3x200x128xf32, #tpu.memory_space<vmem>>, vector<1x1x16xf32>,
        %get3A_632 = arith.index_cast %add3A_576 : i32 to index
        %get3A_633 = arith.constant 80 : index
        %get3A_634 = tpu.vector_load %arg8[%get3A_632, %get3A_633] {strides = array<i32>} : memref<200x128xf32, #tpu.memory_space<vmem>>, vector<1x16xf32>,
        %get3A_635 = vector.shape_cast %get3A_634 : vector<1x16xf32> to vector<16xf32>
        %swap3A_636 = arith.constant 2 : i32
        %swap3A_637 = arith.index_cast %swap3A_636 : i32 to index
        %swap3A_638 = arith.index_cast %add3A_576 : i32 to index
        %swap3A_639 = arith.constant 80 : index
        %swap3A_640 = tpu.vector_load %arg7[%swap3A_637, %swap3A_638, %swap3A_639] {strides = array<i32>} : memref<3x200x128xf32, #tpu.memory_space<vmem>>, vector<1x1x16xf32>,
        %swap3A_641 = vector.shape_cast %swap3A_640 : vector<1x1x16xf32> to vector<16xf32>
        %swap3A_642 = vector.shape_cast %get3A_635 : vector<16xf32> to vector<1x1x16xf32>
        tpu.vector_store %arg7[%swap3A_637, %swap3A_638, %swap3A_639], %swap3A_642 {add = true, strides = array<i32>} : memref<3x200x128xf32, #tpu.memory_space<vmem>>, vector<1x1x16xf32>,
        %get3A_643 = arith.index_cast %add3A_576 : i32 to index
        %get3A_644 = arith.constant 96 : index
        %get3A_645 = tpu.vector_load %arg8[%get3A_643, %get3A_644] {strides = array<i32>} : memref<200x128xf32, #tpu.memory_space<vmem>>, vector<1x16xf32>,
        %get3A_646 = vector.shape_cast %get3A_645 : vector<1x16xf32> to vector<16xf32>
        %swap3A_647 = arith.constant 2 : i32
        %swap3A_648 = arith.index_cast %swap3A_647 : i32 to index
        %swap3A_649 = arith.index_cast %add3A_576 : i32 to index
        %swap3A_650 = arith.constant 96 : index
        %swap3A_651 = tpu.vector_load %arg7[%swap3A_648, %swap3A_649, %swap3A_650] {strides = array<i32>} : memref<3x200x128xf32, #tpu.memory_space<vmem>>, vector<1x1x16xf32>,
        %swap3A_652 = vector.shape_cast %swap3A_651 : vector<1x1x16xf32> to vector<16xf32>
        %swap3A_653 = vector.shape_cast %get3A_646 : vector<16xf32> to vector<1x1x16xf32>
        tpu.vector_store %arg7[%swap3A_648, %swap3A_649, %swap3A_650], %swap3A_653 {add = true, strides = array<i32>} : memref<3x200x128xf32, #tpu.memory_space<vmem>>, vector<1x1x16xf32>,
        %get3A_654 = arith.index_cast %add3A_576 : i32 to index
        %get3A_655 = arith.constant 112 : index
        %get3A_656 = tpu.vector_load %arg8[%get3A_654, %get3A_655] {strides = array<i32>} : memref<200x128xf32, #tpu.memory_space<vmem>>, vector<1x16xf32>,
        %get3A_657 = vector.shape_cast %get3A_656 : vector<1x16xf32> to vector<16xf32>
        %swap3A_658 = arith.constant 2 : i32
        %swap3A_659 = arith.index_cast %swap3A_658 : i32 to index
        %swap3A_660 = arith.index_cast %add3A_576 : i32 to index
        %swap3A_661 = arith.constant 112 : index
        %swap3A_662 = tpu.vector_load %arg7[%swap3A_659, %swap3A_660, %swap3A_661] {strides = array<i32>} : memref<3x200x128xf32, #tpu.memory_space<vmem>>, vector<1x1x16xf32>,
        %swap3A_663 = vector.shape_cast %swap3A_662 : vector<1x1x16xf32> to vector<16xf32>
        %swap3A_664 = vector.shape_cast %get3A_657 : vector<16xf32> to vector<1x1x16xf32>
        tpu.vector_store %arg7[%swap3A_659, %swap3A_660, %swap3A_661], %swap3A_664 {add = true, strides = array<i32>} : memref<3x200x128xf32, #tpu.memory_space<vmem>>, vector<1x1x16xf32>,
      }
      %scan3A_463 = arith.constant 200 : i32
      %add3A_464 = arith.addi %mul3A_2, %add3A_418 : i32
      %mul3A_465 = arith.constant 200 : i32
      %mul3A_466 = arith.muli %add3A_464, %mul3A_465 : i32
      %dma_start3A_467 = arith.constant 2 : i32
      %dma_start3A_468 = arith.constant 0 : i32
      %dma_start3A_469 = arith.constant 0 : i32
      %dma_start3A_470 = tpu.memref_slice %arg7[%dma_start3A_467, %dma_start3A_468, %dma_start3A_469] : memref<3x200x128xf32, #tpu.memory_space<vmem>> -> memref<1x200x128xf32, #tpu.memory_space<vmem>>
      %dma_start3A_471 = tpu.memref_squeeze %dma_start3A_470 : memref<1x200x128xf32, #tpu.memory_space<vmem>> -> memref<200x128xf32, #tpu.memory_space<vmem>>
      %dma_start3A_472 = arith.constant 0 : i32
      %dma_start3A_473 = tpu.memref_slice %arg5[%mul3A_466, %dma_start3A_472] : memref<819200x128xf32, #tpu.memory_space<hbm>> -> memref<200x128xf32, #tpu.memory_space<hbm>>
      %dma_start3A_474 = arith.constant 0 : i32
      %dma_start3A_475 = tpu.memref_slice %arg5[%mul3A_466, %dma_start3A_474] : memref<819200x128xf32, #tpu.memory_space<hbm>> -> memref<200x128xf32, #tpu.memory_space<hbm>>
      %dma_start3A_476 = arith.constant 0 : i32
      %dma_start3A_477 = arith.constant 0 : i32
      %dma_start3A_478 = tpu.memref_slice %arg7[%dma_start3A_467, %dma_start3A_476, %dma_start3A_477] : memref<3x200x128xf32, #tpu.memory_space<vmem>> -> memref<1x200x128xf32, #tpu.memory_space<vmem>>
      %dma_start3A_479 = tpu.memref_squeeze %dma_start3A_478 : memref<1x200x128xf32, #tpu.memory_space<vmem>> -> memref<200x128xf32, #tpu.memory_space<vmem>>
      tpu.enqueue_dma source(%dma_start3A_479 : memref<200x128xf32, #tpu.memory_space<vmem>>) target(%dma_start3A_475 : memref<200x128xf32, #tpu.memory_space<hbm>>) target_semaphore(%arg17 : memref<!tpu.dma_semaphore, #tpu.memory_space<semaphore_mem>>)
    }
    %scan3A_81 = arith.constant 42 : i32
    %add3A_82 = arith.constant 124 : i32
    %add3A_83 = arith.addi %mul3A_2, %add3A_82 : i32
    %mul3A_84 = arith.constant 200 : i32
    %mul3A_85 = arith.muli %add3A_83, %mul3A_84 : i32
    %dma_wait3A_86 = arith.constant 1 : i32
    %dma_wait3A_87 = arith.constant 0 : i32
    %dma_wait3A_88 = arith.constant 0 : i32
    %dma_wait3A_89 = tpu.memref_slice %arg7[%dma_wait3A_86, %dma_wait3A_87, %dma_wait3A_88] : memref<3x200x128xf32, #tpu.memory_space<vmem>> -> memref<1x200x128xf32, #tpu.memory_space<vmem>>
    %dma_wait3A_90 = tpu.memref_squeeze %dma_wait3A_89 : memref<1x200x128xf32, #tpu.memory_space<vmem>> -> memref<200x128xf32, #tpu.memory_space<vmem>>
    %dma_wait3A_91 = arith.constant 0 : i32
    %dma_wait3A_92 = tpu.memref_slice %arg5[%mul3A_85, %dma_wait3A_91] : memref<819200x128xf32, #tpu.memory_space<hbm>> -> memref<200x128xf32, #tpu.memory_space<hbm>>
    %dma_wait3A_93 = arith.constant 0 : i32
    %dma_wait3A_94 = tpu.memref_slice %arg5[%mul3A_85, %dma_wait3A_93] : memref<819200x128xf32, #tpu.memory_space<hbm>> -> memref<200x128xf32, #tpu.memory_space<hbm>>
    %dma_wait3A_95 = arith.constant 0 : i32
    %dma_wait3A_96 = arith.constant 0 : i32
    %dma_wait3A_97 = tpu.memref_slice %arg7[%dma_wait3A_86, %dma_wait3A_95, %dma_wait3A_96] : memref<3x200x128xf32, #tpu.memory_space<vmem>> -> memref<1x200x128xf32, #tpu.memory_space<vmem>>
    %dma_wait3A_98 = tpu.memref_squeeze %dma_wait3A_97 : memref<1x200x128xf32, #tpu.memory_space<vmem>> -> memref<200x128xf32, #tpu.memory_space<vmem>>
    tpu.wait_dma2 semaphore(%arg16 : memref<!tpu.dma_semaphore, #tpu.memory_space<semaphore_mem>>) src(%dma_wait3A_98 : memref<200x128xf32, #tpu.memory_space<vmem>>) dst(%dma_wait3A_94 : memref<200x128xf32, #tpu.memory_space<hbm>>)
    %add3A_99 = arith.constant 127 : i32
    %add3A_100 = arith.addi %mul3A_2, %add3A_99 : i32
    %mul3A_101 = arith.constant 2 : i32
    %mul3A_102 = arith.muli %mul3A_101, %add3A_100 : i32
    %dma_wait3A_103 = arith.constant 1 : i32
    %dma_wait3A_104 = arith.constant 0 : i32
    %dma_wait3A_105 = arith.constant 0 : i32
    %dma_wait3A_106 = tpu.memref_slice %arg6[%dma_wait3A_103, %dma_wait3A_104, %dma_wait3A_105] : memref<3x2x100xi32, #tpu.memory_space<vmem>> -> memref<1x2x100xi32, #tpu.memory_space<vmem>>
    %dma_wait3A_107 = tpu.memref_squeeze %dma_wait3A_106 : memref<1x2x100xi32, #tpu.memory_space<vmem>> -> memref<2x100xi32, #tpu.memory_space<vmem>>
    %dma_wait3A_108 = arith.constant 0 : i32
    %dma_wait3A_109 = tpu.memref_slice %arg2[%mul3A_102, %dma_wait3A_108] : memref<8192x100xi32, #tpu.memory_space<hbm>> -> memref<2x100xi32, #tpu.memory_space<hbm>>
    %dma_wait3A_110 = arith.constant 0 : i32
    %dma_wait3A_111 = arith.constant 0 : i32
    %dma_wait3A_112 = tpu.memref_slice %arg6[%dma_wait3A_103, %dma_wait3A_110, %dma_wait3A_111] : memref<3x2x100xi32, #tpu.memory_space<vmem>> -> memref<1x2x100xi32, #tpu.memory_space<vmem>>
    %dma_wait3A_113 = tpu.memref_squeeze %dma_wait3A_112 : memref<1x2x100xi32, #tpu.memory_space<vmem>> -> memref<2x100xi32, #tpu.memory_space<vmem>>
    %dma_wait3A_114 = arith.constant 0 : i32
    %dma_wait3A_115 = tpu.memref_slice %arg2[%mul3A_102, %dma_wait3A_114] : memref<8192x100xi32, #tpu.memory_space<hbm>> -> memref<2x100xi32, #tpu.memory_space<hbm>>
    tpu.wait_dma2 semaphore(%arg10 : memref<!tpu.dma_semaphore, #tpu.memory_space<semaphore_mem>>) src(%dma_wait3A_115 : memref<2x100xi32, #tpu.memory_space<hbm>>) dst(%dma_wait3A_113 : memref<2x100xi32, #tpu.memory_space<vmem>>)
    %dma_start3A_116 = arith.constant 1 : i32
    %dma_start3A_117 = arith.constant 0 : i32
    %dma_start3A_118 = arith.constant 1 : i32
    %dma_start3A_119 = arith.constant 0 : i32
    %dma_start3A_120 = arith.constant 0 : i32
    %dma_start3A_121 = tpu.memref_slice %arg7[%dma_start3A_118, %dma_start3A_119, %dma_start3A_120] : memref<3x200x128xf32, #tpu.memory_space<vmem>> -> memref<1x100x128xf32, #tpu.memory_space<vmem>>
    %dma_start3A_122 = tpu.memref_squeeze %dma_start3A_121 : memref<1x100x128xf32, #tpu.memory_space<vmem>> -> memref<100x128xf32, #tpu.memory_space<vmem>>
    %dma_start3A_123 = arith.constant 0 : i32
    %dma_start3A_124 = tpu.memref_slice %arg6[%dma_start3A_116, %dma_start3A_117, %dma_start3A_123] : memref<3x2x100xi32, #tpu.memory_space<vmem>> -> memref<1x1x100xi32, #tpu.memory_space<vmem>>
    %dma_start3A_125 = tpu.memref_squeeze %dma_start3A_124 : memref<1x1x100xi32, #tpu.memory_space<vmem>> -> memref<100xi32, #tpu.memory_space<vmem>>
    %dma_start3A_126 = arith.constant 0 : i32
    %dma_start3A_127 = arith.constant 0 : i32
    %dma_start3A_128 = tpu.memref_slice %arg3[%dma_start3A_126, %dma_start3A_127] : memref<100000x128xf32, #tpu.memory_space<hbm>> -> memref<100000x128xf32, #tpu.memory_space<hbm>>
    tpu.enqueue_indirect_dma source(%dma_start3A_128 : memref<100000x128xf32, #tpu.memory_space<hbm>>) target(%dma_start3A_122 : memref<100x128xf32, #tpu.memory_space<vmem>>) offsets(%dma_start3A_125 : memref<100xi32, #tpu.memory_space<vmem>>) semaphore(%arg13 : memref<!tpu.dma_semaphore, #tpu.memory_space<semaphore_mem>>)
    %dma_start3A_129 = arith.constant 1 : i32
    %dma_start3A_130 = arith.constant 1 : i32
    %dma_start3A_131 = arith.constant 1 : i32
    %dma_start3A_132 = arith.constant 100 : i32
    %dma_start3A_133 = arith.constant 0 : i32
    %dma_start3A_134 = tpu.memref_slice %arg7[%dma_start3A_131, %dma_start3A_132, %dma_start3A_133] : memref<3x200x128xf32, #tpu.memory_space<vmem>> -> memref<1x100x128xf32, #tpu.memory_space<vmem>>
    %dma_start3A_135 = tpu.memref_squeeze %dma_start3A_134 : memref<1x100x128xf32, #tpu.memory_space<vmem>> -> memref<100x128xf32, #tpu.memory_space<vmem>>
    %dma_start3A_136 = arith.constant 0 : i32
    %dma_start3A_137 = tpu.memref_slice %arg6[%dma_start3A_129, %dma_start3A_130, %dma_start3A_136] : memref<3x2x100xi32, #tpu.memory_space<vmem>> -> memref<1x1x100xi32, #tpu.memory_space<vmem>>
    %dma_start3A_138 = tpu.memref_squeeze %dma_start3A_137 : memref<1x1x100xi32, #tpu.memory_space<vmem>> -> memref<100xi32, #tpu.memory_space<vmem>>
    %dma_start3A_139 = arith.constant 0 : i32
    %dma_start3A_140 = arith.constant 0 : i32
    %dma_start3A_141 = tpu.memref_slice %arg3[%dma_start3A_139, %dma_start3A_140] : memref<100000x128xf32, #tpu.memory_space<hbm>> -> memref<100000x128xf32, #tpu.memory_space<hbm>>
    tpu.enqueue_indirect_dma source(%dma_start3A_141 : memref<100000x128xf32, #tpu.memory_space<hbm>>) target(%dma_start3A_135 : memref<100x128xf32, #tpu.memory_space<vmem>>) offsets(%dma_start3A_138 : memref<100xi32, #tpu.memory_space<vmem>>) semaphore(%arg13 : memref<!tpu.dma_semaphore, #tpu.memory_space<semaphore_mem>>)
    %dma_wait3A_142 = arith.constant 0 : i32
    %dma_wait3A_143 = arith.constant 0 : i32
    %dma_wait3A_144 = arith.constant 0 : i32
    %dma_wait3A_145 = arith.constant 0 : i32
    %dma_wait3A_146 = arith.constant 0 : i32
    %dma_wait3A_147 = tpu.memref_slice %arg7[%dma_wait3A_144, %dma_wait3A_145, %dma_wait3A_146] : memref<3x200x128xf32, #tpu.memory_space<vmem>> -> memref<1x100x128xf32, #tpu.memory_space<vmem>>
    %dma_wait3A_148 = tpu.memref_squeeze %dma_wait3A_147 : memref<1x100x128xf32, #tpu.memory_space<vmem>> -> memref<100x128xf32, #tpu.memory_space<vmem>>
    %dma_wait3A_149 = arith.constant 0 : i32
    %dma_wait3A_150 = tpu.memref_slice %arg6[%dma_wait3A_142, %dma_wait3A_143, %dma_wait3A_149] : memref<3x2x100xi32, #tpu.memory_space<vmem>> -> memref<1x1x100xi32, #tpu.memory_space<vmem>>
    %dma_wait3A_151 = tpu.memref_squeeze %dma_wait3A_150 : memref<1x1x100xi32, #tpu.memory_space<vmem>> -> memref<100xi32, #tpu.memory_space<vmem>>
    %dma_wait3A_152 = arith.constant 0 : i32
    %dma_wait3A_153 = arith.constant 0 : i32
    %dma_wait3A_154 = tpu.memref_slice %arg3[%dma_wait3A_152, %dma_wait3A_153] : memref<100000x128xf32, #tpu.memory_space<hbm>> -> memref<100000x128xf32, #tpu.memory_space<hbm>>
    tpu.wait_indirect_dma semaphore(%arg12 : memref<!tpu.dma_semaphore, #tpu.memory_space<semaphore_mem>>) src(%dma_wait3A_154 : memref<100000x128xf32, #tpu.memory_space<hbm>>) dst(%dma_wait3A_148 : memref<100x128xf32, #tpu.memory_space<vmem>>)
    %dma_wait3A_155 = arith.constant 0 : i32
    %dma_wait3A_156 = arith.constant 1 : i32
    %dma_wait3A_157 = arith.constant 0 : i32
    %dma_wait3A_158 = arith.constant 100 : i32
    %dma_wait3A_159 = arith.constant 0 : i32
    %dma_wait3A_160 = tpu.memref_slice %arg7[%dma_wait3A_157, %dma_wait3A_158, %dma_wait3A_159] : memref<3x200x128xf32, #tpu.memory_space<vmem>> -> memref<1x100x128xf32, #tpu.memory_space<vmem>>
    %dma_wait3A_161 = tpu.memref_squeeze %dma_wait3A_160 : memref<1x100x128xf32, #tpu.memory_space<vmem>> -> memref<100x128xf32, #tpu.memory_space<vmem>>
    %dma_wait3A_162 = arith.constant 0 : i32
    %dma_wait3A_163 = tpu.memref_slice %arg6[%dma_wait3A_155, %dma_wait3A_156, %dma_wait3A_162] : memref<3x2x100xi32, #tpu.memory_space<vmem>> -> memref<1x1x100xi32, #tpu.memory_space<vmem>>
    %dma_wait3A_164 = tpu.memref_squeeze %dma_wait3A_163 : memref<1x1x100xi32, #tpu.memory_space<vmem>> -> memref<100xi32, #tpu.memory_space<vmem>>
    %dma_wait3A_165 = arith.constant 0 : i32
    %dma_wait3A_166 = arith.constant 0 : i32
    %dma_wait3A_167 = tpu.memref_slice %arg3[%dma_wait3A_165, %dma_wait3A_166] : memref<100000x128xf32, #tpu.memory_space<hbm>> -> memref<100000x128xf32, #tpu.memory_space<hbm>>
    tpu.wait_indirect_dma semaphore(%arg12 : memref<!tpu.dma_semaphore, #tpu.memory_space<semaphore_mem>>) src(%dma_wait3A_167 : memref<100000x128xf32, #tpu.memory_space<hbm>>) dst(%dma_wait3A_161 : memref<100x128xf32, #tpu.memory_space<vmem>>)
    %scan3A_168 = arith.constant 0 : i32
    %scan3A_169 = arith.constant 200 : i32
    %scan3A_170 = arith.addi %scan3A_168, %scan3A_169 : i32
    %scan3A_171 = arith.constant 2 : i32
    scf.for %scan3A_289 = %scan3A_168 to %scan3A_170 step %scan3A_171  : i32 {
      %mul3A_290 = arith.constant 1 : i32
      %mul3A_291 = arith.muli %scan3A_289, %mul3A_290 : i32
      %add3A_292 = arith.constant 0 : i32
      %add3A_293 = arith.addi %add3A_292, %mul3A_291 : i32
      %get3A = arith.index_cast %add3A_293 : i32 to index
      %get3A_294 = arith.constant 0 : index
      %get3A_295 = tpu.vector_load %arg8[%get3A, %get3A_294] {strides = array<i32>} : memref<200x128xf32, #tpu.memory_space<vmem>>, vector<1x16xf32>,
      %get3A_296 = vector.shape_cast %get3A_295 : vector<1x16xf32> to vector<16xf32>
      %swap3A = arith.constant 0 : i32
      %swap3A_297 = arith.index_cast %swap3A : i32 to index
      %swap3A_298 = arith.index_cast %add3A_293 : i32 to index
      %swap3A_299 = arith.constant 0 : index
      %swap3A_300 = tpu.vector_load %arg7[%swap3A_297, %swap3A_298, %swap3A_299] {strides = array<i32>} : memref<3x200x128xf32, #tpu.memory_space<vmem>>, vector<1x1x16xf32>,
      %swap3A_301 = vector.shape_cast %swap3A_300 : vector<1x1x16xf32> to vector<16xf32>
      %swap3A_302 = vector.shape_cast %get3A_296 : vector<16xf32> to vector<1x1x16xf32>
      tpu.vector_store %arg7[%swap3A_297, %swap3A_298, %swap3A_299], %swap3A_302 {add = true, strides = array<i32>} : memref<3x200x128xf32, #tpu.memory_space<vmem>>, vector<1x1x16xf32>,
      %get3A_303 = arith.index_cast %add3A_293 : i32 to index
      %get3A_304 = arith.constant 16 : index
      %get3A_305 = tpu.vector_load %arg8[%get3A_303, %get3A_304] {strides = array<i32>} : memref<200x128xf32, #tpu.memory_space<vmem>>, vector<1x16xf32>,
      %get3A_306 = vector.shape_cast %get3A_305 : vector<1x16xf32> to vector<16xf32>
      %swap3A_307 = arith.constant 0 : i32
      %swap3A_308 = arith.index_cast %swap3A_307 : i32 to index
      %swap3A_309 = arith.index_cast %add3A_293 : i32 to index
      %swap3A_310 = arith.constant 16 : index
      %swap3A_311 = tpu.vector_load %arg7[%swap3A_308, %swap3A_309, %swap3A_310] {strides = array<i32>} : memref<3x200x128xf32, #tpu.memory_space<vmem>>, vector<1x1x16xf32>,
      %swap3A_312 = vector.shape_cast %swap3A_311 : vector<1x1x16xf32> to vector<16xf32>
      %swap3A_313 = vector.shape_cast %get3A_306 : vector<16xf32> to vector<1x1x16xf32>
      tpu.vector_store %arg7[%swap3A_308, %swap3A_309, %swap3A_310], %swap3A_313 {add = true, strides = array<i32>} : memref<3x200x128xf32, #tpu.memory_space<vmem>>, vector<1x1x16xf32>,
      %get3A_314 = arith.index_cast %add3A_293 : i32 to index
      %get3A_315 = arith.constant 32 : index
      %get3A_316 = tpu.vector_load %arg8[%get3A_314, %get3A_315] {strides = array<i32>} : memref<200x128xf32, #tpu.memory_space<vmem>>, vector<1x16xf32>,
      %get3A_317 = vector.shape_cast %get3A_316 : vector<1x16xf32> to vector<16xf32>
      %swap3A_318 = arith.constant 0 : i32
      %swap3A_319 = arith.index_cast %swap3A_318 : i32 to index
      %swap3A_320 = arith.index_cast %add3A_293 : i32 to index
      %swap3A_321 = arith.constant 32 : index
      %swap3A_322 = tpu.vector_load %arg7[%swap3A_319, %swap3A_320, %swap3A_321] {strides = array<i32>} : memref<3x200x128xf32, #tpu.memory_space<vmem>>, vector<1x1x16xf32>,
      %swap3A_323 = vector.shape_cast %swap3A_322 : vector<1x1x16xf32> to vector<16xf32>
      %swap3A_324 = vector.shape_cast %get3A_317 : vector<16xf32> to vector<1x1x16xf32>
      tpu.vector_store %arg7[%swap3A_319, %swap3A_320, %swap3A_321], %swap3A_324 {add = true, strides = array<i32>} : memref<3x200x128xf32, #tpu.memory_space<vmem>>, vector<1x1x16xf32>,
      %get3A_325 = arith.index_cast %add3A_293 : i32 to index
      %get3A_326 = arith.constant 48 : index
      %get3A_327 = tpu.vector_load %arg8[%get3A_325, %get3A_326] {strides = array<i32>} : memref<200x128xf32, #tpu.memory_space<vmem>>, vector<1x16xf32>,
      %get3A_328 = vector.shape_cast %get3A_327 : vector<1x16xf32> to vector<16xf32>
      %swap3A_329 = arith.constant 0 : i32
      %swap3A_330 = arith.index_cast %swap3A_329 : i32 to index
      %swap3A_331 = arith.index_cast %add3A_293 : i32 to index
      %swap3A_332 = arith.constant 48 : index
      %swap3A_333 = tpu.vector_load %arg7[%swap3A_330, %swap3A_331, %swap3A_332] {strides = array<i32>} : memref<3x200x128xf32, #tpu.memory_space<vmem>>, vector<1x1x16xf32>,
      %swap3A_334 = vector.shape_cast %swap3A_333 : vector<1x1x16xf32> to vector<16xf32>
      %swap3A_335 = vector.shape_cast %get3A_328 : vector<16xf32> to vector<1x1x16xf32>
      tpu.vector_store %arg7[%swap3A_330, %swap3A_331, %swap3A_332], %swap3A_335 {add = true, strides = array<i32>} : memref<3x200x128xf32, #tpu.memory_space<vmem>>, vector<1x1x16xf32>,
      %get3A_336 = arith.index_cast %add3A_293 : i32 to index
      %get3A_337 = arith.constant 64 : index
      %get3A_338 = tpu.vector_load %arg8[%get3A_336, %get3A_337] {strides = array<i32>} : memref<200x128xf32, #tpu.memory_space<vmem>>, vector<1x16xf32>,
      %get3A_339 = vector.shape_cast %get3A_338 : vector<1x16xf32> to vector<16xf32>
      %swap3A_340 = arith.constant 0 : i32
      %swap3A_341 = arith.index_cast %swap3A_340 : i32 to index
      %swap3A_342 = arith.index_cast %add3A_293 : i32 to index
      %swap3A_343 = arith.constant 64 : index
      %swap3A_344 = tpu.vector_load %arg7[%swap3A_341, %swap3A_342, %swap3A_343] {strides = array<i32>} : memref<3x200x128xf32, #tpu.memory_space<vmem>>, vector<1x1x16xf32>,
      %swap3A_345 = vector.shape_cast %swap3A_344 : vector<1x1x16xf32> to vector<16xf32>
      %swap3A_346 = vector.shape_cast %get3A_339 : vector<16xf32> to vector<1x1x16xf32>
      tpu.vector_store %arg7[%swap3A_341, %swap3A_342, %swap3A_343], %swap3A_346 {add = true, strides = array<i32>} : memref<3x200x128xf32, #tpu.memory_space<vmem>>, vector<1x1x16xf32>,
      %get3A_347 = arith.index_cast %add3A_293 : i32 to index
      %get3A_348 = arith.constant 80 : index
      %get3A_349 = tpu.vector_load %arg8[%get3A_347, %get3A_348] {strides = array<i32>} : memref<200x128xf32, #tpu.memory_space<vmem>>, vector<1x16xf32>,
      %get3A_350 = vector.shape_cast %get3A_349 : vector<1x16xf32> to vector<16xf32>
      %swap3A_351 = arith.constant 0 : i32
      %swap3A_352 = arith.index_cast %swap3A_351 : i32 to index
      %swap3A_353 = arith.index_cast %add3A_293 : i32 to index
      %swap3A_354 = arith.constant 80 : index
      %swap3A_355 = tpu.vector_load %arg7[%swap3A_352, %swap3A_353, %swap3A_354] {strides = array<i32>} : memref<3x200x128xf32, #tpu.memory_space<vmem>>, vector<1x1x16xf32>,
      %swap3A_356 = vector.shape_cast %swap3A_355 : vector<1x1x16xf32> to vector<16xf32>
      %swap3A_357 = vector.shape_cast %get3A_350 : vector<16xf32> to vector<1x1x16xf32>
      tpu.vector_store %arg7[%swap3A_352, %swap3A_353, %swap3A_354], %swap3A_357 {add = true, strides = array<i32>} : memref<3x200x128xf32, #tpu.memory_space<vmem>>, vector<1x1x16xf32>,
      %get3A_358 = arith.index_cast %add3A_293 : i32 to index
      %get3A_359 = arith.constant 96 : index
      %get3A_360 = tpu.vector_load %arg8[%get3A_358, %get3A_359] {strides = array<i32>} : memref<200x128xf32, #tpu.memory_space<vmem>>, vector<1x16xf32>,
      %get3A_361 = vector.shape_cast %get3A_360 : vector<1x16xf32> to vector<16xf32>
      %swap3A_362 = arith.constant 0 : i32
      %swap3A_363 = arith.index_cast %swap3A_362 : i32 to index
      %swap3A_364 = arith.index_cast %add3A_293 : i32 to index
      %swap3A_365 = arith.constant 96 : index
      %swap3A_366 = tpu.vector_load %arg7[%swap3A_363, %swap3A_364, %swap3A_365] {strides = array<i32>} : memref<3x200x128xf32, #tpu.memory_space<vmem>>, vector<1x1x16xf32>,
      %swap3A_367 = vector.shape_cast %swap3A_366 : vector<1x1x16xf32> to vector<16xf32>
      %swap3A_368 = vector.shape_cast %get3A_361 : vector<16xf32> to vector<1x1x16xf32>
      tpu.vector_store %arg7[%swap3A_363, %swap3A_364, %swap3A_365], %swap3A_368 {add = true, strides = array<i32>} : memref<3x200x128xf32, #tpu.memory_space<vmem>>, vector<1x1x16xf32>,
      %get3A_369 = arith.index_cast %add3A_293 : i32 to index
      %get3A_370 = arith.constant 112 : index
      %get3A_371 = tpu.vector_load %arg8[%get3A_369, %get3A_370] {strides = array<i32>} : memref<200x128xf32, #tpu.memory_space<vmem>>, vector<1x16xf32>,
      %get3A_372 = vector.shape_cast %get3A_371 : vector<1x16xf32> to vector<16xf32>
      %swap3A_373 = arith.constant 0 : i32
      %swap3A_374 = arith.index_cast %swap3A_373 : i32 to index
      %swap3A_375 = arith.index_cast %add3A_293 : i32 to index
      %swap3A_376 = arith.constant 112 : index
      %swap3A_377 = tpu.vector_load %arg7[%swap3A_374, %swap3A_375, %swap3A_376] {strides = array<i32>} : memref<3x200x128xf32, #tpu.memory_space<vmem>>, vector<1x1x16xf32>,
      %swap3A_378 = vector.shape_cast %swap3A_377 : vector<1x1x16xf32> to vector<16xf32>
      %swap3A_379 = vector.shape_cast %get3A_372 : vector<16xf32> to vector<1x1x16xf32>
      tpu.vector_store %arg7[%swap3A_374, %swap3A_375, %swap3A_376], %swap3A_379 {add = true, strides = array<i32>} : memref<3x200x128xf32, #tpu.memory_space<vmem>>, vector<1x1x16xf32>,
      %scan3A_380 = arith.constant 1 : i32
      %scan3A_381 = arith.addi %scan3A_289, %scan3A_380 : i32
      %mul3A_382 = arith.constant 1 : i32
      %mul3A_383 = arith.muli %scan3A_381, %mul3A_382 : i32
      %add3A_384 = arith.constant 0 : i32
      %add3A_385 = arith.addi %add3A_384, %mul3A_383 : i32
      %get3A_386 = arith.index_cast %add3A_385 : i32 to index
      %get3A_387 = arith.constant 0 : index
      %get3A_388 = tpu.vector_load %arg8[%get3A_386, %get3A_387] {strides = array<i32>} : memref<200x128xf32, #tpu.memory_space<vmem>>, vector<1x16xf32>,
      %get3A_389 = vector.shape_cast %get3A_388 : vector<1x16xf32> to vector<16xf32>
      %swap3A_390 = arith.constant 0 : i32
      %swap3A_391 = arith.index_cast %swap3A_390 : i32 to index
      %swap3A_392 = arith.index_cast %add3A_385 : i32 to index
      %swap3A_393 = arith.constant 0 : index
      %swap3A_394 = tpu.vector_load %arg7[%swap3A_391, %swap3A_392, %swap3A_393] {strides = array<i32>} : memref<3x200x128xf32, #tpu.memory_space<vmem>>, vector<1x1x16xf32>,
      %swap3A_395 = vector.shape_cast %swap3A_394 : vector<1x1x16xf32> to vector<16xf32>
      %swap3A_396 = vector.shape_cast %get3A_389 : vector<16xf32> to vector<1x1x16xf32>
      tpu.vector_store %arg7[%swap3A_391, %swap3A_392, %swap3A_393], %swap3A_396 {add = true, strides = array<i32>} : memref<3x200x128xf32, #tpu.memory_space<vmem>>, vector<1x1x16xf32>,
      %get3A_397 = arith.index_cast %add3A_385 : i32 to index
      %get3A_398 = arith.constant 16 : index
      %get3A_399 = tpu.vector_load %arg8[%get3A_397, %get3A_398] {strides = array<i32>} : memref<200x128xf32, #tpu.memory_space<vmem>>, vector<1x16xf32>,
      %get3A_400 = vector.shape_cast %get3A_399 : vector<1x16xf32> to vector<16xf32>
      %swap3A_401 = arith.constant 0 : i32
      %swap3A_402 = arith.index_cast %swap3A_401 : i32 to index
      %swap3A_403 = arith.index_cast %add3A_385 : i32 to index
      %swap3A_404 = arith.constant 16 : index
      %swap3A_405 = tpu.vector_load %arg7[%swap3A_402, %swap3A_403, %swap3A_404] {strides = array<i32>} : memref<3x200x128xf32, #tpu.memory_space<vmem>>, vector<1x1x16xf32>,
      %swap3A_406 = vector.shape_cast %swap3A_405 : vector<1x1x16xf32> to vector<16xf32>
      %swap3A_407 = vector.shape_cast %get3A_400 : vector<16xf32> to vector<1x1x16xf32>
      tpu.vector_store %arg7[%swap3A_402, %swap3A_403, %swap3A_404], %swap3A_407 {add = true, strides = array<i32>} : memref<3x200x128xf32, #tpu.memory_space<vmem>>, vector<1x1x16xf32>,
      %get3A_408 = arith.index_cast %add3A_385 : i32 to index
      %get3A_409 = arith.constant 32 : index
      %get3A_410 = tpu.vector_load %arg8[%get3A_408, %get3A_409] {strides = array<i32>} : memref<200x128xf32, #tpu.memory_space<vmem>>, vector<1x16xf32>,
      %get3A_411 = vector.shape_cast %get3A_410 : vector<1x16xf32> to vector<16xf32>
      %swap3A_412 = arith.constant 0 : i32
      %swap3A_413 = arith.index_cast %swap3A_412 : i32 to index
      %swap3A_414 = arith.index_cast %add3A_385 : i32 to index
      %swap3A_415 = arith.constant 32 : index
      %swap3A_416 = tpu.vector_load %arg7[%swap3A_413, %swap3A_414, %swap3A_415] {strides = array<i32>} : memref<3x200x128xf32, #tpu.memory_space<vmem>>, vector<1x1x16xf32>,
      %swap3A_417 = vector.shape_cast %swap3A_416 : vector<1x1x16xf32> to vector<16xf32>
      %swap3A_418 = vector.shape_cast %get3A_411 : vector<16xf32> to vector<1x1x16xf32>
      tpu.vector_store %arg7[%swap3A_413, %swap3A_414, %swap3A_415], %swap3A_418 {add = true, strides = array<i32>} : memref<3x200x128xf32, #tpu.memory_space<vmem>>, vector<1x1x16xf32>,
      %get3A_419 = arith.index_cast %add3A_385 : i32 to index
      %get3A_420 = arith.constant 48 : index
      %get3A_421 = tpu.vector_load %arg8[%get3A_419, %get3A_420] {strides = array<i32>} : memref<200x128xf32, #tpu.memory_space<vmem>>, vector<1x16xf32>,
      %get3A_422 = vector.shape_cast %get3A_421 : vector<1x16xf32> to vector<16xf32>
      %swap3A_423 = arith.constant 0 : i32
      %swap3A_424 = arith.index_cast %swap3A_423 : i32 to index
      %swap3A_425 = arith.index_cast %add3A_385 : i32 to index
      %swap3A_426 = arith.constant 48 : index
      %swap3A_427 = tpu.vector_load %arg7[%swap3A_424, %swap3A_425, %swap3A_426] {strides = array<i32>} : memref<3x200x128xf32, #tpu.memory_space<vmem>>, vector<1x1x16xf32>,
      %swap3A_428 = vector.shape_cast %swap3A_427 : vector<1x1x16xf32> to vector<16xf32>
      %swap3A_429 = vector.shape_cast %get3A_422 : vector<16xf32> to vector<1x1x16xf32>
      tpu.vector_store %arg7[%swap3A_424, %swap3A_425, %swap3A_426], %swap3A_429 {add = true, strides = array<i32>} : memref<3x200x128xf32, #tpu.memory_space<vmem>>, vector<1x1x16xf32>,
      %get3A_430 = arith.index_cast %add3A_385 : i32 to index
      %get3A_431 = arith.constant 64 : index
      %get3A_432 = tpu.vector_load %arg8[%get3A_430, %get3A_431] {strides = array<i32>} : memref<200x128xf32, #tpu.memory_space<vmem>>, vector<1x16xf32>,
      %get3A_433 = vector.shape_cast %get3A_432 : vector<1x16xf32> to vector<16xf32>
      %swap3A_434 = arith.constant 0 : i32
      %swap3A_435 = arith.index_cast %swap3A_434 : i32 to index
      %swap3A_436 = arith.index_cast %add3A_385 : i32 to index
      %swap3A_437 = arith.constant 64 : index
      %swap3A_438 = tpu.vector_load %arg7[%swap3A_435, %swap3A_436, %swap3A_437] {strides = array<i32>} : memref<3x200x128xf32, #tpu.memory_space<vmem>>, vector<1x1x16xf32>,
      %swap3A_439 = vector.shape_cast %swap3A_438 : vector<1x1x16xf32> to vector<16xf32>
      %swap3A_440 = vector.shape_cast %get3A_433 : vector<16xf32> to vector<1x1x16xf32>
      tpu.vector_store %arg7[%swap3A_435, %swap3A_436, %swap3A_437], %swap3A_440 {add = true, strides = array<i32>} : memref<3x200x128xf32, #tpu.memory_space<vmem>>, vector<1x1x16xf32>,
      %get3A_441 = arith.index_cast %add3A_385 : i32 to index
      %get3A_442 = arith.constant 80 : index
      %get3A_443 = tpu.vector_load %arg8[%get3A_441, %get3A_442] {strides = array<i32>} : memref<200x128xf32, #tpu.memory_space<vmem>>, vector<1x16xf32>,
      %get3A_444 = vector.shape_cast %get3A_443 : vector<1x16xf32> to vector<16xf32>
      %swap3A_445 = arith.constant 0 : i32
      %swap3A_446 = arith.index_cast %swap3A_445 : i32 to index
      %swap3A_447 = arith.index_cast %add3A_385 : i32 to index
      %swap3A_448 = arith.constant 80 : index
      %swap3A_449 = tpu.vector_load %arg7[%swap3A_446, %swap3A_447, %swap3A_448] {strides = array<i32>} : memref<3x200x128xf32, #tpu.memory_space<vmem>>, vector<1x1x16xf32>,
      %swap3A_450 = vector.shape_cast %swap3A_449 : vector<1x1x16xf32> to vector<16xf32>
      %swap3A_451 = vector.shape_cast %get3A_444 : vector<16xf32> to vector<1x1x16xf32>
      tpu.vector_store %arg7[%swap3A_446, %swap3A_447, %swap3A_448], %swap3A_451 {add = true, strides = array<i32>} : memref<3x200x128xf32, #tpu.memory_space<vmem>>, vector<1x1x16xf32>,
      %get3A_452 = arith.index_cast %add3A_385 : i32 to index
      %get3A_453 = arith.constant 96 : index
      %get3A_454 = tpu.vector_load %arg8[%get3A_452, %get3A_453] {strides = array<i32>} : memref<200x128xf32, #tpu.memory_space<vmem>>, vector<1x16xf32>,
      %get3A_455 = vector.shape_cast %get3A_454 : vector<1x16xf32> to vector<16xf32>
      %swap3A_456 = arith.constant 0 : i32
      %swap3A_457 = arith.index_cast %swap3A_456 : i32 to index
      %swap3A_458 = arith.index_cast %add3A_385 : i32 to index
      %swap3A_459 = arith.constant 96 : index
      %swap3A_460 = tpu.vector_load %arg7[%swap3A_457, %swap3A_458, %swap3A_459] {strides = array<i32>} : memref<3x200x128xf32, #tpu.memory_space<vmem>>, vector<1x1x16xf32>,
      %swap3A_461 = vector.shape_cast %swap3A_460 : vector<1x1x16xf32> to vector<16xf32>
      %swap3A_462 = vector.shape_cast %get3A_455 : vector<16xf32> to vector<1x1x16xf32>
      tpu.vector_store %arg7[%swap3A_457, %swap3A_458, %swap3A_459], %swap3A_462 {add = true, strides = array<i32>} : memref<3x200x128xf32, #tpu.memory_space<vmem>>, vector<1x1x16xf32>,
      %get3A_463 = arith.index_cast %add3A_385 : i32 to index
      %get3A_464 = arith.constant 112 : index
      %get3A_465 = tpu.vector_load %arg8[%get3A_463, %get3A_464] {strides = array<i32>} : memref<200x128xf32, #tpu.memory_space<vmem>>, vector<1x16xf32>,
      %get3A_466 = vector.shape_cast %get3A_465 : vector<1x16xf32> to vector<16xf32>
      %swap3A_467 = arith.constant 0 : i32
      %swap3A_468 = arith.index_cast %swap3A_467 : i32 to index
      %swap3A_469 = arith.index_cast %add3A_385 : i32 to index
      %swap3A_470 = arith.constant 112 : index
      %swap3A_471 = tpu.vector_load %arg7[%swap3A_468, %swap3A_469, %swap3A_470] {strides = array<i32>} : memref<3x200x128xf32, #tpu.memory_space<vmem>>, vector<1x1x16xf32>,
      %swap3A_472 = vector.shape_cast %swap3A_471 : vector<1x1x16xf32> to vector<16xf32>
      %swap3A_473 = vector.shape_cast %get3A_466 : vector<16xf32> to vector<1x1x16xf32>
      tpu.vector_store %arg7[%swap3A_468, %swap3A_469, %swap3A_470], %swap3A_473 {add = true, strides = array<i32>} : memref<3x200x128xf32, #tpu.memory_space<vmem>>, vector<1x1x16xf32>,
    }
    %scan3A_172 = arith.constant 200 : i32
    %add3A_173 = arith.constant 126 : i32
    %add3A_174 = arith.addi %mul3A_2, %add3A_173 : i32
    %mul3A_175 = arith.constant 200 : i32
    %mul3A_176 = arith.muli %add3A_174, %mul3A_175 : i32
    %dma_start3A_177 = arith.constant 0 : i32
    %dma_start3A_178 = arith.constant 0 : i32
    %dma_start3A_179 = arith.constant 0 : i32
    %dma_start3A_180 = tpu.memref_slice %arg7[%dma_start3A_177, %dma_start3A_178, %dma_start3A_179] : memref<3x200x128xf32, #tpu.memory_space<vmem>> -> memref<1x200x128xf32, #tpu.memory_space<vmem>>
    %dma_start3A_181 = tpu.memref_squeeze %dma_start3A_180 : memref<1x200x128xf32, #tpu.memory_space<vmem>> -> memref<200x128xf32, #tpu.memory_space<vmem>>
    %dma_start3A_182 = arith.constant 0 : i32
    %dma_start3A_183 = tpu.memref_slice %arg5[%mul3A_176, %dma_start3A_182] : memref<819200x128xf32, #tpu.memory_space<hbm>> -> memref<200x128xf32, #tpu.memory_space<hbm>>
    %dma_start3A_184 = arith.constant 0 : i32
    %dma_start3A_185 = tpu.memref_slice %arg5[%mul3A_176, %dma_start3A_184] : memref<819200x128xf32, #tpu.memory_space<hbm>> -> memref<200x128xf32, #tpu.memory_space<hbm>>
    %dma_start3A_186 = arith.constant 0 : i32
    %dma_start3A_187 = arith.constant 0 : i32
    %dma_start3A_188 = tpu.memref_slice %arg7[%dma_start3A_177, %dma_start3A_186, %dma_start3A_187] : memref<3x200x128xf32, #tpu.memory_space<vmem>> -> memref<1x200x128xf32, #tpu.memory_space<vmem>>
    %dma_start3A_189 = tpu.memref_squeeze %dma_start3A_188 : memref<1x200x128xf32, #tpu.memory_space<vmem>> -> memref<200x128xf32, #tpu.memory_space<vmem>>
    tpu.enqueue_dma source(%dma_start3A_189 : memref<200x128xf32, #tpu.memory_space<vmem>>) target(%dma_start3A_185 : memref<200x128xf32, #tpu.memory_space<hbm>>) target_semaphore(%arg15 : memref<!tpu.dma_semaphore, #tpu.memory_space<semaphore_mem>>)
    %dma_wait3A_190 = arith.constant 1 : i32
    %dma_wait3A_191 = arith.constant 0 : i32
    %dma_wait3A_192 = arith.constant 1 : i32
    %dma_wait3A_193 = arith.constant 0 : i32
    %dma_wait3A_194 = arith.constant 0 : i32
    %dma_wait3A_195 = tpu.memref_slice %arg7[%dma_wait3A_192, %dma_wait3A_193, %dma_wait3A_194] : memref<3x200x128xf32, #tpu.memory_space<vmem>> -> memref<1x100x128xf32, #tpu.memory_space<vmem>>
    %dma_wait3A_196 = tpu.memref_squeeze %dma_wait3A_195 : memref<1x100x128xf32, #tpu.memory_space<vmem>> -> memref<100x128xf32, #tpu.memory_space<vmem>>
    %dma_wait3A_197 = arith.constant 0 : i32
    %dma_wait3A_198 = tpu.memref_slice %arg6[%dma_wait3A_190, %dma_wait3A_191, %dma_wait3A_197] : memref<3x2x100xi32, #tpu.memory_space<vmem>> -> memref<1x1x100xi32, #tpu.memory_space<vmem>>
    %dma_wait3A_199 = tpu.memref_squeeze %dma_wait3A_198 : memref<1x1x100xi32, #tpu.memory_space<vmem>> -> memref<100xi32, #tpu.memory_space<vmem>>
    %dma_wait3A_200 = arith.constant 0 : i32
    %dma_wait3A_201 = arith.constant 0 : i32
    %dma_wait3A_202 = tpu.memref_slice %arg3[%dma_wait3A_200, %dma_wait3A_201] : memref<100000x128xf32, #tpu.memory_space<hbm>> -> memref<100000x128xf32, #tpu.memory_space<hbm>>
    tpu.wait_indirect_dma semaphore(%arg13 : memref<!tpu.dma_semaphore, #tpu.memory_space<semaphore_mem>>) src(%dma_wait3A_202 : memref<100000x128xf32, #tpu.memory_space<hbm>>) dst(%dma_wait3A_196 : memref<100x128xf32, #tpu.memory_space<vmem>>)
    %dma_wait3A_203 = arith.constant 1 : i32
    %dma_wait3A_204 = arith.constant 1 : i32
    %dma_wait3A_205 = arith.constant 1 : i32
    %dma_wait3A_206 = arith.constant 100 : i32
    %dma_wait3A_207 = arith.constant 0 : i32
    %dma_wait3A_208 = tpu.memref_slice %arg7[%dma_wait3A_205, %dma_wait3A_206, %dma_wait3A_207] : memref<3x200x128xf32, #tpu.memory_space<vmem>> -> memref<1x100x128xf32, #tpu.memory_space<vmem>>
    %dma_wait3A_209 = tpu.memref_squeeze %dma_wait3A_208 : memref<1x100x128xf32, #tpu.memory_space<vmem>> -> memref<100x128xf32, #tpu.memory_space<vmem>>
    %dma_wait3A_210 = arith.constant 0 : i32
    %dma_wait3A_211 = tpu.memref_slice %arg6[%dma_wait3A_203, %dma_wait3A_204, %dma_wait3A_210] : memref<3x2x100xi32, #tpu.memory_space<vmem>> -> memref<1x1x100xi32, #tpu.memory_space<vmem>>
    %dma_wait3A_212 = tpu.memref_squeeze %dma_wait3A_211 : memref<1x1x100xi32, #tpu.memory_space<vmem>> -> memref<100xi32, #tpu.memory_space<vmem>>
    %dma_wait3A_213 = arith.constant 0 : i32
    %dma_wait3A_214 = arith.constant 0 : i32
    %dma_wait3A_215 = tpu.memref_slice %arg3[%dma_wait3A_213, %dma_wait3A_214] : memref<100000x128xf32, #tpu.memory_space<hbm>> -> memref<100000x128xf32, #tpu.memory_space<hbm>>
    tpu.wait_indirect_dma semaphore(%arg13 : memref<!tpu.dma_semaphore, #tpu.memory_space<semaphore_mem>>) src(%dma_wait3A_215 : memref<100000x128xf32, #tpu.memory_space<hbm>>) dst(%dma_wait3A_209 : memref<100x128xf32, #tpu.memory_space<vmem>>)
    %scan3A_216 = arith.constant 0 : i32
    %scan3A_217 = arith.constant 200 : i32
    %scan3A_218 = arith.addi %scan3A_216, %scan3A_217 : i32
    %scan3A_219 = arith.constant 2 : i32
    scf.for %scan3A_289 = %scan3A_216 to %scan3A_218 step %scan3A_219  : i32 {
      %mul3A_290 = arith.constant 1 : i32
      %mul3A_291 = arith.muli %scan3A_289, %mul3A_290 : i32
      %add3A_292 = arith.constant 0 : i32
      %add3A_293 = arith.addi %add3A_292, %mul3A_291 : i32
      %get3A = arith.index_cast %add3A_293 : i32 to index
      %get3A_294 = arith.constant 0 : index
      %get3A_295 = tpu.vector_load %arg8[%get3A, %get3A_294] {strides = array<i32>} : memref<200x128xf32, #tpu.memory_space<vmem>>, vector<1x16xf32>,
      %get3A_296 = vector.shape_cast %get3A_295 : vector<1x16xf32> to vector<16xf32>
      %swap3A = arith.constant 1 : i32
      %swap3A_297 = arith.index_cast %swap3A : i32 to index
      %swap3A_298 = arith.index_cast %add3A_293 : i32 to index
      %swap3A_299 = arith.constant 0 : index
      %swap3A_300 = tpu.vector_load %arg7[%swap3A_297, %swap3A_298, %swap3A_299] {strides = array<i32>} : memref<3x200x128xf32, #tpu.memory_space<vmem>>, vector<1x1x16xf32>,
      %swap3A_301 = vector.shape_cast %swap3A_300 : vector<1x1x16xf32> to vector<16xf32>
      %swap3A_302 = vector.shape_cast %get3A_296 : vector<16xf32> to vector<1x1x16xf32>
      tpu.vector_store %arg7[%swap3A_297, %swap3A_298, %swap3A_299], %swap3A_302 {add = true, strides = array<i32>} : memref<3x200x128xf32, #tpu.memory_space<vmem>>, vector<1x1x16xf32>,
      %get3A_303 = arith.index_cast %add3A_293 : i32 to index
      %get3A_304 = arith.constant 16 : index
      %get3A_305 = tpu.vector_load %arg8[%get3A_303, %get3A_304] {strides = array<i32>} : memref<200x128xf32, #tpu.memory_space<vmem>>, vector<1x16xf32>,
      %get3A_306 = vector.shape_cast %get3A_305 : vector<1x16xf32> to vector<16xf32>
      %swap3A_307 = arith.constant 1 : i32
      %swap3A_308 = arith.index_cast %swap3A_307 : i32 to index
      %swap3A_309 = arith.index_cast %add3A_293 : i32 to index
      %swap3A_310 = arith.constant 16 : index
      %swap3A_311 = tpu.vector_load %arg7[%swap3A_308, %swap3A_309, %swap3A_310] {strides = array<i32>} : memref<3x200x128xf32, #tpu.memory_space<vmem>>, vector<1x1x16xf32>,
      %swap3A_312 = vector.shape_cast %swap3A_311 : vector<1x1x16xf32> to vector<16xf32>
      %swap3A_313 = vector.shape_cast %get3A_306 : vector<16xf32> to vector<1x1x16xf32>
      tpu.vector_store %arg7[%swap3A_308, %swap3A_309, %swap3A_310], %swap3A_313 {add = true, strides = array<i32>} : memref<3x200x128xf32, #tpu.memory_space<vmem>>, vector<1x1x16xf32>,
      %get3A_314 = arith.index_cast %add3A_293 : i32 to index
      %get3A_315 = arith.constant 32 : index
      %get3A_316 = tpu.vector_load %arg8[%get3A_314, %get3A_315] {strides = array<i32>} : memref<200x128xf32, #tpu.memory_space<vmem>>, vector<1x16xf32>,
      %get3A_317 = vector.shape_cast %get3A_316 : vector<1x16xf32> to vector<16xf32>
      %swap3A_318 = arith.constant 1 : i32
      %swap3A_319 = arith.index_cast %swap3A_318 : i32 to index
      %swap3A_320 = arith.index_cast %add3A_293 : i32 to index
      %swap3A_321 = arith.constant 32 : index
      %swap3A_322 = tpu.vector_load %arg7[%swap3A_319, %swap3A_320, %swap3A_321] {strides = array<i32>} : memref<3x200x128xf32, #tpu.memory_space<vmem>>, vector<1x1x16xf32>,
      %swap3A_323 = vector.shape_cast %swap3A_322 : vector<1x1x16xf32> to vector<16xf32>
      %swap3A_324 = vector.shape_cast %get3A_317 : vector<16xf32> to vector<1x1x16xf32>
      tpu.vector_store %arg7[%swap3A_319, %swap3A_320, %swap3A_321], %swap3A_324 {add = true, strides = array<i32>} : memref<3x200x128xf32, #tpu.memory_space<vmem>>, vector<1x1x16xf32>,
      %get3A_325 = arith.index_cast %add3A_293 : i32 to index
      %get3A_326 = arith.constant 48 : index
      %get3A_327 = tpu.vector_load %arg8[%get3A_325, %get3A_326] {strides = array<i32>} : memref<200x128xf32, #tpu.memory_space<vmem>>, vector<1x16xf32>,
      %get3A_328 = vector.shape_cast %get3A_327 : vector<1x16xf32> to vector<16xf32>
      %swap3A_329 = arith.constant 1 : i32
      %swap3A_330 = arith.index_cast %swap3A_329 : i32 to index
      %swap3A_331 = arith.index_cast %add3A_293 : i32 to index
      %swap3A_332 = arith.constant 48 : index
      %swap3A_333 = tpu.vector_load %arg7[%swap3A_330, %swap3A_331, %swap3A_332] {strides = array<i32>} : memref<3x200x128xf32, #tpu.memory_space<vmem>>, vector<1x1x16xf32>,
      %swap3A_334 = vector.shape_cast %swap3A_333 : vector<1x1x16xf32> to vector<16xf32>
      %swap3A_335 = vector.shape_cast %get3A_328 : vector<16xf32> to vector<1x1x16xf32>
      tpu.vector_store %arg7[%swap3A_330, %swap3A_331, %swap3A_332], %swap3A_335 {add = true, strides = array<i32>} : memref<3x200x128xf32, #tpu.memory_space<vmem>>, vector<1x1x16xf32>,
      %get3A_336 = arith.index_cast %add3A_293 : i32 to index
      %get3A_337 = arith.constant 64 : index
      %get3A_338 = tpu.vector_load %arg8[%get3A_336, %get3A_337] {strides = array<i32>} : memref<200x128xf32, #tpu.memory_space<vmem>>, vector<1x16xf32>,
      %get3A_339 = vector.shape_cast %get3A_338 : vector<1x16xf32> to vector<16xf32>
      %swap3A_340 = arith.constant 1 : i32
      %swap3A_341 = arith.index_cast %swap3A_340 : i32 to index
      %swap3A_342 = arith.index_cast %add3A_293 : i32 to index
      %swap3A_343 = arith.constant 64 : index
      %swap3A_344 = tpu.vector_load %arg7[%swap3A_341, %swap3A_342, %swap3A_343] {strides = array<i32>} : memref<3x200x128xf32, #tpu.memory_space<vmem>>, vector<1x1x16xf32>,
      %swap3A_345 = vector.shape_cast %swap3A_344 : vector<1x1x16xf32> to vector<16xf32>
      %swap3A_346 = vector.shape_cast %get3A_339 : vector<16xf32> to vector<1x1x16xf32>
      tpu.vector_store %arg7[%swap3A_341, %swap3A_342, %swap3A_343], %swap3A_346 {add = true, strides = array<i32>} : memref<3x200x128xf32, #tpu.memory_space<vmem>>, vector<1x1x16xf32>,
      %get3A_347 = arith.index_cast %add3A_293 : i32 to index
      %get3A_348 = arith.constant 80 : index
      %get3A_349 = tpu.vector_load %arg8[%get3A_347, %get3A_348] {strides = array<i32>} : memref<200x128xf32, #tpu.memory_space<vmem>>, vector<1x16xf32>,
      %get3A_350 = vector.shape_cast %get3A_349 : vector<1x16xf32> to vector<16xf32>
      %swap3A_351 = arith.constant 1 : i32
      %swap3A_352 = arith.index_cast %swap3A_351 : i32 to index
      %swap3A_353 = arith.index_cast %add3A_293 : i32 to index
      %swap3A_354 = arith.constant 80 : index
      %swap3A_355 = tpu.vector_load %arg7[%swap3A_352, %swap3A_353, %swap3A_354] {strides = array<i32>} : memref<3x200x128xf32, #tpu.memory_space<vmem>>, vector<1x1x16xf32>,
      %swap3A_356 = vector.shape_cast %swap3A_355 : vector<1x1x16xf32> to vector<16xf32>
      %swap3A_357 = vector.shape_cast %get3A_350 : vector<16xf32> to vector<1x1x16xf32>
      tpu.vector_store %arg7[%swap3A_352, %swap3A_353, %swap3A_354], %swap3A_357 {add = true, strides = array<i32>} : memref<3x200x128xf32, #tpu.memory_space<vmem>>, vector<1x1x16xf32>,
      %get3A_358 = arith.index_cast %add3A_293 : i32 to index
      %get3A_359 = arith.constant 96 : index
      %get3A_360 = tpu.vector_load %arg8[%get3A_358, %get3A_359] {strides = array<i32>} : memref<200x128xf32, #tpu.memory_space<vmem>>, vector<1x16xf32>,
      %get3A_361 = vector.shape_cast %get3A_360 : vector<1x16xf32> to vector<16xf32>
      %swap3A_362 = arith.constant 1 : i32
      %swap3A_363 = arith.index_cast %swap3A_362 : i32 to index
      %swap3A_364 = arith.index_cast %add3A_293 : i32 to index
      %swap3A_365 = arith.constant 96 : index
      %swap3A_366 = tpu.vector_load %arg7[%swap3A_363, %swap3A_364, %swap3A_365] {strides = array<i32>} : memref<3x200x128xf32, #tpu.memory_space<vmem>>, vector<1x1x16xf32>,
      %swap3A_367 = vector.shape_cast %swap3A_366 : vector<1x1x16xf32> to vector<16xf32>
      %swap3A_368 = vector.shape_cast %get3A_361 : vector<16xf32> to vector<1x1x16xf32>
      tpu.vector_store %arg7[%swap3A_363, %swap3A_364, %swap3A_365], %swap3A_368 {add = true, strides = array<i32>} : memref<3x200x128xf32, #tpu.memory_space<vmem>>, vector<1x1x16xf32>,
      %get3A_369 = arith.index_cast %add3A_293 : i32 to index
      %get3A_370 = arith.constant 112 : index
      %get3A_371 = tpu.vector_load %arg8[%get3A_369, %get3A_370] {strides = array<i32>} : memref<200x128xf32, #tpu.memory_space<vmem>>, vector<1x16xf32>,
      %get3A_372 = vector.shape_cast %get3A_371 : vector<1x16xf32> to vector<16xf32>
      %swap3A_373 = arith.constant 1 : i32
      %swap3A_374 = arith.index_cast %swap3A_373 : i32 to index
      %swap3A_375 = arith.index_cast %add3A_293 : i32 to index
      %swap3A_376 = arith.constant 112 : index
      %swap3A_377 = tpu.vector_load %arg7[%swap3A_374, %swap3A_375, %swap3A_376] {strides = array<i32>} : memref<3x200x128xf32, #tpu.memory_space<vmem>>, vector<1x1x16xf32>,
      %swap3A_378 = vector.shape_cast %swap3A_377 : vector<1x1x16xf32> to vector<16xf32>
      %swap3A_379 = vector.shape_cast %get3A_372 : vector<16xf32> to vector<1x1x16xf32>
      tpu.vector_store %arg7[%swap3A_374, %swap3A_375, %swap3A_376], %swap3A_379 {add = true, strides = array<i32>} : memref<3x200x128xf32, #tpu.memory_space<vmem>>, vector<1x1x16xf32>,
      %scan3A_380 = arith.constant 1 : i32
      %scan3A_381 = arith.addi %scan3A_289, %scan3A_380 : i32
      %mul3A_382 = arith.constant 1 : i32
      %mul3A_383 = arith.muli %scan3A_381, %mul3A_382 : i32
      %add3A_384 = arith.constant 0 : i32
      %add3A_385 = arith.addi %add3A_384, %mul3A_383 : i32
      %get3A_386 = arith.index_cast %add3A_385 : i32 to index
      %get3A_387 = arith.constant 0 : index
      %get3A_388 = tpu.vector_load %arg8[%get3A_386, %get3A_387] {strides = array<i32>} : memref<200x128xf32, #tpu.memory_space<vmem>>, vector<1x16xf32>,
      %get3A_389 = vector.shape_cast %get3A_388 : vector<1x16xf32> to vector<16xf32>
      %swap3A_390 = arith.constant 1 : i32
      %swap3A_391 = arith.index_cast %swap3A_390 : i32 to index
      %swap3A_392 = arith.index_cast %add3A_385 : i32 to index
      %swap3A_393 = arith.constant 0 : index
      %swap3A_394 = tpu.vector_load %arg7[%swap3A_391, %swap3A_392, %swap3A_393] {strides = array<i32>} : memref<3x200x128xf32, #tpu.memory_space<vmem>>, vector<1x1x16xf32>,
      %swap3A_395 = vector.shape_cast %swap3A_394 : vector<1x1x16xf32> to vector<16xf32>
      %swap3A_396 = vector.shape_cast %get3A_389 : vector<16xf32> to vector<1x1x16xf32>
      tpu.vector_store %arg7[%swap3A_391, %swap3A_392, %swap3A_393], %swap3A_396 {add = true, strides = array<i32>} : memref<3x200x128xf32, #tpu.memory_space<vmem>>, vector<1x1x16xf32>,
      %get3A_397 = arith.index_cast %add3A_385 : i32 to index
      %get3A_398 = arith.constant 16 : index
      %get3A_399 = tpu.vector_load %arg8[%get3A_397, %get3A_398] {strides = array<i32>} : memref<200x128xf32, #tpu.memory_space<vmem>>, vector<1x16xf32>,
      %get3A_400 = vector.shape_cast %get3A_399 : vector<1x16xf32> to vector<16xf32>
      %swap3A_401 = arith.constant 1 : i32
      %swap3A_402 = arith.index_cast %swap3A_401 : i32 to index
      %swap3A_403 = arith.index_cast %add3A_385 : i32 to index
      %swap3A_404 = arith.constant 16 : index
      %swap3A_405 = tpu.vector_load %arg7[%swap3A_402, %swap3A_403, %swap3A_404] {strides = array<i32>} : memref<3x200x128xf32, #tpu.memory_space<vmem>>, vector<1x1x16xf32>,
      %swap3A_406 = vector.shape_cast %swap3A_405 : vector<1x1x16xf32> to vector<16xf32>
      %swap3A_407 = vector.shape_cast %get3A_400 : vector<16xf32> to vector<1x1x16xf32>
      tpu.vector_store %arg7[%swap3A_402, %swap3A_403, %swap3A_404], %swap3A_407 {add = true, strides = array<i32>} : memref<3x200x128xf32, #tpu.memory_space<vmem>>, vector<1x1x16xf32>,
      %get3A_408 = arith.index_cast %add3A_385 : i32 to index
      %get3A_409 = arith.constant 32 : index
      %get3A_410 = tpu.vector_load %arg8[%get3A_408, %get3A_409] {strides = array<i32>} : memref<200x128xf32, #tpu.memory_space<vmem>>, vector<1x16xf32>,
      %get3A_411 = vector.shape_cast %get3A_410 : vector<1x16xf32> to vector<16xf32>
      %swap3A_412 = arith.constant 1 : i32
      %swap3A_413 = arith.index_cast %swap3A_412 : i32 to index
      %swap3A_414 = arith.index_cast %add3A_385 : i32 to index
      %swap3A_415 = arith.constant 32 : index
      %swap3A_416 = tpu.vector_load %arg7[%swap3A_413, %swap3A_414, %swap3A_415] {strides = array<i32>} : memref<3x200x128xf32, #tpu.memory_space<vmem>>, vector<1x1x16xf32>,
      %swap3A_417 = vector.shape_cast %swap3A_416 : vector<1x1x16xf32> to vector<16xf32>
      %swap3A_418 = vector.shape_cast %get3A_411 : vector<16xf32> to vector<1x1x16xf32>
      tpu.vector_store %arg7[%swap3A_413, %swap3A_414, %swap3A_415], %swap3A_418 {add = true, strides = array<i32>} : memref<3x200x128xf32, #tpu.memory_space<vmem>>, vector<1x1x16xf32>,
      %get3A_419 = arith.index_cast %add3A_385 : i32 to index
      %get3A_420 = arith.constant 48 : index
      %get3A_421 = tpu.vector_load %arg8[%get3A_419, %get3A_420] {strides = array<i32>} : memref<200x128xf32, #tpu.memory_space<vmem>>, vector<1x16xf32>,
      %get3A_422 = vector.shape_cast %get3A_421 : vector<1x16xf32> to vector<16xf32>
      %swap3A_423 = arith.constant 1 : i32
      %swap3A_424 = arith.index_cast %swap3A_423 : i32 to index
      %swap3A_425 = arith.index_cast %add3A_385 : i32 to index
      %swap3A_426 = arith.constant 48 : index
      %swap3A_427 = tpu.vector_load %arg7[%swap3A_424, %swap3A_425, %swap3A_426] {strides = array<i32>} : memref<3x200x128xf32, #tpu.memory_space<vmem>>, vector<1x1x16xf32>,
      %swap3A_428 = vector.shape_cast %swap3A_427 : vector<1x1x16xf32> to vector<16xf32>
      %swap3A_429 = vector.shape_cast %get3A_422 : vector<16xf32> to vector<1x1x16xf32>
      tpu.vector_store %arg7[%swap3A_424, %swap3A_425, %swap3A_426], %swap3A_429 {add = true, strides = array<i32>} : memref<3x200x128xf32, #tpu.memory_space<vmem>>, vector<1x1x16xf32>,
      %get3A_430 = arith.index_cast %add3A_385 : i32 to index
      %get3A_431 = arith.constant 64 : index
      %get3A_432 = tpu.vector_load %arg8[%get3A_430, %get3A_431] {strides = array<i32>} : memref<200x128xf32, #tpu.memory_space<vmem>>, vector<1x16xf32>,
      %get3A_433 = vector.shape_cast %get3A_432 : vector<1x16xf32> to vector<16xf32>
      %swap3A_434 = arith.constant 1 : i32
      %swap3A_435 = arith.index_cast %swap3A_434 : i32 to index
      %swap3A_436 = arith.index_cast %add3A_385 : i32 to index
      %swap3A_437 = arith.constant 64 : index
      %swap3A_438 = tpu.vector_load %arg7[%swap3A_435, %swap3A_436, %swap3A_437] {strides = array<i32>} : memref<3x200x128xf32, #tpu.memory_space<vmem>>, vector<1x1x16xf32>,
      %swap3A_439 = vector.shape_cast %swap3A_438 : vector<1x1x16xf32> to vector<16xf32>
      %swap3A_440 = vector.shape_cast %get3A_433 : vector<16xf32> to vector<1x1x16xf32>
      tpu.vector_store %arg7[%swap3A_435, %swap3A_436, %swap3A_437], %swap3A_440 {add = true, strides = array<i32>} : memref<3x200x128xf32, #tpu.memory_space<vmem>>, vector<1x1x16xf32>,
      %get3A_441 = arith.index_cast %add3A_385 : i32 to index
      %get3A_442 = arith.constant 80 : index
      %get3A_443 = tpu.vector_load %arg8[%get3A_441, %get3A_442] {strides = array<i32>} : memref<200x128xf32, #tpu.memory_space<vmem>>, vector<1x16xf32>,
      %get3A_444 = vector.shape_cast %get3A_443 : vector<1x16xf32> to vector<16xf32>
      %swap3A_445 = arith.constant 1 : i32
      %swap3A_446 = arith.index_cast %swap3A_445 : i32 to index
      %swap3A_447 = arith.index_cast %add3A_385 : i32 to index
      %swap3A_448 = arith.constant 80 : index
      %swap3A_449 = tpu.vector_load %arg7[%swap3A_446, %swap3A_447, %swap3A_448] {strides = array<i32>} : memref<3x200x128xf32, #tpu.memory_space<vmem>>, vector<1x1x16xf32>,
      %swap3A_450 = vector.shape_cast %swap3A_449 : vector<1x1x16xf32> to vector<16xf32>
      %swap3A_451 = vector.shape_cast %get3A_444 : vector<16xf32> to vector<1x1x16xf32>
      tpu.vector_store %arg7[%swap3A_446, %swap3A_447, %swap3A_448], %swap3A_451 {add = true, strides = array<i32>} : memref<3x200x128xf32, #tpu.memory_space<vmem>>, vector<1x1x16xf32>,
      %get3A_452 = arith.index_cast %add3A_385 : i32 to index
      %get3A_453 = arith.constant 96 : index
      %get3A_454 = tpu.vector_load %arg8[%get3A_452, %get3A_453] {strides = array<i32>} : memref<200x128xf32, #tpu.memory_space<vmem>>, vector<1x16xf32>,
      %get3A_455 = vector.shape_cast %get3A_454 : vector<1x16xf32> to vector<16xf32>
      %swap3A_456 = arith.constant 1 : i32
      %swap3A_457 = arith.index_cast %swap3A_456 : i32 to index
      %swap3A_458 = arith.index_cast %add3A_385 : i32 to index
      %swap3A_459 = arith.constant 96 : index
      %swap3A_460 = tpu.vector_load %arg7[%swap3A_457, %swap3A_458, %swap3A_459] {strides = array<i32>} : memref<3x200x128xf32, #tpu.memory_space<vmem>>, vector<1x1x16xf32>,
      %swap3A_461 = vector.shape_cast %swap3A_460 : vector<1x1x16xf32> to vector<16xf32>
      %swap3A_462 = vector.shape_cast %get3A_455 : vector<16xf32> to vector<1x1x16xf32>
      tpu.vector_store %arg7[%swap3A_457, %swap3A_458, %swap3A_459], %swap3A_462 {add = true, strides = array<i32>} : memref<3x200x128xf32, #tpu.memory_space<vmem>>, vector<1x1x16xf32>,
      %get3A_463 = arith.index_cast %add3A_385 : i32 to index
      %get3A_464 = arith.constant 112 : index
      %get3A_465 = tpu.vector_load %arg8[%get3A_463, %get3A_464] {strides = array<i32>} : memref<200x128xf32, #tpu.memory_space<vmem>>, vector<1x16xf32>,
      %get3A_466 = vector.shape_cast %get3A_465 : vector<1x16xf32> to vector<16xf32>
      %swap3A_467 = arith.constant 1 : i32
      %swap3A_468 = arith.index_cast %swap3A_467 : i32 to index
      %swap3A_469 = arith.index_cast %add3A_385 : i32 to index
      %swap3A_470 = arith.constant 112 : index
      %swap3A_471 = tpu.vector_load %arg7[%swap3A_468, %swap3A_469, %swap3A_470] {strides = array<i32>} : memref<3x200x128xf32, #tpu.memory_space<vmem>>, vector<1x1x16xf32>,
      %swap3A_472 = vector.shape_cast %swap3A_471 : vector<1x1x16xf32> to vector<16xf32>
      %swap3A_473 = vector.shape_cast %get3A_466 : vector<16xf32> to vector<1x1x16xf32>
      tpu.vector_store %arg7[%swap3A_468, %swap3A_469, %swap3A_470], %swap3A_473 {add = true, strides = array<i32>} : memref<3x200x128xf32, #tpu.memory_space<vmem>>, vector<1x1x16xf32>,
    }
    %scan3A_220 = arith.constant 200 : i32
    %add3A_221 = arith.constant 127 : i32
    %add3A_222 = arith.addi %mul3A_2, %add3A_221 : i32
    %mul3A_223 = arith.constant 200 : i32
    %mul3A_224 = arith.muli %add3A_222, %mul3A_223 : i32
    %dma_start3A_225 = arith.constant 1 : i32
    %dma_start3A_226 = arith.constant 0 : i32
    %dma_start3A_227 = arith.constant 0 : i32
    %dma_start3A_228 = tpu.memref_slice %arg7[%dma_start3A_225, %dma_start3A_226, %dma_start3A_227] : memref<3x200x128xf32, #tpu.memory_space<vmem>> -> memref<1x200x128xf32, #tpu.memory_space<vmem>>
    %dma_start3A_229 = tpu.memref_squeeze %dma_start3A_228 : memref<1x200x128xf32, #tpu.memory_space<vmem>> -> memref<200x128xf32, #tpu.memory_space<vmem>>
    %dma_start3A_230 = arith.constant 0 : i32
    %dma_start3A_231 = tpu.memref_slice %arg5[%mul3A_224, %dma_start3A_230] : memref<819200x128xf32, #tpu.memory_space<hbm>> -> memref<200x128xf32, #tpu.memory_space<hbm>>
    %dma_start3A_232 = arith.constant 0 : i32
    %dma_start3A_233 = tpu.memref_slice %arg5[%mul3A_224, %dma_start3A_232] : memref<819200x128xf32, #tpu.memory_space<hbm>> -> memref<200x128xf32, #tpu.memory_space<hbm>>
    %dma_start3A_234 = arith.constant 0 : i32
    %dma_start3A_235 = arith.constant 0 : i32
    %dma_start3A_236 = tpu.memref_slice %arg7[%dma_start3A_225, %dma_start3A_234, %dma_start3A_235] : memref<3x200x128xf32, #tpu.memory_space<vmem>> -> memref<1x200x128xf32, #tpu.memory_space<vmem>>
    %dma_start3A_237 = tpu.memref_squeeze %dma_start3A_236 : memref<1x200x128xf32, #tpu.memory_space<vmem>> -> memref<200x128xf32, #tpu.memory_space<vmem>>
    tpu.enqueue_dma source(%dma_start3A_237 : memref<200x128xf32, #tpu.memory_space<vmem>>) target(%dma_start3A_233 : memref<200x128xf32, #tpu.memory_space<hbm>>) target_semaphore(%arg16 : memref<!tpu.dma_semaphore, #tpu.memory_space<semaphore_mem>>)
    %add3A_238 = arith.constant 125 : i32
    %add3A_239 = arith.addi %mul3A_2, %add3A_238 : i32
    %mul3A_240 = arith.constant 200 : i32
    %mul3A_241 = arith.muli %add3A_239, %mul3A_240 : i32
    %dma_wait3A_242 = arith.constant 2 : i32
    %dma_wait3A_243 = arith.constant 0 : i32
    %dma_wait3A_244 = arith.constant 0 : i32
    %dma_wait3A_245 = tpu.memref_slice %arg7[%dma_wait3A_242, %dma_wait3A_243, %dma_wait3A_244] : memref<3x200x128xf32, #tpu.memory_space<vmem>> -> memref<1x200x128xf32, #tpu.memory_space<vmem>>
    %dma_wait3A_246 = tpu.memref_squeeze %dma_wait3A_245 : memref<1x200x128xf32, #tpu.memory_space<vmem>> -> memref<200x128xf32, #tpu.memory_space<vmem>>
    %dma_wait3A_247 = arith.constant 0 : i32
    %dma_wait3A_248 = tpu.memref_slice %arg5[%mul3A_241, %dma_wait3A_247] : memref<819200x128xf32, #tpu.memory_space<hbm>> -> memref<200x128xf32, #tpu.memory_space<hbm>>
    %dma_wait3A_249 = arith.constant 0 : i32
    %dma_wait3A_250 = tpu.memref_slice %arg5[%mul3A_241, %dma_wait3A_249] : memref<819200x128xf32, #tpu.memory_space<hbm>> -> memref<200x128xf32, #tpu.memory_space<hbm>>
    %dma_wait3A_251 = arith.constant 0 : i32
    %dma_wait3A_252 = arith.constant 0 : i32
    %dma_wait3A_253 = tpu.memref_slice %arg7[%dma_wait3A_242, %dma_wait3A_251, %dma_wait3A_252] : memref<3x200x128xf32, #tpu.memory_space<vmem>> -> memref<1x200x128xf32, #tpu.memory_space<vmem>>
    %dma_wait3A_254 = tpu.memref_squeeze %dma_wait3A_253 : memref<1x200x128xf32, #tpu.memory_space<vmem>> -> memref<200x128xf32, #tpu.memory_space<vmem>>
    tpu.wait_dma2 semaphore(%arg17 : memref<!tpu.dma_semaphore, #tpu.memory_space<semaphore_mem>>) src(%dma_wait3A_254 : memref<200x128xf32, #tpu.memory_space<vmem>>) dst(%dma_wait3A_250 : memref<200x128xf32, #tpu.memory_space<hbm>>)
    %add3A_255 = arith.constant 126 : i32
    %add3A_256 = arith.addi %mul3A_2, %add3A_255 : i32
    %mul3A_257 = arith.constant 200 : i32
    %mul3A_258 = arith.muli %add3A_256, %mul3A_257 : i32
    %dma_wait3A_259 = arith.constant 0 : i32
    %dma_wait3A_260 = arith.constant 0 : i32
    %dma_wait3A_261 = arith.constant 0 : i32
    %dma_wait3A_262 = tpu.memref_slice %arg7[%dma_wait3A_259, %dma_wait3A_260, %dma_wait3A_261] : memref<3x200x128xf32, #tpu.memory_space<vmem>> -> memref<1x200x128xf32, #tpu.memory_space<vmem>>
    %dma_wait3A_263 = tpu.memref_squeeze %dma_wait3A_262 : memref<1x200x128xf32, #tpu.memory_space<vmem>> -> memref<200x128xf32, #tpu.memory_space<vmem>>
    %dma_wait3A_264 = arith.constant 0 : i32
    %dma_wait3A_265 = tpu.memref_slice %arg5[%mul3A_258, %dma_wait3A_264] : memref<819200x128xf32, #tpu.memory_space<hbm>> -> memref<200x128xf32, #tpu.memory_space<hbm>>
    %dma_wait3A_266 = arith.constant 0 : i32
    %dma_wait3A_267 = tpu.memref_slice %arg5[%mul3A_258, %dma_wait3A_266] : memref<819200x128xf32, #tpu.memory_space<hbm>> -> memref<200x128xf32, #tpu.memory_space<hbm>>
    %dma_wait3A_268 = arith.constant 0 : i32
    %dma_wait3A_269 = arith.constant 0 : i32
    %dma_wait3A_270 = tpu.memref_slice %arg7[%dma_wait3A_259, %dma_wait3A_268, %dma_wait3A_269] : memref<3x200x128xf32, #tpu.memory_space<vmem>> -> memref<1x200x128xf32, #tpu.memory_space<vmem>>
    %dma_wait3A_271 = tpu.memref_squeeze %dma_wait3A_270 : memref<1x200x128xf32, #tpu.memory_space<vmem>> -> memref<200x128xf32, #tpu.memory_space<vmem>>
    tpu.wait_dma2 semaphore(%arg15 : memref<!tpu.dma_semaphore, #tpu.memory_space<semaphore_mem>>) src(%dma_wait3A_271 : memref<200x128xf32, #tpu.memory_space<vmem>>) dst(%dma_wait3A_267 : memref<200x128xf32, #tpu.memory_space<hbm>>)
    %add3A_272 = arith.constant 127 : i32
    %add3A_273 = arith.addi %mul3A_2, %add3A_272 : i32
    %mul3A_274 = arith.constant 200 : i32
    %mul3A_275 = arith.muli %add3A_273, %mul3A_274 : i32
    %dma_wait3A_276 = arith.constant 1 : i32
    %dma_wait3A_277 = arith.constant 0 : i32
    %dma_wait3A_278 = arith.constant 0 : i32
    %dma_wait3A_279 = tpu.memref_slice %arg7[%dma_wait3A_276, %dma_wait3A_277, %dma_wait3A_278] : memref<3x200x128xf32, #tpu.memory_space<vmem>> -> memref<1x200x128xf32, #tpu.memory_space<vmem>>
    %dma_wait3A_280 = tpu.memref_squeeze %dma_wait3A_279 : memref<1x200x128xf32, #tpu.memory_space<vmem>> -> memref<200x128xf32, #tpu.memory_space<vmem>>
    %dma_wait3A_281 = arith.constant 0 : i32
    %dma_wait3A_282 = tpu.memref_slice %arg5[%mul3A_275, %dma_wait3A_281] : memref<819200x128xf32, #tpu.memory_space<hbm>> -> memref<200x128xf32, #tpu.memory_space<hbm>>
    %dma_wait3A_283 = arith.constant 0 : i32
    %dma_wait3A_284 = tpu.memref_slice %arg5[%mul3A_275, %dma_wait3A_283] : memref<819200x128xf32, #tpu.memory_space<hbm>> -> memref<200x128xf32, #tpu.memory_space<hbm>>
    %dma_wait3A_285 = arith.constant 0 : i32
    %dma_wait3A_286 = arith.constant 0 : i32
    %dma_wait3A_287 = tpu.memref_slice %arg7[%dma_wait3A_276, %dma_wait3A_285, %dma_wait3A_286] : memref<3x200x128xf32, #tpu.memory_space<vmem>> -> memref<1x200x128xf32, #tpu.memory_space<vmem>>
    %dma_wait3A_288 = tpu.memref_squeeze %dma_wait3A_287 : memref<1x200x128xf32, #tpu.memory_space<vmem>> -> memref<200x128xf32, #tpu.memory_space<vmem>>
    tpu.wait_dma2 semaphore(%arg16 : memref<!tpu.dma_semaphore, #tpu.memory_space<semaphore_mem>>) src(%dma_wait3A_288 : memref<200x128xf32, #tpu.memory_space<vmem>>) dst(%dma_wait3A_284 : memref<200x128xf32, #tpu.memory_space<hbm>>)
    return
  }
}

</mosaic_0001>

<sc_bundles>
// kernel: kernel.3.cloned.1.call-start
scs
__scs_entry_jumppad:
0x0: {  	(pc) =	sbr.rel $0x88, $3  }
0x1: {  	(tag) =	ssettag $0x0;
	lr =	simm.s32 $0x1  }
0x2: {  	[smem:$0x3F9E] =	sst lr;
	_ =	strace $0xD0000000  }
0x3: {  	_ = 	snop  }
0x4: {  	_ = 	snop  }
0x5: {  	_ = 	snop  }
0x6: {  	_ = 	snop  }
0x7: {  	_ = 	snop  }
__scs_overlays_trampoline_lowered:
0x8: {  	[smem:$0x3FAD] =	sst s0  }
0x9: {  	[smem:$0x3FAE] =	sst s1  }
0xa: {  	[smem:$0x3FAF] =	sst s2  }
0xb: {  	[smem:$0x3FB0] =	sst s3  }
0xc: {  	[smem:$0x3FB1] =	sst s4  }
0xd: {  	[smem:$0x3FB2] =	sst s5  }
0xe: {  	[smem:$0x3FB3] =	sst s6  }
0xf: {  	[smem:$0x3FB4] =	sst s7  }
0x10: {  	[smem:$0x3FB5] =	sst s8  }
0x11: {  	[smem:$0x3FB6] =	sst s9;
	s0 =	simm.s32 @!p0 $0x0  }
0x12: {  	s1 =	sld [smem:$0x3F9C];
	s0 =	simm.s32 @p0 $0x1  }
0x13: {  	[smem:$0x3FB7] =	sst s0;
	s0 =	simm.s32 @!p1 $0x0  }
0x14: {  	s2 =	sld [smem:$0x3F9B];
	s0 =	simm.s32 @p1 $0x1  }
0x15: {  	[smem:$0x3FB8] =	sst s0;
	s0 =	simm.s32 @!p2 $0x0  }
0x16: {  	s3 =	sld [smem:$0x3FDB];
	s0 =	simm.s32 @p2 $0x1  }
0x17: {  	s4 =	simm.s32 $0x1BF5;
	[smem:$0x3FBA] =	sst s0  }
0x18: {  	s0 =	sld [smem:$0x3F9D];
	_ =	swait.ge [sflag:s4], $0x0  }
0x19: {  	s7 =	sld [smem:$0x3F9E]  }
0x1a: {  	s8 =	sadd.s32 $0xFFFFE003, lr  }
0x1b: {  	s9 =	sadd.s32 $0xFFFFFEF7, lr;
	s5 =	simm.s32 $0xFFFFFFFF;
	p2 =	slt.u32 s8, $0xFFFFF086  }
0x1c: {  	p1 =	slt.u32 s9, $0xF7A;
	s5 =	simm.s32 @!p2 $0x0  }
0x1d: {  	s5 =	simm.s32 @p1 $0x1;
	p0 =	seq.s32 s7, s2  }
0x1e: {  	s7 =	smul.u32 @!p0 $0xF7A, s2;
	p2 =	seq.s32 @!p0 s5, $0x0  }
0x1f: {  	s9 =	smul.u32 $0xF7A, s1;
	s8 =	simm.s32 @!p0 $0x1BF5;
	p2 =	por !p2, p0  }
0x20: {  	[sflag:s8] =	ssyncset.s32 @!p0 $0xFFFFF086;
	s6 =	sadd.s32 @!p0 s3, s7;
	s7 =	simm.s32 @!p0 $0x108  }
0x21: {  	s3 =	sadd.s32 s3, s9;
	s6 =	sadd.s32 @!p0 $0x88, s6;
	s7 =	simm.s32 @p2 $0x1082  }
0x22: {  	[simem:s7], [sflag:s8] =	dma.local @!p0 [hbm:s6], $0xF7A  }
0x23: {  	s9 =	sor.u32 $0xD0000000, s2;
	s6 =	simm.s32 $0x108;
	_ =	swait.ge @!p0 [sflag:s8], $0x0  }
0x24: {  	s3 =	sadd.s32 $0x88, s3;
	s6 =	simm.s32 @!p1 $0x1082;
	[sflag:s4] =	ssyncset.s32 $0xFFFFF086  }
0x25: {  	[simem:s6], [sflag:s4] =	dma.local [hbm:s3], $0xF7A  }
0x26: {  	[smem:$0x3F9E] =	sst s1;
	(tag) =	ssettag s2;
	_ =	strace s9  }
0x27: {  	s1 =	sld [smem:$0x3FAE]  }
0x28: {  	s2 =	sld [smem:$0x3FAF]  }
0x29: {  	s4 =	sld [smem:$0x3FB1]  }
0x2a: {  	p0 =	seq.s32 s5, $0x0;
	s5 =	sld [smem:$0x3FB2]  }
0x2b: {  	s6 =	sld [smem:$0x3FB3]  }
0x2c: {  	s7 =	sld [smem:$0x3FB4]  }
0x2d: {  	s3 =	simm.s32 $0x108;
	s8 =	sld [smem:$0x3FB5]  }
0x2e: {  	s3 =	simm.s32 @!p0 $0x1082;
	s9 =	sld [smem:$0x3FB6]  }
0x2f: {  	lr =	sadd.s32 s0, s3;
	s0 =	sld [smem:$0x3FAD]  }
0x30: {  	s3 =	sld [smem:$0x3FB0]  }
0x31: {  	[smem:$0x3FB9] =	sst s10  }
0x32: {  	s10 =	sld [smem:$0x3FB7];
	_ =	sdelay $0x3  }
0x33: {  	p0 =	seq.s32 s10, $0x1;
	s10 =	sld [smem:$0x3FB9];
	_ =	sdelay $0x3  }
0x34: {  	[smem:$0x3FB9] =	sst s10  }
0x35: {  	s10 =	sld [smem:$0x3FB8];
	_ =	sdelay $0x3  }
0x36: {  	p1 =	seq.s32 s10, $0x1;
	s10 =	sld [smem:$0x3FB9];
	_ =	sdelay $0x3  }
0x37: {  	[smem:$0x3FB9] =	sst s10  }
0x38: {  	s10 =	sld [smem:$0x3FBA]  }
0x39: {  	_ = 	snop;
	(pc) =	sbr.ind lr, $3  }
0x3a: {  	_ = 	snop  }
0x3b: {  	_ = 	snop  }
0x3c: {  	p2 =	seq.s32 s10, $0x1;
	s10 =	sld [smem:$0x3FB9]  }
0x3d: {  	_ =	shalt  }
0x3e: {  	_ =	shalt  }
0x3f: {  	_ =	shalt  }
0x40: {  	_ =	shalt  }
0x41: {  	_ =	shalt  }
0x42: {  	_ =	shalt  }
0x43: {  	_ =	shalt  }
0x44: {  	_ =	shalt  }
0x45: {  	_ =	shalt  }
0x46: {  	_ =	shalt  }
0x47: {  	_ =	shalt  }
0x48: {  	_ =	shalt  }
0x49: {  	_ =	shalt  }
0x4a: {  	_ =	shalt  }
0x4b: {  	_ =	shalt  }
0x4c: {  	_ =	shalt  }
0x4d: {  	_ =	shalt  }
0x4e: {  	_ =	shalt  }
0x4f: {  	_ =	shalt  }
0x50: {  	_ =	shalt  }
0x51: {  	_ =	shalt  }
0x52: {  	_ =	shalt  }
0x53: {  	_ =	shalt  }
0x54: {  	_ =	shalt  }
0x55: {  	_ =	shalt  }
0x56: {  	_ =	shalt  }
0x57: {  	_ =	shalt  }
0x58: {  	_ =	shalt  }
0x59: {  	_ =	shalt  }
0x5a: {  	_ =	shalt  }
0x5b: {  	_ =	shalt  }
0x5c: {  	_ =	shalt  }
0x5d: {  	_ =	shalt  }
0x5e: {  	_ =	shalt  }
0x5f: {  	_ =	shalt  }
0x60: {  	_ =	shalt  }
0x61: {  	_ =	shalt  }
0x62: {  	_ =	shalt  }
0x63: {  	_ =	shalt  }
0x64: {  	_ =	shalt  }
0x65: {  	_ =	shalt  }
0x66: {  	_ =	shalt  }
0x67: {  	_ =	shalt  }
0x68: {  	_ =	shalt  }
0x69: {  	_ =	shalt  }
0x6a: {  	_ =	shalt  }
0x6b: {  	_ =	shalt  }
0x6c: {  	_ =	shalt  }
0x6d: {  	_ =	shalt  }
0x6e: {  	_ =	shalt  }
0x6f: {  	_ =	shalt  }
0x70: {  	_ =	shalt  }
0x71: {  	_ =	shalt  }
0x72: {  	_ =	shalt  }
0x73: {  	_ =	shalt  }
0x74: {  	_ =	shalt  }
0x75: {  	_ =	shalt  }
0x76: {  	_ =	shalt  }
0x77: {  	_ =	shalt  }
0x78: {  	_ =	shalt  }
0x79: {  	_ =	shalt  }
0x7a: {  	_ =	shalt  }
0x7b: {  	_ =	shalt  }
0x7c: {  	_ =	shalt  }
0x7d: {  	_ =	shalt  }
0x7e: {  	_ =	shalt  }
0x7f: {  	_ =	shalt  }
0x80: {  	_ =	shalt  }
0x81: {  	_ =	shalt  }
0x82: {  	_ =	shalt  }
0x83: {  	_ =	shalt  }
0x84: {  	_ =	shalt  }
0x85: {  	_ =	shalt  }
0x86: {  	_ =	shalt  }
0x87: {  	_ =	shalt  }
.Lfunc_end0:
.L_simem_size_0:
called_computation_lowered:
.L_overlay_start_0:
0x88: {  	s2 =	sld [smem:$0x3FD9]  }
0x89: {  	s3 =	sld [smem:$0x3FFE];
	_ =	sdelay $0x1  }
0x8a: {  	s1 =	srdreg.scid  }
0x8b: {  	s0 =	sand.u32 $0x1, s1  }
0x8c: {  	s17 =	sshll.u32 s0, $0xA;
	s2 =	sadd.s32 s3, s2  }
0x8d: {  	s2 =	sadd.s32 s2, s17  }
0x8e: {  	[smem:$0x3FC5] =	sst s2  }
0x8f: {  	_ = 	snop  }
0x90: {  	s2 =	sld [smem:$0x3FC8]  }
0x91: {  	s18 =	sld [smem:$0x3FC7]  }
0x92: {  	s4 =	sld [smem:$0x3FD0];
	(tm) =	ssettm $0x1  }
0x93: {  	s5 =	sld [smem:$0x3FFB];
	_ =	sdelay $0x3  }
0x94: {  	_ =	strace s5  }
0x95: {  	s5 =	sld [smem:$0x3FFC];
	_ =	sdelay $0x3  }
0x96: {  	_ =	strace s5  }
0x97: {  	s5 =	sld [smem:$0x3FFD];
	_ =	sdelay $0x3  }
0x98: {  	_ =	strace s5  }
0x99: {  	_ =	strace $0x8FFFFFFF  }
0x9a: {  	s19 =	sld [smem:$0x3FDB];
	_ =	sdelay $0x1  }
0x9b: {  	s6 =	simm.s32 $_scs_section_size  }
0x9c: {  	s7 =	simm.s32 $_size__tile_overlayer_lowered;
	s8 =	simm.s32 $_tile_overlayer_lowered  }
0x9d: {  	s22 =	simm.s32 $0x1BFF;
	s21 =	sshll.u32 s8, $0x1;
	s5 =	sadd.s32 s6, s19  }
0x9e: {  	s9 =	simm.s32 $0x0;
	s20 =	sshll.u32 s7, $0x1;
	s7 =	sadd.s32 s21, s5  }
0x9f: {  	[timem:s9], [sflag:s22] =	dma.local [hbm:s7], s20  }
0xa0: {  	_ =	swait.ge [sflag:s22], s20  }
0xa1: {  	s6 =	ssub.s32 $0x0, s20;
	[sflag:s22] =	ssyncset.done $0x0  }
0xa2: {  	[sflag:s22] =	ssyncadd.s32 s6;
	_ =	sdelay $0x1  }
0xa3: {  	s23 =	simm.s32 $0x1B8B  }
0xa4: {  	_ =	swait.ge [sflag:s23], $0x1  }
0xa5: {  	[sflag:s23] =	ssyncset.done $0x0  }
0xa6: {  	s25 =	simm.s32 $0x1B8E;
	s24 =	sld [smem:$0x3FFE];
	[sflag:s23] =	ssyncadd.s32 $0xFFFFFFFF  }
0xa7: {  	s26 =	simm.s32 $execute0_lowered;
	[smem:$0x3FD2] =	sst s25  }
0xa8: {  	s7 =	sshll.u32 s26, $0x1;
	_ =	strace $0x80000046;
	[dreg:$0x1] =	wrdreg $0xFFFFFFFF  }
0xa9: {  	s28 =	simm.s32 $_size_execute0_lowered;
	s5 =	sadd.s32 s5, s7;
	[dreg:$0x0] =	wrdreg $0x0  }
0xaa: {  	s7 =	sshll.u32 s28, $0x1;
	[dreg:$0x2] =	wrdreg s5  }
0xab: {  	[dreg:$0x3] =	wrdreg s7  }
0xac: {  	[dreg:$0x4] =	wrdreg $0xC0  }
0xad: {  	_ =	task [dreg:s9], $0x5FFFF  }
0xae: {  	[dreg:$0x1] =	wrdreg $0xFFFFFFFF  }
0xaf: {  	[dreg:$0x0] =	wrdreg $0x60  }
0xb0: {  	[dreg:$0x2] =	wrdreg s24  }
0xb1: {  	[dreg:$0x3] =	wrdreg s2  }
0xb2: {  	[dreg:$0x4] =	wrdreg s18  }
0xb3: {  	[dreg:$0x5] =	wrdreg s4  }
0xb4: {  	[dreg:$0x6] =	wrdreg $0x9  }
0xb5: {  	_ =	task.clear_ibuf [dreg:s9], $0x7FFFF;
	_ =	strace $0x90000046  }
0xb6: {  	s29 =	simm.s32 $0x9;
	_ =	strace $0x80000048  }
0xb7: {  	_ =	swait.ge [sflag:s29], $0x1  }
0xb8: {  	[sflag:s29] =	ssyncadd.s32 $0xFFFFFFFF  }
0xb9: {  	_ =	strace $0x90000048  }
0xba: {  	_ =	sfence  }
0xbb: {  	s30 =	sld [smem:$0x0];
	_ =	sdelay $0x2  }
0xbc: {  	s31 =	sshll.u32 s1, $0xD;
	s1 =	sshrl.u32 s1, $0x2  }
0xbd: {  	s3 =	sand.u32 $0x4000, s31;
	s1 =	sadd.s32 s1, s30  }
0xbe: {  	s0 =	sor.u32 s3, s0;
	s1 =	sshll.u32 s1, $0x11  }
0xbf: {  	s0 =	sor.u32 s1, s0  }
0xc0: {  	s0 =	sadd.s32 $0x8F2B, s0  }
0xc1: {  	[sflag:s0] =	ssyncadd.remote.s32 $0x1  }
0xc2: {  	_ =	sfence.sel $0xFFFF  }
0xc3: {  	[dreg:$0x0] =	wrdreg $0xFFFFFFFF;
	(pc) =	sbr.abs _section_cstart, $3  }
0xc4: {  	[dreg:$0x1] =	wrdreg $0xFFFFFFFF  }
0xc5: {  	_ =	task.clear_ibuf [dreg:s9], $0x2FFFF;
	_ =	strace $0x9FFFFFFF  }
0xc6: {  	(tm) =	ssettm $0x7FFFFFFF  }
0xc7: {  	_ =	shalt  }
tec
execute0_lowered:
.L_overlay_start_1:
0x0: {  	(tag) =	ssettag $0x1  }
0x1: {  	s0 =	rddreg [dreg:$0x0]  }
0x2: {  	s1 =	rddreg [dreg:$0x1]  }
0x3: {  	s4 =	rddreg [dreg:$0x3]  }
0x4: {  	s5 =	simm.s32 $0x0;
	s2 =	srdreg.scid;
	s3 =	stileid.u32  }
0x5: {  	s17 =	simm.s32 $0x1;
	s18 =	simm.s32 $0x64;
	s19 =	simm.s32 $0x300  }
0x6: {  	s20 =	simm.s32 $0x80;
	s28 =	simm.s32 $0x9900;
	s29 =	simm.s32 $0x4  }
0x7: {  	s30 =	simm.s32 $0x3;
	s31 =	simm.s32 $0xCB00;
	s15 =	simm.s32 $0x7  }
0x8: {  	[smem:$0x7FF] =	sst s5;
	s2 =	sand.u32 $0x1, s2;
	s3 =	sshll.u32 s3, $0x1  }
0x9: {  	s6 =	sadd.s32 $0x400, s0;
	s21 =	ssub.s32 $0x2, s2;
	s2 =	sor.u32 s2, s3  }
0xa: {  	_ =	strace $0x80000047;
	s3 =	simm.s32 $0xFD00;
	s22 =	sshrl.u32 s21, $0x1  }
0xb: {  	s7 =	sshll.u32 s2, $0xC;
	s9 =	smul.u32 $0x320000, s2;
	s8 =	sshll.u32 s2, $0x7  }
0xc: {  	s0 =	ssub.s32 s21, s22;
	s23 =	sadd.s32 s6, s7;
	s10 =	sor.u32 $0x1, s8  }
0xd: {  	s11 =	sor.u32 $0x4, s8;
	s21 =	simm.s32 $0x3500;
	s22 =	simm.s32 $0x100  }
0xe: {  	s7 =	simm.s32 $0x0;
	[dreg:$0x5] =	wrdreg s23;
	s24 =	sadd.s32 $0x20, s23  }
0xf: {  	s25 =	sshrl.u32 s9, $0x3;
	s0 =	smax.u32 s0, $0x1;
	s23 =	simm.s32 $0x200  }
0x10: {  	s9 =	simm.s32 $0x6;
	[dreg:$0x6] =	wrdreg s24;
	s2 =	sadd.s32 s4, s25  }
0x11: {  	[dreg:$0x9] =	wrdreg s0;
	s24 =	simm.s32 $0x2;
	s26 =	sadd.s32 $0x62700, s2  }
0x12: {  	s25 =	simm.s32 $0x6700;
	s2 =	sadd.s32 $0x63380, s2;
	[dreg:$0x7] =	wrdreg s26  }
0x13: {  	[dreg:$0x8] =	wrdreg s2;
	s26 =	simm.s32 $0x180;
	s2 =	simm.s32 $0x5  }
.LBB2_1:
0x14: {  	[dreg:$0xa] =	wrdreg s7  }
0x15: {  	s0 =	rddreg [dreg:$0x2];
	s12 =	simm.s32 $0x12F00;
	s13 =	simm.s32 $0xA  }
0x16: {  	[tilespmem:s12], [sflag:$0xA] =	stream.linear.gather [hbm4b:s0+s5], $0x6400, $0x38;
	[tilespmem:$0x19300] =	vst v63  }
0x17: {  	_ =	swait.ge [sflag:s13], $0x6400  }
0x18: {  	[sflag:s13] =	ssyncset.done $0x0  }
0x19: {  	s14 =	rddreg [dreg:$0x5];
	[sflag:s13] =	ssyncadd.s32 $0xFFFF9C00  }
0x1a: {  	[tilespmem:s5], [sflag:$0x1] =	stream.linear.gather [hbm4b:s14+s5], $0x100, $0x38;
	[tilespmem:$0x19300] =	vst v63  }
0x1b: {  	_ =	swait.ge [sflag:s17], $0x100  }
0x1c: {  	[sflag:s17] =	ssyncset.done $0x0  }
0x1d: {  	[sflag:s17] =	ssyncadd.s32 $0xFFFFFF00  }
0x1e: {  	[tilespmem:s19], [sflag:$0x4] =	stream.indirect.gather [hbm4b:s1+s18], $0x80, s5, s18, $0xb8;
	[tilespmem:$0x19300] =	vst v63  }
0x1f: {  	_ = 	snop  }
0x20: {  	[tilespmem:s21], [sflag:$0x4] =	stream.indirect.gather [hbm4b:s1+s18], $0x80, s20, s18, $0xb8;
	[tilespmem:$0x19300] =	vst v63  }
0x21: {  	s7 =	simm.s32 $0x0;
	s16 =	rddreg [dreg:$0x6]  }
0x22: {  	[tilespmem:s22], [sflag:$0x2] =	stream.linear.gather [hbm4b:s16+s5], $0x100, $0x38;
	[tilespmem:$0x19300] =	vst v63  }
.LBB2_2:
0x23: {  	s13 =	smul.u32 $0x3, s7;
	_ =	sdelay $0x1  }
0x24: {  	s0 =	sadd.s32 $0x2, s13  }
0x25: {  	s16 =	sadd.s32 s8, s0;
	s0 =	sshll.u32 s0, $0x5  }
0x26: {  	s12 =	sshll.u32 s16, $0x5;
	s0 =	sand.u32 $0x60, s0  }
0x27: {  	s12 =	sand.u32 $0xFFFFF80, s12;
	s0 =	sadd.s32 s6, s0  }
0x28: {  	p0 =	seq.s32 s7, $0x0;
	s0 =	sadd.s32 s12, s0  }
0x29: {  	[tilespmem:s23], [sflag:$0x3] =	stream.linear.gather [hbm4b:s0+s5], $0x100, $0x38;
	[tilespmem:$0x19300] =	vst v63  }
0x2a: {  	s0 =	simm.s32 @!p0 $0x8  }
0x2b: {  	_ =	swait.ge @!p0 [sflag:s0], $0x6400  }
0x2c: {  	[sflag:s0] =	ssyncset.done @!p0 $0x0  }
0x2d: {  	[sflag:s0] =	ssyncadd.s32 @!p0 $0xFFFF9C00  }
0x2e: {  	_ =	swait.ge [sflag:s24], $0x100  }
0x2f: {  	[sflag:s24] =	ssyncset.done $0x0  }
0x30: {  	[sflag:s24] =	ssyncadd.s32 $0xFFFFFF00  }
0x31: {  	[tilespmem:s25], [sflag:$0x5] =	stream.indirect.gather [hbm4b:s1+s18], $0x80, s22, s18, $0xb8;
	[tilespmem:$0x19300] =	vst v63  }
0x32: {  	_ = 	snop  }
0x33: {  	[tilespmem:s28], [sflag:$0x5] =	stream.indirect.gather [hbm4b:s1+s18], $0x80, s26, s18, $0xb8;
	[tilespmem:$0x19300] =	vst v63  }
0x34: {  	_ =	swait.ge [sflag:s29], $0x3200  }
0x35: {  	[sflag:s29] =	ssyncset.done $0x0  }
0x36: {  	[sflag:s29] =	ssyncadd.s32 $0xFFFFCE00  }
0x37: {  	_ =	swait.ge [sflag:s29], $0x3200  }
0x38: {  	[sflag:s29] =	ssyncset.done $0x0  }
0x39: {  	s12 =	simm.s32 $0x0;
	[sflag:s29] =	ssyncadd.s32 $0xFFFFCE00  }
0x3a: {  	v0 =	vld [tilespmem:s12+$0x12FF0]  }
0x3b: {  	v1 =	vld [tilespmem:s12+$0x12F00]  }
0x3c: {  	v2 =	vld [tilespmem:s12+$0x12F10]  }
0x3d: {  	v3 =	vld [tilespmem:s12+$0x12F20]  }
0x3e: {  	v4 =	vld [tilespmem:s12+$0x12F30]  }
0x3f: {  	v5 =	vld [tilespmem:s12+$0x12F40]  }
0x40: {  	v6 =	vld [tilespmem:s12+$0x12F50]  }
0x41: {  	v7 =	vld [tilespmem:s12+$0x12F60]  }
0x42: {  	v8 =	vld [tilespmem:s12+$0x12F70]  }
0x43: {  	v9 =	vld [tilespmem:s12+$0x12F80]  }
0x44: {  	v10 =	vld [tilespmem:s12+$0x12F90]  }
0x45: {  	v11 =	vld [tilespmem:s12+$0x12FA0]  }
0x46: {  	v12 =	vld [tilespmem:s12+$0x12FB0]  }
0x47: {  	v13 =	vld [tilespmem:s12+$0x12FC0]  }
0x48: {  	v14 =	vld [tilespmem:s12+$0x12FD0]  }
0x49: {  	[tilespmem:s12+$0x3F0] =	vst.add.f32.msk $0xffff, v0  }
0x4a: {  	v0 =	vld [tilespmem:s12+$0x12FE0]  }
0x4b: {  	[tilespmem:s12+$0x300] =	vst.add.f32.msk $0xffff, v1  }
0x4c: {  	[tilespmem:s12+$0x310] =	vst.add.f32.msk $0xffff, v2  }
0x4d: {  	[tilespmem:s12+$0x320] =	vst.add.f32.msk $0xffff, v3  }
0x4e: {  	[tilespmem:s12+$0x330] =	vst.add.f32.msk $0xffff, v4  }
0x4f: {  	[tilespmem:s12+$0x340] =	vst.add.f32.msk $0xffff, v5  }
0x50: {  	[tilespmem:s12+$0x350] =	vst.add.f32.msk $0xffff, v6  }
0x51: {  	[tilespmem:s12+$0x360] =	vst.add.f32.msk $0xffff, v7  }
0x52: {  	[tilespmem:s12+$0x370] =	vst.add.f32.msk $0xffff, v8  }
0x53: {  	[tilespmem:s12+$0x380] =	vst.add.f32.msk $0xffff, v9  }
0x54: {  	[tilespmem:s12+$0x390] =	vst.add.f32.msk $0xffff, v10  }
0x55: {  	[tilespmem:s12+$0x3A0] =	vst.add.f32.msk $0xffff, v11  }
0x56: {  	[tilespmem:s12+$0x3B0] =	vst.add.f32.msk $0xffff, v12  }
0x57: {  	[tilespmem:s12+$0x3C0] =	vst.add.f32.msk $0xffff, v13  }
0x58: {  	s14 =	simm.s32 $0x0;
	s0 =	simm.s32 $0x400;
	[tilespmem:s12+$0x3D0] =	vst.add.f32.msk $0xffff, v14  }
.LBB2_3:
0x59: {  	s14 =	sadd.s32 $0x2, s14;
	[tilespmem:s12+$0x3E0] =	vst.add.f32.msk $0xffff, v0;
	s12 =	sshra.s32 s0, $0x2  }
0x5a: {  	v0 =	vld [tilespmem:s12+$0x12FF0];
	p1 =	slt.u32 s14, $0xC6  }
0x5b: {  	v1 =	vld [tilespmem:s12+$0x12F00]  }
0x5c: {  	v2 =	vld [tilespmem:s12+$0x12F10]  }
0x5d: {  	v3 =	vld [tilespmem:s12+$0x12F20]  }
0x5e: {  	v4 =	vld [tilespmem:s12+$0x12F30]  }
0x5f: {  	[tilespmem:s12+$0x3F0] =	vst.add.f32.msk $0xffff, v0  }
0x60: {  	v5 =	vld [tilespmem:s12+$0x12F40]  }
0x61: {  	v6 =	vld [tilespmem:s12+$0x12F50]  }
0x62: {  	v7 =	vld [tilespmem:s12+$0x12F60]  }
0x63: {  	v8 =	vld [tilespmem:s12+$0x12F70]  }
0x64: {  	v9 =	vld [tilespmem:s12+$0x12F80]  }
0x65: {  	v10 =	vld [tilespmem:s12+$0x12F90]  }
0x66: {  	v11 =	vld [tilespmem:s12+$0x12FA0]  }
0x67: {  	v12 =	vld [tilespmem:s12+$0x12FB0]  }
0x68: {  	v13 =	vld [tilespmem:s12+$0x12FC0]  }
0x69: {  	v14 =	vld [tilespmem:s12+$0x12FD0]  }
0x6a: {  	v0 =	vld [tilespmem:s12+$0x12FE0]  }
0x6b: {  	[tilespmem:s12+$0x300] =	vst.add.f32.msk $0xffff, v1  }
0x6c: {  	[tilespmem:s12+$0x310] =	vst.add.f32.msk $0xffff, v2  }
0x6d: {  	[tilespmem:s12+$0x320] =	vst.add.f32.msk $0xffff, v3  }
0x6e: {  	[tilespmem:s12+$0x330] =	vst.add.f32.msk $0xffff, v4  }
0x6f: {  	[tilespmem:s12+$0x340] =	vst.add.f32.msk $0xffff, v5  }
0x70: {  	[tilespmem:s12+$0x350] =	vst.add.f32.msk $0xffff, v6  }
0x71: {  	[tilespmem:s12+$0x360] =	vst.add.f32.msk $0xffff, v7  }
0x72: {  	[tilespmem:s12+$0x370] =	vst.add.f32.msk $0xffff, v8  }
0x73: {  	[tilespmem:s12+$0x380] =	vst.add.f32.msk $0xffff, v9  }
.Ltmp0:
0x74: {  	[tilespmem:s12+$0x390] =	vst.add.f32.msk $0xffff, v10;
	(pc) =	sbr.rel @p1 .LBB2_3-.Ltmp0, $4  }
0x75: {  	[tilespmem:s12+$0x3A0] =	vst.add.f32.msk $0xffff, v11  }
0x76: {  	[tilespmem:s12+$0x3B0] =	vst.add.f32.msk $0xffff, v12  }
0x77: {  	[tilespmem:s12+$0x3C0] =	vst.add.f32.msk $0xffff, v13  }
0x78: {  	s0 =	sadd.s32 $0x400, s0;
	[tilespmem:s12+$0x3D0] =	vst.add.f32.msk $0xffff, v14  }
0x79: {  	s0 =	sadd.s32 s8, s13  }
0x7a: {  	s0 =	smul.u32 $0xC80, s0;
	_ =	sdelay $0x1  }
0x7b: {  	[tilespmem:s12+$0x3E0] =	vst.add.f32.msk $0xffff, v0;
	s12 =	sadd.s32 $0x3, s13;
	s0 =	sadd.s32 s4, s0  }
0x7c: {  	[hbm4b:s0+s5] =	stream.linear.scatter [tilespmem:s19], [sflag:$0x7], $0x6400, $0x38;
	[tilespmem:$0x19300] =	vst v63  }
0x7d: {  	s14 =	sadd.s32 s8, s12;
	s0 =	sshll.u32 s12, $0x5  }
0x7e: {  	s12 =	sshll.u32 s14, $0x5;
	s0 =	sand.u32 $0x60, s0  }
0x7f: {  	s12 =	sand.u32 $0xFFFFF80, s12;
	s0 =	sadd.s32 s6, s0  }
0x80: {  	s0 =	sadd.s32 s12, s0  }
0x81: {  	[tilespmem:s5], [sflag:$0x1] =	stream.linear.gather [hbm4b:s0+s5], $0x100, $0x38;
	[tilespmem:$0x19300] =	vst v63  }
0x82: {  	s0 =	simm.s32 @!p0 $0x9  }
0x83: {  	_ =	swait.ge @!p0 [sflag:s0], $0x6400  }
0x84: {  	[sflag:s0] =	ssyncset.done @!p0 $0x0  }
0x85: {  	[sflag:s0] =	ssyncadd.s32 @!p0 $0xFFFF9C00  }
0x86: {  	_ =	swait.ge [sflag:s30], $0x100  }
0x87: {  	[sflag:s30] =	ssyncset.done $0x0  }
0x88: {  	[sflag:s30] =	ssyncadd.s32 $0xFFFFFF00  }
0x89: {  	[tilespmem:s31], [sflag:$0x6] =	stream.indirect.gather [hbm4b:s1+s18], $0x80, s23, s18, $0xb8;
	[tilespmem:$0x19300] =	vst v63  }
0x8a: {  	s14 =	simm.s32 $0x280  }
0x8b: {  	[tilespmem:s3], [sflag:$0x6] =	stream.indirect.gather [hbm4b:s1+s18], $0x80, s14, s18, $0xb8;
	[tilespmem:$0x19300] =	vst v63  }
0x8c: {  	_ =	swait.ge [sflag:s2], $0x3200  }
0x8d: {  	[sflag:s2] =	ssyncset.done $0x0  }
0x8e: {  	[sflag:s2] =	ssyncadd.s32 $0xFFFFCE00  }
0x8f: {  	_ =	swait.ge [sflag:s2], $0x3200  }
0x90: {  	[sflag:s2] =	ssyncset.done $0x0  }
0x91: {  	s12 =	simm.s32 $0x0;
	[sflag:s2] =	ssyncadd.s32 $0xFFFFCE00  }
0x92: {  	v0 =	vld [tilespmem:s12+$0x12FF0]  }
0x93: {  	v1 =	vld [tilespmem:s12+$0x12F00]  }
0x94: {  	v2 =	vld [tilespmem:s12+$0x12F10]  }
0x95: {  	v3 =	vld [tilespmem:s12+$0x12F20]  }
0x96: {  	v4 =	vld [tilespmem:s12+$0x12F30]  }
0x97: {  	v5 =	vld [tilespmem:s12+$0x12F40]  }
0x98: {  	v6 =	vld [tilespmem:s12+$0x12F50]  }
0x99: {  	v7 =	vld [tilespmem:s12+$0x12F60]  }
0x9a: {  	v8 =	vld [tilespmem:s12+$0x12F70]  }
0x9b: {  	v9 =	vld [tilespmem:s12+$0x12F80]  }
0x9c: {  	v10 =	vld [tilespmem:s12+$0x12F90]  }
0x9d: {  	v11 =	vld [tilespmem:s12+$0x12FA0]  }
0x9e: {  	v12 =	vld [tilespmem:s12+$0x12FB0]  }
0x9f: {  	v13 =	vld [tilespmem:s12+$0x12FC0]  }
0xa0: {  	v14 =	vld [tilespmem:s12+$0x12FD0]  }
0xa1: {  	[tilespmem:s12+$0x67F0] =	vst.add.f32.msk $0xffff, v0  }
0xa2: {  	v0 =	vld [tilespmem:s12+$0x12FE0]  }
0xa3: {  	[tilespmem:s12+$0x6700] =	vst.add.f32.msk $0xffff, v1  }
0xa4: {  	[tilespmem:s12+$0x6710] =	vst.add.f32.msk $0xffff, v2  }
0xa5: {  	[tilespmem:s12+$0x6720] =	vst.add.f32.msk $0xffff, v3  }
0xa6: {  	[tilespmem:s12+$0x6730] =	vst.add.f32.msk $0xffff, v4  }
0xa7: {  	[tilespmem:s12+$0x6740] =	vst.add.f32.msk $0xffff, v5  }
0xa8: {  	[tilespmem:s12+$0x6750] =	vst.add.f32.msk $0xffff, v6  }
0xa9: {  	[tilespmem:s12+$0x6760] =	vst.add.f32.msk $0xffff, v7  }
0xaa: {  	[tilespmem:s12+$0x6770] =	vst.add.f32.msk $0xffff, v8  }
0xab: {  	[tilespmem:s12+$0x6780] =	vst.add.f32.msk $0xffff, v9  }
0xac: {  	[tilespmem:s12+$0x6790] =	vst.add.f32.msk $0xffff, v10  }
0xad: {  	[tilespmem:s12+$0x67A0] =	vst.add.f32.msk $0xffff, v11  }
0xae: {  	[tilespmem:s12+$0x67B0] =	vst.add.f32.msk $0xffff, v12  }
0xaf: {  	[tilespmem:s12+$0x67C0] =	vst.add.f32.msk $0xffff, v13  }
0xb0: {  	s0 =	simm.s32 $0x400;
	s14 =	simm.s32 $0x0;
	[tilespmem:s12+$0x67D0] =	vst.add.f32.msk $0xffff, v14  }
.LBB2_5:
0xb1: {  	s14 =	sadd.s32 $0x2, s14;
	[tilespmem:s12+$0x67E0] =	vst.add.f32.msk $0xffff, v0;
	s12 =	sshra.s32 s0, $0x2  }
0xb2: {  	v0 =	vld [tilespmem:s12+$0x12FF0];
	p0 =	slt.u32 s14, $0xC6  }
0xb3: {  	v1 =	vld [tilespmem:s12+$0x12F00]  }
0xb4: {  	v2 =	vld [tilespmem:s12+$0x12F10]  }
0xb5: {  	v3 =	vld [tilespmem:s12+$0x12F20]  }
0xb6: {  	v4 =	vld [tilespmem:s12+$0x12F30]  }
0xb7: {  	[tilespmem:s12+$0x67F0] =	vst.add.f32.msk $0xffff, v0  }
0xb8: {  	v5 =	vld [tilespmem:s12+$0x12F40]  }
0xb9: {  	v6 =	vld [tilespmem:s12+$0x12F50]  }
0xba: {  	v7 =	vld [tilespmem:s12+$0x12F60]  }
0xbb: {  	v8 =	vld [tilespmem:s12+$0x12F70]  }
0xbc: {  	v9 =	vld [tilespmem:s12+$0x12F80]  }
0xbd: {  	v10 =	vld [tilespmem:s12+$0x12F90]  }
0xbe: {  	v11 =	vld [tilespmem:s12+$0x12FA0]  }
0xbf: {  	v12 =	vld [tilespmem:s12+$0x12FB0]  }
0xc0: {  	v13 =	vld [tilespmem:s12+$0x12FC0]  }
0xc1: {  	v14 =	vld [tilespmem:s12+$0x12FD0]  }
0xc2: {  	v0 =	vld [tilespmem:s12+$0x12FE0]  }
0xc3: {  	[tilespmem:s12+$0x6700] =	vst.add.f32.msk $0xffff, v1  }
0xc4: {  	[tilespmem:s12+$0x6710] =	vst.add.f32.msk $0xffff, v2  }
0xc5: {  	[tilespmem:s12+$0x6720] =	vst.add.f32.msk $0xffff, v3  }
0xc6: {  	[tilespmem:s12+$0x6730] =	vst.add.f32.msk $0xffff, v4  }
0xc7: {  	[tilespmem:s12+$0x6740] =	vst.add.f32.msk $0xffff, v5  }
0xc8: {  	[tilespmem:s12+$0x6750] =	vst.add.f32.msk $0xffff, v6  }
0xc9: {  	[tilespmem:s12+$0x6760] =	vst.add.f32.msk $0xffff, v7  }
0xca: {  	[tilespmem:s12+$0x6770] =	vst.add.f32.msk $0xffff, v8  }
0xcb: {  	[tilespmem:s12+$0x6780] =	vst.add.f32.msk $0xffff, v9  }
.Ltmp1:
0xcc: {  	[tilespmem:s12+$0x6790] =	vst.add.f32.msk $0xffff, v10;
	(pc) =	sbr.rel @p0 .LBB2_5-.Ltmp1, $4  }
0xcd: {  	[tilespmem:s12+$0x67A0] =	vst.add.f32.msk $0xffff, v11  }
0xce: {  	[tilespmem:s12+$0x67B0] =	vst.add.f32.msk $0xffff, v12  }
0xcf: {  	[tilespmem:s12+$0x67C0] =	vst.add.f32.msk $0xffff, v13  }
0xd0: {  	s0 =	sadd.s32 $0x400, s0;
	[tilespmem:s12+$0x67D0] =	vst.add.f32.msk $0xffff, v14  }
0xd1: {  	s0 =	sadd.s32 s13, s10  }
0xd2: {  	s0 =	smul.u32 $0xC80, s0  }
0xd3: {  	[tilespmem:s12+$0x67E0] =	vst.add.f32.msk $0xffff, v0;
	s12 =	simm.s32 $0x0  }
0xd4: {  	s13 =	sadd.s32 s13, s11;
	s14 =	smul.u32 $0x300, s7;
	s0 =	sadd.s32 s4, s0  }
0xd5: {  	[hbm4b:s0+s12] =	stream.linear.scatter [tilespmem:s25], [sflag:$0x8], $0x6400, $0x38;
	[tilespmem:$0x19300] =	vst v63  }
0xd6: {  	s0 =	sshll.u32 s13, $0x8  }
0xd7: {  	s13 =	sand.u32 $0x300, s14;
	s0 =	sand.u32 $0x7FFFFC00, s0  }
0xd8: {  	s0 =	sor.u32 s13, s0  }
0xd9: {  	s0 =	sshrl.u32 s0, $0x3  }
0xda: {  	s0 =	sadd.s32 s6, s0  }
0xdb: {  	[tilespmem:s22], [sflag:$0x2] =	stream.linear.gather [hbm4b:s0+s12], $0x100, $0x38;
	[tilespmem:$0x19300] =	vst v63  }
0xdc: {  	_ =	swait.ge [sflag:s15], $0x6400  }
0xdd: {  	[sflag:s15] =	ssyncset.done $0x0  }
0xde: {  	[sflag:s15] =	ssyncadd.s32 $0xFFFF9C00  }
0xdf: {  	_ =	swait.ge [sflag:s17], $0x100  }
0xe0: {  	[sflag:s17] =	ssyncset.done $0x0  }
0xe1: {  	[sflag:s17] =	ssyncadd.s32 $0xFFFFFF00  }
0xe2: {  	[tilespmem:s19], [sflag:$0x4] =	stream.indirect.gather [hbm4b:s1+s18], $0x80, s12, s18, $0xb8;
	[tilespmem:$0x19300] =	vst v63  }
0xe3: {  	_ = 	snop  }
0xe4: {  	[tilespmem:s21], [sflag:$0x4] =	stream.indirect.gather [hbm4b:s1+s18], $0x80, s20, s18, $0xb8;
	[tilespmem:$0x19300] =	vst v63  }
0xe5: {  	_ =	swait.ge [sflag:s9], $0x3200  }
0xe6: {  	[sflag:s9] =	ssyncset.done $0x0  }
0xe7: {  	[sflag:s9] =	ssyncadd.s32 $0xFFFFCE00  }
0xe8: {  	_ =	swait.ge [sflag:s9], $0x3200  }
0xe9: {  	[sflag:s9] =	ssyncset.done $0x0  }
0xea: {  	s12 =	simm.s32 $0x0;
	[sflag:s9] =	ssyncadd.s32 $0xFFFFCE00  }
0xeb: {  	v0 =	vld [tilespmem:s12+$0x12FF0]  }
0xec: {  	v1 =	vld [tilespmem:s12+$0x12F00]  }
0xed: {  	v2 =	vld [tilespmem:s12+$0x12F10]  }
0xee: {  	v3 =	vld [tilespmem:s12+$0x12F20]  }
0xef: {  	v4 =	vld [tilespmem:s12+$0x12F30]  }
0xf0: {  	v5 =	vld [tilespmem:s12+$0x12F40]  }
0xf1: {  	v6 =	vld [tilespmem:s12+$0x12F50]  }
0xf2: {  	v7 =	vld [tilespmem:s12+$0x12F60]  }
0xf3: {  	v8 =	vld [tilespmem:s12+$0x12F70]  }
0xf4: {  	v9 =	vld [tilespmem:s12+$0x12F80]  }
0xf5: {  	v10 =	vld [tilespmem:s12+$0x12F90]  }
0xf6: {  	v11 =	vld [tilespmem:s12+$0x12FA0]  }
0xf7: {  	v12 =	vld [tilespmem:s12+$0x12FB0]  }
0xf8: {  	v13 =	vld [tilespmem:s12+$0x12FC0]  }
0xf9: {  	v14 =	vld [tilespmem:s12+$0x12FD0]  }
0xfa: {  	[tilespmem:s12+$0xCBF0] =	vst.add.f32.msk $0xffff, v0  }
0xfb: {  	v0 =	vld [tilespmem:s12+$0x12FE0]  }
0xfc: {  	[tilespmem:s12+$0xCB00] =	vst.add.f32.msk $0xffff, v1  }
0xfd: {  	[tilespmem:s12+$0xCB10] =	vst.add.f32.msk $0xffff, v2  }
0xfe: {  	[tilespmem:s12+$0xCB20] =	vst.add.f32.msk $0xffff, v3  }
0xff: {  	[tilespmem:s12+$0xCB30] =	vst.add.f32.msk $0xffff, v4  }
0x100: {  	[tilespmem:s12+$0xCB40] =	vst.add.f32.msk $0xffff, v5  }
0x101: {  	[tilespmem:s12+$0xCB50] =	vst.add.f32.msk $0xffff, v6  }
0x102: {  	[tilespmem:s12+$0xCB60] =	vst.add.f32.msk $0xffff, v7  }
0x103: {  	[tilespmem:s12+$0xCB70] =	vst.add.f32.msk $0xffff, v8  }
0x104: {  	[tilespmem:s12+$0xCB80] =	vst.add.f32.msk $0xffff, v9  }
0x105: {  	[tilespmem:s12+$0xCB90] =	vst.add.f32.msk $0xffff, v10  }
0x106: {  	[tilespmem:s12+$0xCBA0] =	vst.add.f32.msk $0xffff, v11  }
0x107: {  	[tilespmem:s12+$0xCBB0] =	vst.add.f32.msk $0xffff, v12  }
0x108: {  	[tilespmem:s12+$0xCBC0] =	vst.add.f32.msk $0xffff, v13  }
0x109: {  	s13 =	simm.s32 $0x0;
	s0 =	simm.s32 $0x400;
	[tilespmem:s12+$0xCBD0] =	vst.add.f32.msk $0xffff, v14  }
.LBB2_7:
0x10a: {  	s13 =	sadd.s32 $0x2, s13;
	[tilespmem:s12+$0xCBE0] =	vst.add.f32.msk $0xffff, v0;
	s12 =	sshra.s32 s0, $0x2  }
0x10b: {  	v0 =	vld [tilespmem:s12+$0x12FF0];
	p0 =	slt.u32 s13, $0xC6  }
0x10c: {  	v1 =	vld [tilespmem:s12+$0x12F00]  }
0x10d: {  	v2 =	vld [tilespmem:s12+$0x12F10]  }
0x10e: {  	v3 =	vld [tilespmem:s12+$0x12F20]  }
0x10f: {  	v4 =	vld [tilespmem:s12+$0x12F30]  }
0x110: {  	[tilespmem:s12+$0xCBF0] =	vst.add.f32.msk $0xffff, v0  }
0x111: {  	v5 =	vld [tilespmem:s12+$0x12F40]  }
0x112: {  	v6 =	vld [tilespmem:s12+$0x12F50]  }
0x113: {  	v7 =	vld [tilespmem:s12+$0x12F60]  }
0x114: {  	v8 =	vld [tilespmem:s12+$0x12F70]  }
0x115: {  	v9 =	vld [tilespmem:s12+$0x12F80]  }
0x116: {  	v10 =	vld [tilespmem:s12+$0x12F90]  }
0x117: {  	v11 =	vld [tilespmem:s12+$0x12FA0]  }
0x118: {  	v12 =	vld [tilespmem:s12+$0x12FB0]  }
0x119: {  	v13 =	vld [tilespmem:s12+$0x12FC0]  }
0x11a: {  	v14 =	vld [tilespmem:s12+$0x12FD0]  }
0x11b: {  	v0 =	vld [tilespmem:s12+$0x12FE0]  }
0x11c: {  	[tilespmem:s12+$0xCB00] =	vst.add.f32.msk $0xffff, v1  }
0x11d: {  	[tilespmem:s12+$0xCB10] =	vst.add.f32.msk $0xffff, v2  }
0x11e: {  	[tilespmem:s12+$0xCB20] =	vst.add.f32.msk $0xffff, v3  }
0x11f: {  	[tilespmem:s12+$0xCB30] =	vst.add.f32.msk $0xffff, v4  }
0x120: {  	[tilespmem:s12+$0xCB40] =	vst.add.f32.msk $0xffff, v5  }
0x121: {  	[tilespmem:s12+$0xCB50] =	vst.add.f32.msk $0xffff, v6  }
0x122: {  	[tilespmem:s12+$0xCB60] =	vst.add.f32.msk $0xffff, v7  }
0x123: {  	[tilespmem:s12+$0xCB70] =	vst.add.f32.msk $0xffff, v8  }
0x124: {  	[tilespmem:s12+$0xCB80] =	vst.add.f32.msk $0xffff, v9  }
.Ltmp2:
0x125: {  	[tilespmem:s12+$0xCB90] =	vst.add.f32.msk $0xffff, v10;
	(pc) =	sbr.rel @p0 .LBB2_7-.Ltmp2, $4  }
0x126: {  	[tilespmem:s12+$0xCBA0] =	vst.add.f32.msk $0xffff, v11  }
0x127: {  	[tilespmem:s12+$0xCBB0] =	vst.add.f32.msk $0xffff, v12  }
0x128: {  	[tilespmem:s12+$0xCBC0] =	vst.add.f32.msk $0xffff, v13  }
0x129: {  	s0 =	sadd.s32 $0x400, s0;
	[tilespmem:s12+$0xCBD0] =	vst.add.f32.msk $0xffff, v14  }
0x12a: {  	s7 =	sadd.s32 $0x1, s7  }
0x12b: {  	p0 =	sne.s32 s7, $0x2A  }
.Ltmp3:
0x12c: {  	_ = 	snop;
	(pc) =	sbr.rel @p0 .LBB2_2-.Ltmp3, $3  }
0x12d: {  	s0 =	smul.u32 $0xC80, s16;
	_ =	sdelay $0x1  }
0x12e: {  	[tilespmem:s12+$0xCBE0] =	vst.add.f32.msk $0xffff, v0;
	s0 =	sadd.s32 s4, s0  }
0x12f: {  	[hbm4b:s0+s5] =	stream.linear.scatter [tilespmem:s31], [sflag:$0x9], $0x6400, $0x38;
	[tilespmem:$0x19300] =	vst v63  }
0x130: {  	s13 =	simm.s32 $0x8  }
0x131: {  	_ =	swait.ge [sflag:s13], $0x6400  }
0x132: {  	[sflag:s13] =	ssyncset.done $0x0  }
0x133: {  	[sflag:s13] =	ssyncadd.s32 $0xFFFF9C00  }
0x134: {  	_ =	swait.ge [sflag:s24], $0x100  }
0x135: {  	[sflag:s24] =	ssyncset.done $0x0  }
0x136: {  	[sflag:s24] =	ssyncadd.s32 $0xFFFFFF00  }
0x137: {  	[tilespmem:s25], [sflag:$0x5] =	stream.indirect.gather [hbm4b:s1+s18], $0x80, s22, s18, $0xb8;
	[tilespmem:$0x19300] =	vst v63  }
0x138: {  	_ = 	snop  }
0x139: {  	[tilespmem:s28], [sflag:$0x5] =	stream.indirect.gather [hbm4b:s1+s18], $0x80, s26, s18, $0xb8;
	[tilespmem:$0x19300] =	vst v63  }
0x13a: {  	_ =	swait.ge [sflag:s29], $0x3200  }
0x13b: {  	[sflag:s29] =	ssyncset.done $0x0  }
0x13c: {  	[sflag:s29] =	ssyncadd.s32 $0xFFFFCE00  }
0x13d: {  	_ =	swait.ge [sflag:s29], $0x3200  }
0x13e: {  	[sflag:s29] =	ssyncset.done $0x0  }
0x13f: {  	s7 =	simm.s32 $0x0;
	[sflag:s29] =	ssyncadd.s32 $0xFFFFCE00  }
0x140: {  	v0 =	vld [tilespmem:s7+$0x12FF0]  }
0x141: {  	v1 =	vld [tilespmem:s7+$0x12F00]  }
0x142: {  	v2 =	vld [tilespmem:s7+$0x12F10]  }
0x143: {  	v3 =	vld [tilespmem:s7+$0x12F20]  }
0x144: {  	v4 =	vld [tilespmem:s7+$0x12F30]  }
0x145: {  	v5 =	vld [tilespmem:s7+$0x12F40]  }
0x146: {  	v6 =	vld [tilespmem:s7+$0x12F50]  }
0x147: {  	v7 =	vld [tilespmem:s7+$0x12F60]  }
0x148: {  	v8 =	vld [tilespmem:s7+$0x12F70]  }
0x149: {  	v9 =	vld [tilespmem:s7+$0x12F80]  }
0x14a: {  	v10 =	vld [tilespmem:s7+$0x12F90]  }
0x14b: {  	v11 =	vld [tilespmem:s7+$0x12FA0]  }
0x14c: {  	v12 =	vld [tilespmem:s7+$0x12FB0]  }
0x14d: {  	v13 =	vld [tilespmem:s7+$0x12FC0]  }
0x14e: {  	v14 =	vld [tilespmem:s7+$0x12FD0]  }
0x14f: {  	[tilespmem:s7+$0x3F0] =	vst.add.f32.msk $0xffff, v0  }
0x150: {  	v0 =	vld [tilespmem:s7+$0x12FE0]  }
0x151: {  	[tilespmem:s7+$0x300] =	vst.add.f32.msk $0xffff, v1  }
0x152: {  	[tilespmem:s7+$0x310] =	vst.add.f32.msk $0xffff, v2  }
0x153: {  	[tilespmem:s7+$0x320] =	vst.add.f32.msk $0xffff, v3  }
0x154: {  	[tilespmem:s7+$0x330] =	vst.add.f32.msk $0xffff, v4  }
0x155: {  	[tilespmem:s7+$0x340] =	vst.add.f32.msk $0xffff, v5  }
0x156: {  	[tilespmem:s7+$0x350] =	vst.add.f32.msk $0xffff, v6  }
0x157: {  	[tilespmem:s7+$0x360] =	vst.add.f32.msk $0xffff, v7  }
0x158: {  	[tilespmem:s7+$0x370] =	vst.add.f32.msk $0xffff, v8  }
0x159: {  	[tilespmem:s7+$0x380] =	vst.add.f32.msk $0xffff, v9  }
0x15a: {  	[tilespmem:s7+$0x390] =	vst.add.f32.msk $0xffff, v10  }
0x15b: {  	[tilespmem:s7+$0x3A0] =	vst.add.f32.msk $0xffff, v11  }
0x15c: {  	[tilespmem:s7+$0x3B0] =	vst.add.f32.msk $0xffff, v12  }
0x15d: {  	[tilespmem:s7+$0x3C0] =	vst.add.f32.msk $0xffff, v13  }
0x15e: {  	s12 =	simm.s32 $0x0;
	s0 =	simm.s32 $0x400;
	[tilespmem:s7+$0x3D0] =	vst.add.f32.msk $0xffff, v14  }
.LBB2_10:
0x15f: {  	s12 =	sadd.s32 $0x2, s12;
	[tilespmem:s7+$0x3E0] =	vst.add.f32.msk $0xffff, v0;
	s7 =	sshra.s32 s0, $0x2  }
0x160: {  	v0 =	vld [tilespmem:s7+$0x12FF0];
	p0 =	slt.u32 s12, $0xC6  }
0x161: {  	v1 =	vld [tilespmem:s7+$0x12F00]  }
0x162: {  	v2 =	vld [tilespmem:s7+$0x12F10]  }
0x163: {  	v3 =	vld [tilespmem:s7+$0x12F20]  }
0x164: {  	v4 =	vld [tilespmem:s7+$0x12F30]  }
0x165: {  	[tilespmem:s7+$0x3F0] =	vst.add.f32.msk $0xffff, v0  }
0x166: {  	v5 =	vld [tilespmem:s7+$0x12F40]  }
0x167: {  	v6 =	vld [tilespmem:s7+$0x12F50]  }
0x168: {  	v7 =	vld [tilespmem:s7+$0x12F60]  }
0x169: {  	v8 =	vld [tilespmem:s7+$0x12F70]  }
0x16a: {  	v9 =	vld [tilespmem:s7+$0x12F80]  }
0x16b: {  	v10 =	vld [tilespmem:s7+$0x12F90]  }
0x16c: {  	v11 =	vld [tilespmem:s7+$0x12FA0]  }
0x16d: {  	v12 =	vld [tilespmem:s7+$0x12FB0]  }
0x16e: {  	v13 =	vld [tilespmem:s7+$0x12FC0]  }
0x16f: {  	v14 =	vld [tilespmem:s7+$0x12FD0]  }
0x170: {  	v0 =	vld [tilespmem:s7+$0x12FE0]  }
0x171: {  	[tilespmem:s7+$0x300] =	vst.add.f32.msk $0xffff, v1  }
0x172: {  	[tilespmem:s7+$0x310] =	vst.add.f32.msk $0xffff, v2  }
0x173: {  	[tilespmem:s7+$0x320] =	vst.add.f32.msk $0xffff, v3  }
0x174: {  	[tilespmem:s7+$0x330] =	vst.add.f32.msk $0xffff, v4  }
0x175: {  	[tilespmem:s7+$0x340] =	vst.add.f32.msk $0xffff, v5  }
0x176: {  	[tilespmem:s7+$0x350] =	vst.add.f32.msk $0xffff, v6  }
0x177: {  	[tilespmem:s7+$0x360] =	vst.add.f32.msk $0xffff, v7  }
0x178: {  	[tilespmem:s7+$0x370] =	vst.add.f32.msk $0xffff, v8  }
0x179: {  	[tilespmem:s7+$0x380] =	vst.add.f32.msk $0xffff, v9  }
.Ltmp4:
0x17a: {  	[tilespmem:s7+$0x390] =	vst.add.f32.msk $0xffff, v10;
	(pc) =	sbr.rel @p0 .LBB2_10-.Ltmp4, $4  }
0x17b: {  	[tilespmem:s7+$0x3A0] =	vst.add.f32.msk $0xffff, v11  }
0x17c: {  	[tilespmem:s7+$0x3B0] =	vst.add.f32.msk $0xffff, v12  }
0x17d: {  	[tilespmem:s7+$0x3C0] =	vst.add.f32.msk $0xffff, v13  }
0x17e: {  	s0 =	sadd.s32 $0x400, s0;
	[tilespmem:s7+$0x3D0] =	vst.add.f32.msk $0xffff, v14  }
0x17f: {  	[tilespmem:s7+$0x3E0] =	vst.add.f32.msk $0xffff, v0;
	s0 =	simm.s32 $0x0;
	s16 =	rddreg [dreg:$0x7]  }
0x180: {  	[hbm4b:s16+s0] =	stream.linear.scatter [tilespmem:s19], [sflag:$0x7], $0x6400, $0x38;
	[tilespmem:$0x19300] =	vst v63  }
0x181: {  	_ =	swait.ge [sflag:s2], $0x3200  }
0x182: {  	[sflag:s2] =	ssyncset.done $0x0  }
0x183: {  	[sflag:s2] =	ssyncadd.s32 $0xFFFFCE00  }
0x184: {  	_ =	swait.ge [sflag:s2], $0x3200  }
0x185: {  	[sflag:s2] =	ssyncset.done $0x0  }
0x186: {  	s7 =	simm.s32 $0x0;
	[sflag:s2] =	ssyncadd.s32 $0xFFFFCE00  }
0x187: {  	v0 =	vld [tilespmem:s7+$0x12FF0]  }
0x188: {  	v1 =	vld [tilespmem:s7+$0x12F00]  }
0x189: {  	v2 =	vld [tilespmem:s7+$0x12F10]  }
0x18a: {  	v3 =	vld [tilespmem:s7+$0x12F20]  }
0x18b: {  	v4 =	vld [tilespmem:s7+$0x12F30]  }
0x18c: {  	v5 =	vld [tilespmem:s7+$0x12F40]  }
0x18d: {  	v6 =	vld [tilespmem:s7+$0x12F50]  }
0x18e: {  	v7 =	vld [tilespmem:s7+$0x12F60]  }
0x18f: {  	v8 =	vld [tilespmem:s7+$0x12F70]  }
0x190: {  	v9 =	vld [tilespmem:s7+$0x12F80]  }
0x191: {  	v10 =	vld [tilespmem:s7+$0x12F90]  }
0x192: {  	v11 =	vld [tilespmem:s7+$0x12FA0]  }
0x193: {  	v12 =	vld [tilespmem:s7+$0x12FB0]  }
0x194: {  	v13 =	vld [tilespmem:s7+$0x12FC0]  }
0x195: {  	v14 =	vld [tilespmem:s7+$0x12FD0]  }
0x196: {  	[tilespmem:s7+$0x67F0] =	vst.add.f32.msk $0xffff, v0  }
0x197: {  	v0 =	vld [tilespmem:s7+$0x12FE0]  }
0x198: {  	[tilespmem:s7+$0x6700] =	vst.add.f32.msk $0xffff, v1  }
0x199: {  	[tilespmem:s7+$0x6710] =	vst.add.f32.msk $0xffff, v2  }
0x19a: {  	[tilespmem:s7+$0x6720] =	vst.add.f32.msk $0xffff, v3  }
0x19b: {  	[tilespmem:s7+$0x6730] =	vst.add.f32.msk $0xffff, v4  }
0x19c: {  	[tilespmem:s7+$0x6740] =	vst.add.f32.msk $0xffff, v5  }
0x19d: {  	[tilespmem:s7+$0x6750] =	vst.add.f32.msk $0xffff, v6  }
0x19e: {  	[tilespmem:s7+$0x6760] =	vst.add.f32.msk $0xffff, v7  }
0x19f: {  	[tilespmem:s7+$0x6770] =	vst.add.f32.msk $0xffff, v8  }
0x1a0: {  	[tilespmem:s7+$0x6780] =	vst.add.f32.msk $0xffff, v9  }
0x1a1: {  	[tilespmem:s7+$0x6790] =	vst.add.f32.msk $0xffff, v10  }
0x1a2: {  	[tilespmem:s7+$0x67A0] =	vst.add.f32.msk $0xffff, v11  }
0x1a3: {  	[tilespmem:s7+$0x67B0] =	vst.add.f32.msk $0xffff, v12  }
0x1a4: {  	[tilespmem:s7+$0x67C0] =	vst.add.f32.msk $0xffff, v13  }
0x1a5: {  	s12 =	simm.s32 $0x0;
	s0 =	simm.s32 $0x400;
	[tilespmem:s7+$0x67D0] =	vst.add.f32.msk $0xffff, v14  }
.LBB2_12:
0x1a6: {  	s12 =	sadd.s32 $0x2, s12;
	[tilespmem:s7+$0x67E0] =	vst.add.f32.msk $0xffff, v0;
	s7 =	sshra.s32 s0, $0x2  }
0x1a7: {  	v0 =	vld [tilespmem:s7+$0x12FF0];
	p0 =	slt.u32 s12, $0xC6  }
0x1a8: {  	v1 =	vld [tilespmem:s7+$0x12F00]  }
0x1a9: {  	v2 =	vld [tilespmem:s7+$0x12F10]  }
0x1aa: {  	v3 =	vld [tilespmem:s7+$0x12F20]  }
0x1ab: {  	v4 =	vld [tilespmem:s7+$0x12F30]  }
0x1ac: {  	[tilespmem:s7+$0x67F0] =	vst.add.f32.msk $0xffff, v0  }
0x1ad: {  	v5 =	vld [tilespmem:s7+$0x12F40]  }
0x1ae: {  	v6 =	vld [tilespmem:s7+$0x12F50]  }
0x1af: {  	v7 =	vld [tilespmem:s7+$0x12F60]  }
0x1b0: {  	v8 =	vld [tilespmem:s7+$0x12F70]  }
0x1b1: {  	v9 =	vld [tilespmem:s7+$0x12F80]  }
0x1b2: {  	v10 =	vld [tilespmem:s7+$0x12F90]  }
0x1b3: {  	v11 =	vld [tilespmem:s7+$0x12FA0]  }
0x1b4: {  	v12 =	vld [tilespmem:s7+$0x12FB0]  }
0x1b5: {  	v13 =	vld [tilespmem:s7+$0x12FC0]  }
0x1b6: {  	v14 =	vld [tilespmem:s7+$0x12FD0]  }
0x1b7: {  	v0 =	vld [tilespmem:s7+$0x12FE0]  }
0x1b8: {  	[tilespmem:s7+$0x6700] =	vst.add.f32.msk $0xffff, v1  }
0x1b9: {  	[tilespmem:s7+$0x6710] =	vst.add.f32.msk $0xffff, v2  }
0x1ba: {  	[tilespmem:s7+$0x6720] =	vst.add.f32.msk $0xffff, v3  }
0x1bb: {  	[tilespmem:s7+$0x6730] =	vst.add.f32.msk $0xffff, v4  }
0x1bc: {  	[tilespmem:s7+$0x6740] =	vst.add.f32.msk $0xffff, v5  }
0x1bd: {  	[tilespmem:s7+$0x6750] =	vst.add.f32.msk $0xffff, v6  }
0x1be: {  	[tilespmem:s7+$0x6760] =	vst.add.f32.msk $0xffff, v7  }
0x1bf: {  	[tilespmem:s7+$0x6770] =	vst.add.f32.msk $0xffff, v8  }
0x1c0: {  	[tilespmem:s7+$0x6780] =	vst.add.f32.msk $0xffff, v9  }
.Ltmp5:
0x1c1: {  	[tilespmem:s7+$0x6790] =	vst.add.f32.msk $0xffff, v10;
	(pc) =	sbr.rel @p0 .LBB2_12-.Ltmp5, $4  }
0x1c2: {  	[tilespmem:s7+$0x67A0] =	vst.add.f32.msk $0xffff, v11  }
0x1c3: {  	[tilespmem:s7+$0x67B0] =	vst.add.f32.msk $0xffff, v12  }
0x1c4: {  	[tilespmem:s7+$0x67C0] =	vst.add.f32.msk $0xffff, v13  }
0x1c5: {  	s0 =	sadd.s32 $0x400, s0;
	[tilespmem:s7+$0x67D0] =	vst.add.f32.msk $0xffff, v14  }
0x1c6: {  	[tilespmem:s7+$0x67E0] =	vst.add.f32.msk $0xffff, v0;
	s0 =	rddreg [dreg:$0x8];
	s12 =	simm.s32 $0x9  }
0x1c7: {  	[hbm4b:s0+s5] =	stream.linear.scatter [tilespmem:s25], [sflag:$0x8], $0x6400, $0x38;
	[tilespmem:$0x19300] =	vst v63  }
0x1c8: {  	_ =	swait.ge [sflag:s12], $0x6400  }
0x1c9: {  	[sflag:s12] =	ssyncset.done $0x0  }
0x1ca: {  	[sflag:s12] =	ssyncadd.s32 $0xFFFF9C00  }
0x1cb: {  	_ =	swait.ge [sflag:s15], $0x6400  }
0x1cc: {  	[sflag:s15] =	ssyncset.done $0x0  }
0x1cd: {  	[sflag:s15] =	ssyncadd.s32 $0xFFFF9C00  }
0x1ce: {  	_ =	swait.ge [sflag:s13], $0x6400  }
0x1cf: {  	s14 =	rddreg [dreg:$0xa]  }
0x1d0: {  	s16 =	rddreg [dreg:$0x9];
	s7 =	sadd.s32 $0x1, s14  }
0x1d1: {  	p0 =	sne.s32 s7, s16  }
.Ltmp6:
0x1d2: {  	_ = 	snop;
	(pc) =	sbr.rel @p0 .LBB2_1-.Ltmp6, $3  }
0x1d3: {  	_ =	sdelay $0x1  }
0x1d4: {  	[sflag:s13] =	ssyncset.done $0x0  }
0x1d5: {  	[sflag:s13] =	ssyncadd.s32 $0xFFFF9C00  }
0x1d6: {  	_ =	sfence.sel $0x180000  }
0x1d7: {  	[bflag:$0x0] =	sbarrier.arrive $0xFFFF  }
0x1d8: {  	_ =	strace $0x90000047  }
0x1d9: {  	s0 =	stileid.u32;
	[bflag:$0x2] =	sbarrier.arrive $0xFFFF  }
0x1da: {  	p0 =	sne.s32 s0, $0x0;
	s0 =	rddreg [dreg:$0x4]  }
0x1db: {  	s0 =	sadd.s32 @!p0 $0x100000, s0  }
0x1dc: {  	[sflag:s0] =	ssyncadd.tile.s32 @!p0 $0x1;
	_ =	shalt  }
.Lfunc_end2:
_tile_overlayer_lowered:
.L_overlay_start_2:
0x1dd: {  	(tag) =	ssettag $0x2  }
0x1de: {  	s0 =	rddreg [dreg:$0x0];
	s2 =	stileid.u32  }
0x1df: {  	s1 =	rddreg [dreg:$0x1];
	p0 =	sne.s32 s2, $0x0  }
0x1e0: {  	s3 =	rddreg [dreg:$0x2];
	[bflag:$0x3] =	sbarrier.arrive $0xFFFF;
	s2 =	simm.s32 @!p0 $0x1C0A  }
0x1e1: {  	[timem:s3], [sflag:s2] =	dma.local @!p0 [hbm:s0], s1  }
0x1e2: {  	s0 =	simm.s32 @!p0 $0xA  }
0x1e3: {  	_ =	swait.ge @!p0 [sflag:s0], s1  }
0x1e4: {  	s1 =	ssub.s32 @!p0 $0x0, s1;
	[sflag:s0] =	ssyncset.done @!p0 $0x0  }
0x1e5: {  	[sflag:s0] =	ssyncadd.s32 @!p0 s1  }
0x1e6: {  	[bflag:$0x3] =	sbarrier.arrive $0xFFFF  }
0x1e7: {  	_ =	shalt  }

</sc_bundles>
